<compile_context>
chip_gen: v7x
topology: tpu7x:2x2x1
jax: 0.10.2.dev20260603
libtpu: 0.0.44.dev20260713+nightly
codegen_flags: <defaults>
</compile_context>

<pallas_src>
import functools

import jax
import jax.numpy as jnp
from jax import lax
from jax.experimental import pallas as pl
from jax.experimental.pallas import tpu as pltpu
from jax.experimental.pallas import tpu_sc as plsc

_HID = 128
_EMB = 96
_ZPAD = 96
_NTAG = 3
_TROWS = _ZPAD * _NTAG

_NC = 2
_NS = 16
_NW = _NC * _NS
_CHUNK = 128

_BE = 10000


def _table_body(emb_ref, tagt_ref, w_ref, b_ref, o_ref):
    a = jnp.dot(emb_ref[...], w_ref[:_EMB, :], preferred_element_type=jnp.float32)
    bt = jnp.dot(tagt_ref[...], w_ref[_EMB:, :], preferred_element_type=jnp.float32)
    bt = bt + b_ref[...]
    for t in range(_NTAG):
        x = a + bt[t : t + 1, :]
        o_ref[pl.ds(t * _ZPAD, _ZPAD), :] = x * jax.nn.sigmoid(x)


def _edge_body(rp_ref, ea_ref, w1_ref, b1_ref, w2_ref, b2_ref, o_ref):
    a = jnp.dot(rp_ref[...], w1_ref[...], preferred_element_type=jnp.float32)
    a = a + b1_ref[...]
    b = jnp.dot(ea_ref[...], w2_ref[...], preferred_element_type=jnp.float32)
    b = b + b2_ref[...]
    x = jnp.concatenate([a, b], axis=1)
    o_ref[...] = x * jax.nn.sigmoid(x)


def _node_gather_body(per_w, n, z_hbm, tag_hbm, table_hbm, out_hbm,
                      tbl_sh, z_v, t_v, i0, i1, r0, r1, g0, g1, w0, w1):
    wid = lax.axis_index("s") * _NC + lax.axis_index("c")

    @pl.when(lax.axis_index("s") == 0)
    def _():
        pltpu.sync_copy(table_hbm, tbl_sh)
    plsc.subcore_barrier()

    base = jnp.where(wid * per_w + per_w <= n, wid * per_w, n - per_w)
    pltpu.sync_copy(z_hbm.at[pl.ds(base, per_w)], z_v)
    pltpu.sync_copy(tag_hbm.at[pl.ds(base, per_w)], t_v)

    nch = per_w // _CHUNK
    ib = [i0, i1]
    rb = [r0, r1]
    gs = [g0, g1]
    ws = [w0, w1]
    gh = [None] * nch
    wh = [None] * nch

    def comp_idx(ch):
        b = ch * _CHUNK
        dst = ib[ch % 2]
        for j in range(_CHUNK // 16):
            sl = pl.ds(b + j * 16, 16)
            dst[pl.ds(j * 16, 16)] = t_v[sl] * _ZPAD + z_v[sl]

    comp_idx(0)
    gh[0] = pltpu.async_copy(tbl_sh.at[ib[0]], rb[0], gs[0])
    for ch in range(nch):
        p = ch % 2
        q = (ch + 1) % 2
        if ch + 1 < nch:
            if ch >= 1:
                wh[ch - 1].wait()
            comp_idx(ch + 1)
            gh[ch + 1] = pltpu.async_copy(tbl_sh.at[ib[q]], rb[q], gs[q])
        gh[ch].wait()
        wh[ch] = pltpu.async_copy(
            rb[p], out_hbm.at[pl.ds(base + ch * _CHUNK, _CHUNK)], ws[p])
    if nch >= 2:
        wh[nch - 2].wait()
    wh[nch - 1].wait()


def kernel(z, rel_pos, edge_attr, tag, emb_table, tag_table,
           lin_W, lin_b, e1_W, e1_b, e12_W, e12_b):
    n = z.shape[0]
    e_rows = rel_pos.shape[0]
    ng = edge_attr.shape[1]
    nf1 = e1_W.shape[1]
    nf2 = e12_W.shape[1]

    emb_pad = jnp.pad(emb_table, ((0, _ZPAD - emb_table.shape[0]), (0, 0)))
    table = pl.pallas_call(
        _table_body,
        out_shape=jax.ShapeDtypeStruct((_TROWS, _HID), jnp.float32),
    )(emb_pad, tag_table, lin_W, lin_b.reshape(1, _HID))

    per_w = ((n + _NW * _CHUNK - 1) // (_NW * _CHUNK)) * _CHUNK

    node_fn = pl.kernel(
        functools.partial(_node_gather_body, per_w, n),
        out_type=jax.ShapeDtypeStruct((n, _HID), jnp.float32),
        mesh=plsc.VectorSubcoreMesh(core_axis_name="c", subcore_axis_name="s"),
        scratch_types=[
            pltpu.VMEM_SHARED((_TROWS, _HID), jnp.float32),
            pltpu.VMEM((per_w,), jnp.int32),
            pltpu.VMEM((per_w,), jnp.int32),
            pltpu.VMEM((_CHUNK,), jnp.int32),
            pltpu.VMEM((_CHUNK,), jnp.int32),
            pltpu.VMEM((_CHUNK, _HID), jnp.float32),
            pltpu.VMEM((_CHUNK, _HID), jnp.float32),
            pltpu.SemaphoreType.DMA,
            pltpu.SemaphoreType.DMA,
            pltpu.SemaphoreType.DMA,
            pltpu.SemaphoreType.DMA,
        ],
    )
    h = node_fn(z, tag, table)

    grid = e_rows // _BE
    e_out = pl.pallas_call(
        _edge_body,
        grid=(grid,),
        in_specs=[
            pl.BlockSpec((_BE, 3), lambda i: (i, 0)),
            pl.BlockSpec((_BE, ng), lambda i: (i, 0)),
            pl.BlockSpec((3, nf1), lambda i: (0, 0)),
            pl.BlockSpec((1, nf1), lambda i: (0, 0)),
            pl.BlockSpec((ng, nf2), lambda i: (0, 0)),
            pl.BlockSpec((1, nf2), lambda i: (0, 0)),
        ],
        out_specs=pl.BlockSpec((_BE, nf1 + nf2), lambda i: (i, 0)),
        out_shape=jax.ShapeDtypeStruct((e_rows, nf1 + nf2), jnp.float32),
    )(rel_pos, edge_attr, e1_W, e1_b.reshape(1, nf1),
      e12_W, e12_b.reshape(1, nf2))

    return (h, e_out)

# --- scband reference (transcript-rebuilt; emitter-appended) ---
"""Pipeline reference for scband-embedding-block-4604204941817 (READ-ONLY COPY).

The authoritative reference and input builder live on the scoring server;
editing this copy changes nothing except your own understanding.
"""

import jax, jax.numpy as jnp
import numpy as np


def swish(x):
    return x * jax.nn.sigmoid(x)


def setup_inputs(seed: int = 0) -> dict:
    key = jax.random.key(seed)
    ks = jax.random.split(key, 12)
    N = 50000
    E = 800000
    num_gaussians = 50
    num_filters = 128
    hidden = 128
    tag_hidden = 32
    emb_dim = hidden - tag_hidden  # 96 (phys_embeds=False, pg_hidden=0)
    nf1 = num_filters // 2  # 64
    nf2 = num_filters - nf1  # 64

    z = jax.random.randint(ks[0], (N,), 0, 85, dtype=jnp.int32)
    tag = jax.random.randint(ks[1], (N,), 0, 3, dtype=jnp.int32)
    rel_pos = jax.random.normal(ks[2], (E, 3), dtype=jnp.float32)
    edge_attr = jax.random.normal(ks[3], (E, num_gaussians), dtype=jnp.float32)

    # nn.Embedding default init: N(0,1)
    emb_table = jax.random.normal(ks[4], (85, emb_dim), dtype=jnp.float32)
    tag_table = jax.random.normal(ks[5], (3, tag_hidden), dtype=jnp.float32)

    # xavier_uniform for lin and lin_e1; store as [in, out]
    def xavier(k, fan_in, fan_out):
        a = float(np.sqrt(6.0 / (fan_in + fan_out)))
        return jax.random.uniform(k, (fan_in, fan_out), jnp.float32, -a, a)

    lin_W = xavier(ks[6], hidden, hidden)
    lin_b = jnp.zeros((hidden,), jnp.float32)
    e1_W = xavier(ks[7], 3, nf1)
    e1_b = jnp.zeros((nf1,), jnp.float32)
    # lin_e12: default nn.Linear init (kaiming uniform-ish); use uniform(-1/sqrt(fan_in), ...)
    bnd = 1.0 / float(np.sqrt(num_gaussians))
    e12_W = jax.random.uniform(ks[8], (num_gaussians, nf2), jnp.float32, -bnd, bnd)
    e12_b = jax.random.uniform(ks[9], (nf2,), jnp.float32, -bnd, bnd)

    return {
        "z": z, "rel_pos": rel_pos, "edge_attr": edge_attr, "tag": tag,
        "emb_table": emb_table, "tag_table": tag_table,
        "lin_W": lin_W, "lin_b": lin_b,
        "e1_W": e1_W, "e1_b": e1_b, "e12_W": e12_W, "e12_b": e12_b,
    }


def reference(z, rel_pos, edge_attr, tag, emb_table, tag_table, lin_W, lin_b, e1_W, e1_b, e12_W, e12_b):
    # edge branch
    rp = rel_pos @ e1_W + e1_b
    ea = edge_attr @ e12_W + e12_b
    e = swish(jnp.concatenate([rp, ea], axis=1))
    # node branch: embedding lookups (gathers)
    h = jnp.take(emb_table, z, axis=0)
    h_tag = jnp.take(tag_table, tag, axis=0)
    h = jnp.concatenate([h, h_tag], axis=1)
    h = swish(h @ lin_W + lin_b)
    return (h, e)

if __name__ == "__main__":
    import jax
    _d = setup_inputs()
    print(jax.jit(kernel)(*tuple(_d.values())))

</pallas_src>

<mosaic_0001>
#map = affine_map<(d0, d1) -> (0)>
#map1 = affine_map<(d0, d1) -> (0, 0)>
module attributes {stable_mosaic.version = 14 : i64} {
  func.func @_node_gather_body(%arg0: i32, %arg1: i32, %arg2: memref<50000xi32, #tpu.memory_space<hbm>>, %arg3: memref<50000xi32, #tpu.memory_space<hbm>>, %arg4: memref<288x128xf32, #tpu.memory_space<hbm>>, %arg5: memref<50000x128xf32, #tpu.memory_space<hbm>>, %arg6: memref<288x128xf32, #tpu.memory_space<vmem_shared>>, %arg7: memref<1664xi32, #tpu.memory_space<vmem>>, %arg8: memref<1664xi32, #tpu.memory_space<vmem>>, %arg9: memref<128xi32, #tpu.memory_space<vmem>>, %arg10: memref<128xi32, #tpu.memory_space<vmem>>, %arg11: memref<128x128xf32, #tpu.memory_space<vmem>>, %arg12: memref<128x128xf32, #tpu.memory_space<vmem>>, %arg13: memref<!tpu.dma_semaphore, #tpu.memory_space<semaphore_mem>>, %arg14: memref<!tpu.dma_semaphore, #tpu.memory_space<semaphore_mem>>, %arg15: memref<!tpu.dma_semaphore, #tpu.memory_space<semaphore_mem>>, %arg16: memref<!tpu.dma_semaphore, #tpu.memory_space<semaphore_mem>>) attributes {dimension_semantics = [#tpu.dimension_semantics<core_parallel>, #tpu.dimension_semantics<subcore_parallel>], iteration_bounds = array<i64: 2, 16>, scalar_prefetch = 0 : i64, scratch_operands = 11 : i64, tpu.core_type = #tpu.core_type<sc_vector_subcore>, window_params = [{transform_indices = #map}, {transform_indices = #map}, {transform_indices = #map1}, {transform_indices = #map1}]} {
    %mul3A = arith.constant 2 : i32
    %mul3A_0 = arith.muli %arg1, %mul3A : i32
    %add3A = arith.addi %mul3A_0, %arg0 : i32
    %eq3A = arith.constant 0 : i32
    %eq3A_1 = arith.cmpi eq, %arg1, %eq3A : i32
    %convert_element_type3A = arith.extui %eq3A_1 : i1 to i32
    %cond3A = arith.constant 0 : i32
    %cond3A_2 = arith.cmpi ne, %convert_element_type3A, %cond3A : i32
    scf.if %cond3A_2 {
      "tpu.region"() ({
        %run_scoped3A = tpu.sem_alloc : memref<!tpu.dma_semaphore, #tpu.memory_space<semaphore_mem>>
        tpu.enqueue_dma source(%arg4 : memref<288x128xf32, #tpu.memory_space<hbm>>) target(%arg6 : memref<288x128xf32, #tpu.memory_space<vmem_shared>>) target_semaphore(%run_scoped3A : memref<!tpu.dma_semaphore, #tpu.memory_space<semaphore_mem>>)
        tpu.wait_dma2 semaphore(%run_scoped3A : memref<!tpu.dma_semaphore, #tpu.memory_space<semaphore_mem>>) src(%arg4 : memref<288x128xf32, #tpu.memory_space<hbm>>) dst(%arg6 : memref<288x128xf32, #tpu.memory_space<vmem_shared>>)
        tpu.yield
      }) : () -> ()
    } else {
    }
    %barrier3A = arith.constant 0 : index
    tpu.barrier barrier_id(%barrier3A)
    %mul3A_3 = arith.constant 1664 : i32
    %mul3A_4 = arith.muli %add3A, %mul3A_3 : i32
    %add3A_5 = arith.constant 1664 : i32
    %add3A_6 = arith.addi %mul3A_4, %add3A_5 : i32
    %le3A = arith.constant 50000 : i32
    %le3A_7 = arith.cmpi sle, %add3A_6, %le3A : i32
    %mul3A_8 = arith.constant 1664 : i32
    %mul3A_9 = arith.muli %add3A, %mul3A_8 : i32
    %jit3A = arith.constant 48336 : i32
    %select_n3A = arith.select %le3A_7, %mul3A_9, %jit3A : i32
    "tpu.region"() ({
      %run_scoped3A = tpu.sem_alloc : memref<!tpu.dma_semaphore, #tpu.memory_space<semaphore_mem>>
      %dma_start3A_1670 = tpu.memref_slice %arg2[%select_n3A] : memref<50000xi32, #tpu.memory_space<hbm>> -> memref<1664xi32, #tpu.memory_space<hbm>>
      %dma_start3A_1671 = tpu.memref_slice %arg2[%select_n3A] : memref<50000xi32, #tpu.memory_space<hbm>> -> memref<1664xi32, #tpu.memory_space<hbm>>
      tpu.enqueue_dma source(%dma_start3A_1671 : memref<1664xi32, #tpu.memory_space<hbm>>) target(%arg7 : memref<1664xi32, #tpu.memory_space<vmem>>) target_semaphore(%run_scoped3A : memref<!tpu.dma_semaphore, #tpu.memory_space<semaphore_mem>>)
      %dma_wait3A_1672 = tpu.memref_slice %arg2[%select_n3A] : memref<50000xi32, #tpu.memory_space<hbm>> -> memref<1664xi32, #tpu.memory_space<hbm>>
      %dma_wait3A_1673 = tpu.memref_slice %arg2[%select_n3A] : memref<50000xi32, #tpu.memory_space<hbm>> -> memref<1664xi32, #tpu.memory_space<hbm>>
      tpu.wait_dma2 semaphore(%run_scoped3A : memref<!tpu.dma_semaphore, #tpu.memory_space<semaphore_mem>>) src(%dma_wait3A_1673 : memref<1664xi32, #tpu.memory_space<hbm>>) dst(%arg7 : memref<1664xi32, #tpu.memory_space<vmem>>)
      tpu.yield
    }) : () -> ()
    "tpu.region"() ({
      %run_scoped3A = tpu.sem_alloc : memref<!tpu.dma_semaphore, #tpu.memory_space<semaphore_mem>>
      %dma_start3A_1670 = tpu.memref_slice %arg3[%select_n3A] : memref<50000xi32, #tpu.memory_space<hbm>> -> memref<1664xi32, #tpu.memory_space<hbm>>
      %dma_start3A_1671 = tpu.memref_slice %arg3[%select_n3A] : memref<50000xi32, #tpu.memory_space<hbm>> -> memref<1664xi32, #tpu.memory_space<hbm>>
      tpu.enqueue_dma source(%dma_start3A_1671 : memref<1664xi32, #tpu.memory_space<hbm>>) target(%arg8 : memref<1664xi32, #tpu.memory_space<vmem>>) target_semaphore(%run_scoped3A : memref<!tpu.dma_semaphore, #tpu.memory_space<semaphore_mem>>)
      %dma_wait3A_1672 = tpu.memref_slice %arg3[%select_n3A] : memref<50000xi32, #tpu.memory_space<hbm>> -> memref<1664xi32, #tpu.memory_space<hbm>>
      %dma_wait3A_1673 = tpu.memref_slice %arg3[%select_n3A] : memref<50000xi32, #tpu.memory_space<hbm>> -> memref<1664xi32, #tpu.memory_space<hbm>>
      tpu.wait_dma2 semaphore(%run_scoped3A : memref<!tpu.dma_semaphore, #tpu.memory_space<semaphore_mem>>) src(%dma_wait3A_1673 : memref<1664xi32, #tpu.memory_space<hbm>>) dst(%arg8 : memref<1664xi32, #tpu.memory_space<vmem>>)
      tpu.yield
    }) : () -> ()
    %get3A = arith.constant 0 : index
    %get3A_10 = tpu.vector_load %arg8[%get3A] {strides = array<i32>} : memref<1664xi32, #tpu.memory_space<vmem>>, vector<16xi32>,
    %get3A_11 = vector.shape_cast %get3A_10 : vector<16xi32> to vector<16xi32>
    %mul3A_12 = arith.constant 96 : i32
    %mul3A_13 = vector.broadcast %mul3A_12 : i32 to vector<16xi32>
    %mul3A_14 = arith.muli %get3A_11, %mul3A_13 : vector<16xi32>
    %get3A_15 = arith.constant 0 : index
    %get3A_16 = tpu.vector_load %arg7[%get3A_15] {strides = array<i32>} : memref<1664xi32, #tpu.memory_space<vmem>>, vector<16xi32>,
    %get3A_17 = vector.shape_cast %get3A_16 : vector<16xi32> to vector<16xi32>
    %add3A_18 = arith.addi %mul3A_14, %get3A_17 : vector<16xi32>
    %swap3A = arith.constant 0 : index
    %swap3A_19 = tpu.vector_load %arg9[%swap3A] {strides = array<i32>} : memref<128xi32, #tpu.memory_space<vmem>>, vector<16xi32>,
    %swap3A_20 = vector.shape_cast %swap3A_19 : vector<16xi32> to vector<16xi32>
    %swap3A_21 = vector.shape_cast %add3A_18 : vector<16xi32> to vector<16xi32>
    tpu.vector_store %arg9[%swap3A], %swap3A_21 {strides = array<i32>} : memref<128xi32, #tpu.memory_space<vmem>>, vector<16xi32>,
    %get3A_22 = arith.constant 16 : index
    %get3A_23 = tpu.vector_load %arg8[%get3A_22] {strides = array<i32>} : memref<1664xi32, #tpu.memory_space<vmem>>, vector<16xi32>,
    %get3A_24 = vector.shape_cast %get3A_23 : vector<16xi32> to vector<16xi32>
    %mul3A_25 = arith.constant 96 : i32
    %mul3A_26 = vector.broadcast %mul3A_25 : i32 to vector<16xi32>
    %mul3A_27 = arith.muli %get3A_24, %mul3A_26 : vector<16xi32>
    %get3A_28 = arith.constant 16 : index
    %get3A_29 = tpu.vector_load %arg7[%get3A_28] {strides = array<i32>} : memref<1664xi32, #tpu.memory_space<vmem>>, vector<16xi32>,
    %get3A_30 = vector.shape_cast %get3A_29 : vector<16xi32> to vector<16xi32>
    %add3A_31 = arith.addi %mul3A_27, %get3A_30 : vector<16xi32>
    %swap3A_32 = arith.constant 16 : index
    %swap3A_33 = tpu.vector_load %arg9[%swap3A_32] {strides = array<i32>} : memref<128xi32, #tpu.memory_space<vmem>>, vector<16xi32>,
    %swap3A_34 = vector.shape_cast %swap3A_33 : vector<16xi32> to vector<16xi32>
    %swap3A_35 = vector.shape_cast %add3A_31 : vector<16xi32> to vector<16xi32>
    tpu.vector_store %arg9[%swap3A_32], %swap3A_35 {strides = array<i32>} : memref<128xi32, #tpu.memory_space<vmem>>, vector<16xi32>,
    %get3A_36 = arith.constant 32 : index
    %get3A_37 = tpu.vector_load %arg8[%get3A_36] {strides = array<i32>} : memref<1664xi32, #tpu.memory_space<vmem>>, vector<16xi32>,
    %get3A_38 = vector.shape_cast %get3A_37 : vector<16xi32> to vector<16xi32>
    %mul3A_39 = arith.constant 96 : i32
    %mul3A_40 = vector.broadcast %mul3A_39 : i32 to vector<16xi32>
    %mul3A_41 = arith.muli %get3A_38, %mul3A_40 : vector<16xi32>
    %get3A_42 = arith.constant 32 : index
    %get3A_43 = tpu.vector_load %arg7[%get3A_42] {strides = array<i32>} : memref<1664xi32, #tpu.memory_space<vmem>>, vector<16xi32>,
    %get3A_44 = vector.shape_cast %get3A_43 : vector<16xi32> to vector<16xi32>
    %add3A_45 = arith.addi %mul3A_41, %get3A_44 : vector<16xi32>
    %swap3A_46 = arith.constant 32 : index
    %swap3A_47 = tpu.vector_load %arg9[%swap3A_46] {strides = array<i32>} : memref<128xi32, #tpu.memory_space<vmem>>, vector<16xi32>,
    %swap3A_48 = vector.shape_cast %swap3A_47 : vector<16xi32> to vector<16xi32>
    %swap3A_49 = vector.shape_cast %add3A_45 : vector<16xi32> to vector<16xi32>
    tpu.vector_store %arg9[%swap3A_46], %swap3A_49 {strides = array<i32>} : memref<128xi32, #tpu.memory_space<vmem>>, vector<16xi32>,
    %get3A_50 = arith.constant 48 : index
    %get3A_51 = tpu.vector_load %arg8[%get3A_50] {strides = array<i32>} : memref<1664xi32, #tpu.memory_space<vmem>>, vector<16xi32>,
    %get3A_52 = vector.shape_cast %get3A_51 : vector<16xi32> to vector<16xi32>
    %mul3A_53 = arith.constant 96 : i32
    %mul3A_54 = vector.broadcast %mul3A_53 : i32 to vector<16xi32>
    %mul3A_55 = arith.muli %get3A_52, %mul3A_54 : vector<16xi32>
    %get3A_56 = arith.constant 48 : index
    %get3A_57 = tpu.vector_load %arg7[%get3A_56] {strides = array<i32>} : memref<1664xi32, #tpu.memory_space<vmem>>, vector<16xi32>,
    %get3A_58 = vector.shape_cast %get3A_57 : vector<16xi32> to vector<16xi32>
    %add3A_59 = arith.addi %mul3A_55, %get3A_58 : vector<16xi32>
    %swap3A_60 = arith.constant 48 : index
    %swap3A_61 = tpu.vector_load %arg9[%swap3A_60] {strides = array<i32>} : memref<128xi32, #tpu.memory_space<vmem>>, vector<16xi32>,
    %swap3A_62 = vector.shape_cast %swap3A_61 : vector<16xi32> to vector<16xi32>
    %swap3A_63 = vector.shape_cast %add3A_59 : vector<16xi32> to vector<16xi32>
    tpu.vector_store %arg9[%swap3A_60], %swap3A_63 {strides = array<i32>} : memref<128xi32, #tpu.memory_space<vmem>>, vector<16xi32>,
    %get3A_64 = arith.constant 64 : index
    %get3A_65 = tpu.vector_load %arg8[%get3A_64] {strides = array<i32>} : memref<1664xi32, #tpu.memory_space<vmem>>, vector<16xi32>,
    %get3A_66 = vector.shape_cast %get3A_65 : vector<16xi32> to vector<16xi32>
    %mul3A_67 = arith.constant 96 : i32
    %mul3A_68 = vector.broadcast %mul3A_67 : i32 to vector<16xi32>
    %mul3A_69 = arith.muli %get3A_66, %mul3A_68 : vector<16xi32>
    %get3A_70 = arith.constant 64 : index
    %get3A_71 = tpu.vector_load %arg7[%get3A_70] {strides = array<i32>} : memref<1664xi32, #tpu.memory_space<vmem>>, vector<16xi32>,
    %get3A_72 = vector.shape_cast %get3A_71 : vector<16xi32> to vector<16xi32>
    %add3A_73 = arith.addi %mul3A_69, %get3A_72 : vector<16xi32>
    %swap3A_74 = arith.constant 64 : index
    %swap3A_75 = tpu.vector_load %arg9[%swap3A_74] {strides = array<i32>} : memref<128xi32, #tpu.memory_space<vmem>>, vector<16xi32>,
    %swap3A_76 = vector.shape_cast %swap3A_75 : vector<16xi32> to vector<16xi32>
    %swap3A_77 = vector.shape_cast %add3A_73 : vector<16xi32> to vector<16xi32>
    tpu.vector_store %arg9[%swap3A_74], %swap3A_77 {strides = array<i32>} : memref<128xi32, #tpu.memory_space<vmem>>, vector<16xi32>,
    %get3A_78 = arith.constant 80 : index
    %get3A_79 = tpu.vector_load %arg8[%get3A_78] {strides = array<i32>} : memref<1664xi32, #tpu.memory_space<vmem>>, vector<16xi32>,
    %get3A_80 = vector.shape_cast %get3A_79 : vector<16xi32> to vector<16xi32>
    %mul3A_81 = arith.constant 96 : i32
    %mul3A_82 = vector.broadcast %mul3A_81 : i32 to vector<16xi32>
    %mul3A_83 = arith.muli %get3A_80, %mul3A_82 : vector<16xi32>
    %get3A_84 = arith.constant 80 : index
    %get3A_85 = tpu.vector_load %arg7[%get3A_84] {strides = array<i32>} : memref<1664xi32, #tpu.memory_space<vmem>>, vector<16xi32>,
    %get3A_86 = vector.shape_cast %get3A_85 : vector<16xi32> to vector<16xi32>
    %add3A_87 = arith.addi %mul3A_83, %get3A_86 : vector<16xi32>
    %swap3A_88 = arith.constant 80 : index
    %swap3A_89 = tpu.vector_load %arg9[%swap3A_88] {strides = array<i32>} : memref<128xi32, #tpu.memory_space<vmem>>, vector<16xi32>,
    %swap3A_90 = vector.shape_cast %swap3A_89 : vector<16xi32> to vector<16xi32>
    %swap3A_91 = vector.shape_cast %add3A_87 : vector<16xi32> to vector<16xi32>
    tpu.vector_store %arg9[%swap3A_88], %swap3A_91 {strides = array<i32>} : memref<128xi32, #tpu.memory_space<vmem>>, vector<16xi32>,
    %get3A_92 = arith.constant 96 : index
    %get3A_93 = tpu.vector_load %arg8[%get3A_92] {strides = array<i32>} : memref<1664xi32, #tpu.memory_space<vmem>>, vector<16xi32>,
    %get3A_94 = vector.shape_cast %get3A_93 : vector<16xi32> to vector<16xi32>
    %mul3A_95 = arith.constant 96 : i32
    %mul3A_96 = vector.broadcast %mul3A_95 : i32 to vector<16xi32>
    %mul3A_97 = arith.muli %get3A_94, %mul3A_96 : vector<16xi32>
    %get3A_98 = arith.constant 96 : index
    %get3A_99 = tpu.vector_load %arg7[%get3A_98] {strides = array<i32>} : memref<1664xi32, #tpu.memory_space<vmem>>, vector<16xi32>,
    %get3A_100 = vector.shape_cast %get3A_99 : vector<16xi32> to vector<16xi32>
    %add3A_101 = arith.addi %mul3A_97, %get3A_100 : vector<16xi32>
    %swap3A_102 = arith.constant 96 : index
    %swap3A_103 = tpu.vector_load %arg9[%swap3A_102] {strides = array<i32>} : memref<128xi32, #tpu.memory_space<vmem>>, vector<16xi32>,
    %swap3A_104 = vector.shape_cast %swap3A_103 : vector<16xi32> to vector<16xi32>
    %swap3A_105 = vector.shape_cast %add3A_101 : vector<16xi32> to vector<16xi32>
    tpu.vector_store %arg9[%swap3A_102], %swap3A_105 {strides = array<i32>} : memref<128xi32, #tpu.memory_space<vmem>>, vector<16xi32>,
    %get3A_106 = arith.constant 112 : index
    %get3A_107 = tpu.vector_load %arg8[%get3A_106] {strides = array<i32>} : memref<1664xi32, #tpu.memory_space<vmem>>, vector<16xi32>,
    %get3A_108 = vector.shape_cast %get3A_107 : vector<16xi32> to vector<16xi32>
    %mul3A_109 = arith.constant 96 : i32
    %mul3A_110 = vector.broadcast %mul3A_109 : i32 to vector<16xi32>
    %mul3A_111 = arith.muli %get3A_108, %mul3A_110 : vector<16xi32>
    %get3A_112 = arith.constant 112 : index
    %get3A_113 = tpu.vector_load %arg7[%get3A_112] {strides = array<i32>} : memref<1664xi32, #tpu.memory_space<vmem>>, vector<16xi32>,
    %get3A_114 = vector.shape_cast %get3A_113 : vector<16xi32> to vector<16xi32>
    %add3A_115 = arith.addi %mul3A_111, %get3A_114 : vector<16xi32>
    %swap3A_116 = arith.constant 112 : index
    %swap3A_117 = tpu.vector_load %arg9[%swap3A_116] {strides = array<i32>} : memref<128xi32, #tpu.memory_space<vmem>>, vector<16xi32>,
    %swap3A_118 = vector.shape_cast %swap3A_117 : vector<16xi32> to vector<16xi32>
    %swap3A_119 = vector.shape_cast %add3A_115 : vector<16xi32> to vector<16xi32>
    tpu.vector_store %arg9[%swap3A_116], %swap3A_119 {strides = array<i32>} : memref<128xi32, #tpu.memory_space<vmem>>, vector<16xi32>,
    %dma_start3A = arith.constant 0 : i32
    %dma_start3A_120 = arith.constant 0 : i32
    %dma_start3A_121 = tpu.memref_slice %arg6[%dma_start3A, %dma_start3A_120] : memref<288x128xf32, #tpu.memory_space<vmem_shared>> -> memref<288x128xf32, #tpu.memory_space<vmem_shared>>
    tpu.enqueue_indirect_dma source(%dma_start3A_121 : memref<288x128xf32, #tpu.memory_space<vmem_shared>>) target(%arg11 : memref<128x128xf32, #tpu.memory_space<vmem>>) offsets(%arg9 : memref<128xi32, #tpu.memory_space<vmem>>) semaphore(%arg13 : memref<!tpu.dma_semaphore, #tpu.memory_space<semaphore_mem>>)
    %get3A_122 = arith.constant 128 : index
    %get3A_123 = tpu.vector_load %arg8[%get3A_122] {strides = array<i32>} : memref<1664xi32, #tpu.memory_space<vmem>>, vector<16xi32>,
    %get3A_124 = vector.shape_cast %get3A_123 : vector<16xi32> to vector<16xi32>
    %mul3A_125 = arith.constant 96 : i32
    %mul3A_126 = vector.broadcast %mul3A_125 : i32 to vector<16xi32>
    %mul3A_127 = arith.muli %get3A_124, %mul3A_126 : vector<16xi32>
    %get3A_128 = arith.constant 128 : index
    %get3A_129 = tpu.vector_load %arg7[%get3A_128] {strides = array<i32>} : memref<1664xi32, #tpu.memory_space<vmem>>, vector<16xi32>,
    %get3A_130 = vector.shape_cast %get3A_129 : vector<16xi32> to vector<16xi32>
    %add3A_131 = arith.addi %mul3A_127, %get3A_130 : vector<16xi32>
    %swap3A_132 = arith.constant 0 : index
    %swap3A_133 = tpu.vector_load %arg10[%swap3A_132] {strides = array<i32>} : memref<128xi32, #tpu.memory_space<vmem>>, vector<16xi32>,
    %swap3A_134 = vector.shape_cast %swap3A_133 : vector<16xi32> to vector<16xi32>
    %swap3A_135 = vector.shape_cast %add3A_131 : vector<16xi32> to vector<16xi32>
    tpu.vector_store %arg10[%swap3A_132], %swap3A_135 {strides = array<i32>} : memref<128xi32, #tpu.memory_space<vmem>>, vector<16xi32>,
    %get3A_136 = arith.constant 144 : index
    %get3A_137 = tpu.vector_load %arg8[%get3A_136] {strides = array<i32>} : memref<1664xi32, #tpu.memory_space<vmem>>, vector<16xi32>,
    %get3A_138 = vector.shape_cast %get3A_137 : vector<16xi32> to vector<16xi32>
    %mul3A_139 = arith.constant 96 : i32
    %mul3A_140 = vector.broadcast %mul3A_139 : i32 to vector<16xi32>
    %mul3A_141 = arith.muli %get3A_138, %mul3A_140 : vector<16xi32>
    %get3A_142 = arith.constant 144 : index
    %get3A_143 = tpu.vector_load %arg7[%get3A_142] {strides = array<i32>} : memref<1664xi32, #tpu.memory_space<vmem>>, vector<16xi32>,
    %get3A_144 = vector.shape_cast %get3A_143 : vector<16xi32> to vector<16xi32>
    %add3A_145 = arith.addi %mul3A_141, %get3A_144 : vector<16xi32>
    %swap3A_146 = arith.constant 16 : index
    %swap3A_147 = tpu.vector_load %arg10[%swap3A_146] {strides = array<i32>} : memref<128xi32, #tpu.memory_space<vmem>>, vector<16xi32>,
    %swap3A_148 = vector.shape_cast %swap3A_147 : vector<16xi32> to vector<16xi32>
    %swap3A_149 = vector.shape_cast %add3A_145 : vector<16xi32> to vector<16xi32>
    tpu.vector_store %arg10[%swap3A_146], %swap3A_149 {strides = array<i32>} : memref<128xi32, #tpu.memory_space<vmem>>, vector<16xi32>,
    %get3A_150 = arith.constant 160 : index
    %get3A_151 = tpu.vector_load %arg8[%get3A_150] {strides = array<i32>} : memref<1664xi32, #tpu.memory_space<vmem>>, vector<16xi32>,
    %get3A_152 = vector.shape_cast %get3A_151 : vector<16xi32> to vector<16xi32>
    %mul3A_153 = arith.constant 96 : i32
    %mul3A_154 = vector.broadcast %mul3A_153 : i32 to vector<16xi32>
    %mul3A_155 = arith.muli %get3A_152, %mul3A_154 : vector<16xi32>
    %get3A_156 = arith.constant 160 : index
    %get3A_157 = tpu.vector_load %arg7[%get3A_156] {strides = array<i32>} : memref<1664xi32, #tpu.memory_space<vmem>>, vector<16xi32>,
    %get3A_158 = vector.shape_cast %get3A_157 : vector<16xi32> to vector<16xi32>
    %add3A_159 = arith.addi %mul3A_155, %get3A_158 : vector<16xi32>
    %swap3A_160 = arith.constant 32 : index
    %swap3A_161 = tpu.vector_load %arg10[%swap3A_160] {strides = array<i32>} : memref<128xi32, #tpu.memory_space<vmem>>, vector<16xi32>,
    %swap3A_162 = vector.shape_cast %swap3A_161 : vector<16xi32> to vector<16xi32>
    %swap3A_163 = vector.shape_cast %add3A_159 : vector<16xi32> to vector<16xi32>
    tpu.vector_store %arg10[%swap3A_160], %swap3A_163 {strides = array<i32>} : memref<128xi32, #tpu.memory_space<vmem>>, vector<16xi32>,
    %get3A_164 = arith.constant 176 : index
    %get3A_165 = tpu.vector_load %arg8[%get3A_164] {strides = array<i32>} : memref<1664xi32, #tpu.memory_space<vmem>>, vector<16xi32>,
    %get3A_166 = vector.shape_cast %get3A_165 : vector<16xi32> to vector<16xi32>
    %mul3A_167 = arith.constant 96 : i32
    %mul3A_168 = vector.broadcast %mul3A_167 : i32 to vector<16xi32>
    %mul3A_169 = arith.muli %get3A_166, %mul3A_168 : vector<16xi32>
    %get3A_170 = arith.constant 176 : index
    %get3A_171 = tpu.vector_load %arg7[%get3A_170] {strides = array<i32>} : memref<1664xi32, #tpu.memory_space<vmem>>, vector<16xi32>,
    %get3A_172 = vector.shape_cast %get3A_171 : vector<16xi32> to vector<16xi32>
    %add3A_173 = arith.addi %mul3A_169, %get3A_172 : vector<16xi32>
    %swap3A_174 = arith.constant 48 : index
    %swap3A_175 = tpu.vector_load %arg10[%swap3A_174] {strides = array<i32>} : memref<128xi32, #tpu.memory_space<vmem>>, vector<16xi32>,
    %swap3A_176 = vector.shape_cast %swap3A_175 : vector<16xi32> to vector<16xi32>
    %swap3A_177 = vector.shape_cast %add3A_173 : vector<16xi32> to vector<16xi32>
    tpu.vector_store %arg10[%swap3A_174], %swap3A_177 {strides = array<i32>} : memref<128xi32, #tpu.memory_space<vmem>>, vector<16xi32>,
    %get3A_178 = arith.constant 192 : index
    %get3A_179 = tpu.vector_load %arg8[%get3A_178] {strides = array<i32>} : memref<1664xi32, #tpu.memory_space<vmem>>, vector<16xi32>,
    %get3A_180 = vector.shape_cast %get3A_179 : vector<16xi32> to vector<16xi32>
    %mul3A_181 = arith.constant 96 : i32
    %mul3A_182 = vector.broadcast %mul3A_181 : i32 to vector<16xi32>
    %mul3A_183 = arith.muli %get3A_180, %mul3A_182 : vector<16xi32>
    %get3A_184 = arith.constant 192 : index
    %get3A_185 = tpu.vector_load %arg7[%get3A_184] {strides = array<i32>} : memref<1664xi32, #tpu.memory_space<vmem>>, vector<16xi32>,
    %get3A_186 = vector.shape_cast %get3A_185 : vector<16xi32> to vector<16xi32>
    %add3A_187 = arith.addi %mul3A_183, %get3A_186 : vector<16xi32>
    %swap3A_188 = arith.constant 64 : index
    %swap3A_189 = tpu.vector_load %arg10[%swap3A_188] {strides = array<i32>} : memref<128xi32, #tpu.memory_space<vmem>>, vector<16xi32>,
    %swap3A_190 = vector.shape_cast %swap3A_189 : vector<16xi32> to vector<16xi32>
    %swap3A_191 = vector.shape_cast %add3A_187 : vector<16xi32> to vector<16xi32>
    tpu.vector_store %arg10[%swap3A_188], %swap3A_191 {strides = array<i32>} : memref<128xi32, #tpu.memory_space<vmem>>, vector<16xi32>,
    %get3A_192 = arith.constant 208 : index
    %get3A_193 = tpu.vector_load %arg8[%get3A_192] {strides = array<i32>} : memref<1664xi32, #tpu.memory_space<vmem>>, vector<16xi32>,
    %get3A_194 = vector.shape_cast %get3A_193 : vector<16xi32> to vector<16xi32>
    %mul3A_195 = arith.constant 96 : i32
    %mul3A_196 = vector.broadcast %mul3A_195 : i32 to vector<16xi32>
    %mul3A_197 = arith.muli %get3A_194, %mul3A_196 : vector<16xi32>
    %get3A_198 = arith.constant 208 : index
    %get3A_199 = tpu.vector_load %arg7[%get3A_198] {strides = array<i32>} : memref<1664xi32, #tpu.memory_space<vmem>>, vector<16xi32>,
    %get3A_200 = vector.shape_cast %get3A_199 : vector<16xi32> to vector<16xi32>
    %add3A_201 = arith.addi %mul3A_197, %get3A_200 : vector<16xi32>
    %swap3A_202 = arith.constant 80 : index
    %swap3A_203 = tpu.vector_load %arg10[%swap3A_202] {strides = array<i32>} : memref<128xi32, #tpu.memory_space<vmem>>, vector<16xi32>,
    %swap3A_204 = vector.shape_cast %swap3A_203 : vector<16xi32> to vector<16xi32>
    %swap3A_205 = vector.shape_cast %add3A_201 : vector<16xi32> to vector<16xi32>
    tpu.vector_store %arg10[%swap3A_202], %swap3A_205 {strides = array<i32>} : memref<128xi32, #tpu.memory_space<vmem>>, vector<16xi32>,
    %get3A_206 = arith.constant 224 : index
    %get3A_207 = tpu.vector_load %arg8[%get3A_206] {strides = array<i32>} : memref<1664xi32, #tpu.memory_space<vmem>>, vector<16xi32>,
    %get3A_208 = vector.shape_cast %get3A_207 : vector<16xi32> to vector<16xi32>
    %mul3A_209 = arith.constant 96 : i32
    %mul3A_210 = vector.broadcast %mul3A_209 : i32 to vector<16xi32>
    %mul3A_211 = arith.muli %get3A_208, %mul3A_210 : vector<16xi32>
    %get3A_212 = arith.constant 224 : index
    %get3A_213 = tpu.vector_load %arg7[%get3A_212] {strides = array<i32>} : memref<1664xi32, #tpu.memory_space<vmem>>, vector<16xi32>,
    %get3A_214 = vector.shape_cast %get3A_213 : vector<16xi32> to vector<16xi32>
    %add3A_215 = arith.addi %mul3A_211, %get3A_214 : vector<16xi32>
    %swap3A_216 = arith.constant 96 : index
    %swap3A_217 = tpu.vector_load %arg10[%swap3A_216] {strides = array<i32>} : memref<128xi32, #tpu.memory_space<vmem>>, vector<16xi32>,
    %swap3A_218 = vector.shape_cast %swap3A_217 : vector<16xi32> to vector<16xi32>
    %swap3A_219 = vector.shape_cast %add3A_215 : vector<16xi32> to vector<16xi32>
    tpu.vector_store %arg10[%swap3A_216], %swap3A_219 {strides = array<i32>} : memref<128xi32, #tpu.memory_space<vmem>>, vector<16xi32>,
    %get3A_220 = arith.constant 240 : index
    %get3A_221 = tpu.vector_load %arg8[%get3A_220] {strides = array<i32>} : memref<1664xi32, #tpu.memory_space<vmem>>, vector<16xi32>,
    %get3A_222 = vector.shape_cast %get3A_221 : vector<16xi32> to vector<16xi32>
    %mul3A_223 = arith.constant 96 : i32
    %mul3A_224 = vector.broadcast %mul3A_223 : i32 to vector<16xi32>
    %mul3A_225 = arith.muli %get3A_222, %mul3A_224 : vector<16xi32>
    %get3A_226 = arith.constant 240 : index
    %get3A_227 = tpu.vector_load %arg7[%get3A_226] {strides = array<i32>} : memref<1664xi32, #tpu.memory_space<vmem>>, vector<16xi32>,
    %get3A_228 = vector.shape_cast %get3A_227 : vector<16xi32> to vector<16xi32>
    %add3A_229 = arith.addi %mul3A_225, %get3A_228 : vector<16xi32>
    %swap3A_230 = arith.constant 112 : index
    %swap3A_231 = tpu.vector_load %arg10[%swap3A_230] {strides = array<i32>} : memref<128xi32, #tpu.memory_space<vmem>>, vector<16xi32>,
    %swap3A_232 = vector.shape_cast %swap3A_231 : vector<16xi32> to vector<16xi32>
    %swap3A_233 = vector.shape_cast %add3A_229 : vector<16xi32> to vector<16xi32>
    tpu.vector_store %arg10[%swap3A_230], %swap3A_233 {strides = array<i32>} : memref<128xi32, #tpu.memory_space<vmem>>, vector<16xi32>,
    %dma_start3A_234 = arith.constant 0 : i32
    %dma_start3A_235 = arith.constant 0 : i32
    %dma_start3A_236 = tpu.memref_slice %arg6[%dma_start3A_234, %dma_start3A_235] : memref<288x128xf32, #tpu.memory_space<vmem_shared>> -> memref<288x128xf32, #tpu.memory_space<vmem_shared>>
    tpu.enqueue_indirect_dma source(%dma_start3A_236 : memref<288x128xf32, #tpu.memory_space<vmem_shared>>) target(%arg12 : memref<128x128xf32, #tpu.memory_space<vmem>>) offsets(%arg10 : memref<128xi32, #tpu.memory_space<vmem>>) semaphore(%arg14 : memref<!tpu.dma_semaphore, #tpu.memory_space<semaphore_mem>>)
    %dma_wait3A = arith.constant 0 : i32
    %dma_wait3A_237 = arith.constant 0 : i32
    %dma_wait3A_238 = tpu.memref_slice %arg6[%dma_wait3A, %dma_wait3A_237] : memref<288x128xf32, #tpu.memory_space<vmem_shared>> -> memref<288x128xf32, #tpu.memory_space<vmem_shared>>
    tpu.wait_indirect_dma semaphore(%arg13 : memref<!tpu.dma_semaphore, #tpu.memory_space<semaphore_mem>>) src(%dma_wait3A_238 : memref<288x128xf32, #tpu.memory_space<vmem_shared>>) dst(%arg11 : memref<128x128xf32, #tpu.memory_space<vmem>>)
    %add3A_239 = arith.constant 0 : i32
    %add3A_240 = arith.addi %select_n3A, %add3A_239 : i32
    %dma_start3A_241 = arith.constant 0 : i32
    %dma_start3A_242 = tpu.memref_slice %arg5[%add3A_240, %dma_start3A_241] : memref<50000x128xf32, #tpu.memory_space<hbm>> -> memref<128x128xf32, #tpu.memory_space<hbm>>
    %dma_start3A_243 = arith.constant 0 : i32
    %dma_start3A_244 = tpu.memref_slice %arg5[%add3A_240, %dma_start3A_243] : memref<50000x128xf32, #tpu.memory_space<hbm>> -> memref<128x128xf32, #tpu.memory_space<hbm>>
    tpu.enqueue_dma source(%arg11 : memref<128x128xf32, #tpu.memory_space<vmem>>) target(%dma_start3A_244 : memref<128x128xf32, #tpu.memory_space<hbm>>) target_semaphore(%arg15 : memref<!tpu.dma_semaphore, #tpu.memory_space<semaphore_mem>>)
    %dma_wait3A_245 = arith.constant 0 : i32
    %dma_wait3A_246 = tpu.memref_slice %arg5[%add3A_240, %dma_wait3A_245] : memref<50000x128xf32, #tpu.memory_space<hbm>> -> memref<128x128xf32, #tpu.memory_space<hbm>>
    %dma_wait3A_247 = arith.constant 0 : i32
    %dma_wait3A_248 = tpu.memref_slice %arg5[%add3A_240, %dma_wait3A_247] : memref<50000x128xf32, #tpu.memory_space<hbm>> -> memref<128x128xf32, #tpu.memory_space<hbm>>
    tpu.wait_dma2 semaphore(%arg15 : memref<!tpu.dma_semaphore, #tpu.memory_space<semaphore_mem>>) src(%arg11 : memref<128x128xf32, #tpu.memory_space<vmem>>) dst(%dma_wait3A_248 : memref<128x128xf32, #tpu.memory_space<hbm>>)
    %get3A_249 = arith.constant 256 : index
    %get3A_250 = tpu.vector_load %arg8[%get3A_249] {strides = array<i32>} : memref<1664xi32, #tpu.memory_space<vmem>>, vector<16xi32>,
    %get3A_251 = vector.shape_cast %get3A_250 : vector<16xi32> to vector<16xi32>
    %mul3A_252 = arith.constant 96 : i32
    %mul3A_253 = vector.broadcast %mul3A_252 : i32 to vector<16xi32>
    %mul3A_254 = arith.muli %get3A_251, %mul3A_253 : vector<16xi32>
    %get3A_255 = arith.constant 256 : index
    %get3A_256 = tpu.vector_load %arg7[%get3A_255] {strides = array<i32>} : memref<1664xi32, #tpu.memory_space<vmem>>, vector<16xi32>,
    %get3A_257 = vector.shape_cast %get3A_256 : vector<16xi32> to vector<16xi32>
    %add3A_258 = arith.addi %mul3A_254, %get3A_257 : vector<16xi32>
    %swap3A_259 = arith.constant 0 : index
    %swap3A_260 = tpu.vector_load %arg9[%swap3A_259] {strides = array<i32>} : memref<128xi32, #tpu.memory_space<vmem>>, vector<16xi32>,
    %swap3A_261 = vector.shape_cast %swap3A_260 : vector<16xi32> to vector<16xi32>
    %swap3A_262 = vector.shape_cast %add3A_258 : vector<16xi32> to vector<16xi32>
    tpu.vector_store %arg9[%swap3A_259], %swap3A_262 {strides = array<i32>} : memref<128xi32, #tpu.memory_space<vmem>>, vector<16xi32>,
    %get3A_263 = arith.constant 272 : index
    %get3A_264 = tpu.vector_load %arg8[%get3A_263] {strides = array<i32>} : memref<1664xi32, #tpu.memory_space<vmem>>, vector<16xi32>,
    %get3A_265 = vector.shape_cast %get3A_264 : vector<16xi32> to vector<16xi32>
    %mul3A_266 = arith.constant 96 : i32
    %mul3A_267 = vector.broadcast %mul3A_266 : i32 to vector<16xi32>
    %mul3A_268 = arith.muli %get3A_265, %mul3A_267 : vector<16xi32>
    %get3A_269 = arith.constant 272 : index
    %get3A_270 = tpu.vector_load %arg7[%get3A_269] {strides = array<i32>} : memref<1664xi32, #tpu.memory_space<vmem>>, vector<16xi32>,
    %get3A_271 = vector.shape_cast %get3A_270 : vector<16xi32> to vector<16xi32>
    %add3A_272 = arith.addi %mul3A_268, %get3A_271 : vector<16xi32>
    %swap3A_273 = arith.constant 16 : index
    %swap3A_274 = tpu.vector_load %arg9[%swap3A_273] {strides = array<i32>} : memref<128xi32, #tpu.memory_space<vmem>>, vector<16xi32>,
    %swap3A_275 = vector.shape_cast %swap3A_274 : vector<16xi32> to vector<16xi32>
    %swap3A_276 = vector.shape_cast %add3A_272 : vector<16xi32> to vector<16xi32>
    tpu.vector_store %arg9[%swap3A_273], %swap3A_276 {strides = array<i32>} : memref<128xi32, #tpu.memory_space<vmem>>, vector<16xi32>,
    %get3A_277 = arith.constant 288 : index
    %get3A_278 = tpu.vector_load %arg8[%get3A_277] {strides = array<i32>} : memref<1664xi32, #tpu.memory_space<vmem>>, vector<16xi32>,
    %get3A_279 = vector.shape_cast %get3A_278 : vector<16xi32> to vector<16xi32>
    %mul3A_280 = arith.constant 96 : i32
    %mul3A_281 = vector.broadcast %mul3A_280 : i32 to vector<16xi32>
    %mul3A_282 = arith.muli %get3A_279, %mul3A_281 : vector<16xi32>
    %get3A_283 = arith.constant 288 : index
    %get3A_284 = tpu.vector_load %arg7[%get3A_283] {strides = array<i32>} : memref<1664xi32, #tpu.memory_space<vmem>>, vector<16xi32>,
    %get3A_285 = vector.shape_cast %get3A_284 : vector<16xi32> to vector<16xi32>
    %add3A_286 = arith.addi %mul3A_282, %get3A_285 : vector<16xi32>
    %swap3A_287 = arith.constant 32 : index
    %swap3A_288 = tpu.vector_load %arg9[%swap3A_287] {strides = array<i32>} : memref<128xi32, #tpu.memory_space<vmem>>, vector<16xi32>,
    %swap3A_289 = vector.shape_cast %swap3A_288 : vector<16xi32> to vector<16xi32>
    %swap3A_290 = vector.shape_cast %add3A_286 : vector<16xi32> to vector<16xi32>
    tpu.vector_store %arg9[%swap3A_287], %swap3A_290 {strides = array<i32>} : memref<128xi32, #tpu.memory_space<vmem>>, vector<16xi32>,
    %get3A_291 = arith.constant 304 : index
    %get3A_292 = tpu.vector_load %arg8[%get3A_291] {strides = array<i32>} : memref<1664xi32, #tpu.memory_space<vmem>>, vector<16xi32>,
    %get3A_293 = vector.shape_cast %get3A_292 : vector<16xi32> to vector<16xi32>
    %mul3A_294 = arith.constant 96 : i32
    %mul3A_295 = vector.broadcast %mul3A_294 : i32 to vector<16xi32>
    %mul3A_296 = arith.muli %get3A_293, %mul3A_295 : vector<16xi32>
    %get3A_297 = arith.constant 304 : index
    %get3A_298 = tpu.vector_load %arg7[%get3A_297] {strides = array<i32>} : memref<1664xi32, #tpu.memory_space<vmem>>, vector<16xi32>,
    %get3A_299 = vector.shape_cast %get3A_298 : vector<16xi32> to vector<16xi32>
    %add3A_300 = arith.addi %mul3A_296, %get3A_299 : vector<16xi32>
    %swap3A_301 = arith.constant 48 : index
    %swap3A_302 = tpu.vector_load %arg9[%swap3A_301] {strides = array<i32>} : memref<128xi32, #tpu.memory_space<vmem>>, vector<16xi32>,
    %swap3A_303 = vector.shape_cast %swap3A_302 : vector<16xi32> to vector<16xi32>
    %swap3A_304 = vector.shape_cast %add3A_300 : vector<16xi32> to vector<16xi32>
    tpu.vector_store %arg9[%swap3A_301], %swap3A_304 {strides = array<i32>} : memref<128xi32, #tpu.memory_space<vmem>>, vector<16xi32>,
    %get3A_305 = arith.constant 320 : index
    %get3A_306 = tpu.vector_load %arg8[%get3A_305] {strides = array<i32>} : memref<1664xi32, #tpu.memory_space<vmem>>, vector<16xi32>,
    %get3A_307 = vector.shape_cast %get3A_306 : vector<16xi32> to vector<16xi32>
    %mul3A_308 = arith.constant 96 : i32
    %mul3A_309 = vector.broadcast %mul3A_308 : i32 to vector<16xi32>
    %mul3A_310 = arith.muli %get3A_307, %mul3A_309 : vector<16xi32>
    %get3A_311 = arith.constant 320 : index
    %get3A_312 = tpu.vector_load %arg7[%get3A_311] {strides = array<i32>} : memref<1664xi32, #tpu.memory_space<vmem>>, vector<16xi32>,
    %get3A_313 = vector.shape_cast %get3A_312 : vector<16xi32> to vector<16xi32>
    %add3A_314 = arith.addi %mul3A_310, %get3A_313 : vector<16xi32>
    %swap3A_315 = arith.constant 64 : index
    %swap3A_316 = tpu.vector_load %arg9[%swap3A_315] {strides = array<i32>} : memref<128xi32, #tpu.memory_space<vmem>>, vector<16xi32>,
    %swap3A_317 = vector.shape_cast %swap3A_316 : vector<16xi32> to vector<16xi32>
    %swap3A_318 = vector.shape_cast %add3A_314 : vector<16xi32> to vector<16xi32>
    tpu.vector_store %arg9[%swap3A_315], %swap3A_318 {strides = array<i32>} : memref<128xi32, #tpu.memory_space<vmem>>, vector<16xi32>,
    %get3A_319 = arith.constant 336 : index
    %get3A_320 = tpu.vector_load %arg8[%get3A_319] {strides = array<i32>} : memref<1664xi32, #tpu.memory_space<vmem>>, vector<16xi32>,
    %get3A_321 = vector.shape_cast %get3A_320 : vector<16xi32> to vector<16xi32>
    %mul3A_322 = arith.constant 96 : i32
    %mul3A_323 = vector.broadcast %mul3A_322 : i32 to vector<16xi32>
    %mul3A_324 = arith.muli %get3A_321, %mul3A_323 : vector<16xi32>
    %get3A_325 = arith.constant 336 : index
    %get3A_326 = tpu.vector_load %arg7[%get3A_325] {strides = array<i32>} : memref<1664xi32, #tpu.memory_space<vmem>>, vector<16xi32>,
    %get3A_327 = vector.shape_cast %get3A_326 : vector<16xi32> to vector<16xi32>
    %add3A_328 = arith.addi %mul3A_324, %get3A_327 : vector<16xi32>
    %swap3A_329 = arith.constant 80 : index
    %swap3A_330 = tpu.vector_load %arg9[%swap3A_329] {strides = array<i32>} : memref<128xi32, #tpu.memory_space<vmem>>, vector<16xi32>,
    %swap3A_331 = vector.shape_cast %swap3A_330 : vector<16xi32> to vector<16xi32>
    %swap3A_332 = vector.shape_cast %add3A_328 : vector<16xi32> to vector<16xi32>
    tpu.vector_store %arg9[%swap3A_329], %swap3A_332 {strides = array<i32>} : memref<128xi32, #tpu.memory_space<vmem>>, vector<16xi32>,
    %get3A_333 = arith.constant 352 : index
    %get3A_334 = tpu.vector_load %arg8[%get3A_333] {strides = array<i32>} : memref<1664xi32, #tpu.memory_space<vmem>>, vector<16xi32>,
    %get3A_335 = vector.shape_cast %get3A_334 : vector<16xi32> to vector<16xi32>
    %mul3A_336 = arith.constant 96 : i32
    %mul3A_337 = vector.broadcast %mul3A_336 : i32 to vector<16xi32>
    %mul3A_338 = arith.muli %get3A_335, %mul3A_337 : vector<16xi32>
    %get3A_339 = arith.constant 352 : index
    %get3A_340 = tpu.vector_load %arg7[%get3A_339] {strides = array<i32>} : memref<1664xi32, #tpu.memory_space<vmem>>, vector<16xi32>,
    %get3A_341 = vector.shape_cast %get3A_340 : vector<16xi32> to vector<16xi32>
    %add3A_342 = arith.addi %mul3A_338, %get3A_341 : vector<16xi32>
    %swap3A_343 = arith.constant 96 : index
    %swap3A_344 = tpu.vector_load %arg9[%swap3A_343] {strides = array<i32>} : memref<128xi32, #tpu.memory_space<vmem>>, vector<16xi32>,
    %swap3A_345 = vector.shape_cast %swap3A_344 : vector<16xi32> to vector<16xi32>
    %swap3A_346 = vector.shape_cast %add3A_342 : vector<16xi32> to vector<16xi32>
    tpu.vector_store %arg9[%swap3A_343], %swap3A_346 {strides = array<i32>} : memref<128xi32, #tpu.memory_space<vmem>>, vector<16xi32>,
    %get3A_347 = arith.constant 368 : index
    %get3A_348 = tpu.vector_load %arg8[%get3A_347] {strides = array<i32>} : memref<1664xi32, #tpu.memory_space<vmem>>, vector<16xi32>,
    %get3A_349 = vector.shape_cast %get3A_348 : vector<16xi32> to vector<16xi32>
    %mul3A_350 = arith.constant 96 : i32
    %mul3A_351 = vector.broadcast %mul3A_350 : i32 to vector<16xi32>
    %mul3A_352 = arith.muli %get3A_349, %mul3A_351 : vector<16xi32>
    %get3A_353 = arith.constant 368 : index
    %get3A_354 = tpu.vector_load %arg7[%get3A_353] {strides = array<i32>} : memref<1664xi32, #tpu.memory_space<vmem>>, vector<16xi32>,
    %get3A_355 = vector.shape_cast %get3A_354 : vector<16xi32> to vector<16xi32>
    %add3A_356 = arith.addi %mul3A_352, %get3A_355 : vector<16xi32>
    %swap3A_357 = arith.constant 112 : index
    %swap3A_358 = tpu.vector_load %arg9[%swap3A_357] {strides = array<i32>} : memref<128xi32, #tpu.memory_space<vmem>>, vector<16xi32>,
    %swap3A_359 = vector.shape_cast %swap3A_358 : vector<16xi32> to vector<16xi32>
    %swap3A_360 = vector.shape_cast %add3A_356 : vector<16xi32> to vector<16xi32>
    tpu.vector_store %arg9[%swap3A_357], %swap3A_360 {strides = array<i32>} : memref<128xi32, #tpu.memory_space<vmem>>, vector<16xi32>,
    %dma_start3A_361 = arith.constant 0 : i32
    %dma_start3A_362 = arith.constant 0 : i32
    %dma_start3A_363 = tpu.memref_slice %arg6[%dma_start3A_361, %dma_start3A_362] : memref<288x128xf32, #tpu.memory_space<vmem_shared>> -> memref<288x128xf32, #tpu.memory_space<vmem_shared>>
    tpu.enqueue_indirect_dma source(%dma_start3A_363 : memref<288x128xf32, #tpu.memory_space<vmem_shared>>) target(%arg11 : memref<128x128xf32, #tpu.memory_space<vmem>>) offsets(%arg9 : memref<128xi32, #tpu.memory_space<vmem>>) semaphore(%arg13 : memref<!tpu.dma_semaphore, #tpu.memory_space<semaphore_mem>>)
    %dma_wait3A_364 = arith.constant 0 : i32
    %dma_wait3A_365 = arith.constant 0 : i32
    %dma_wait3A_366 = tpu.memref_slice %arg6[%dma_wait3A_364, %dma_wait3A_365] : memref<288x128xf32, #tpu.memory_space<vmem_shared>> -> memref<288x128xf32, #tpu.memory_space<vmem_shared>>
    tpu.wait_indirect_dma semaphore(%arg14 : memref<!tpu.dma_semaphore, #tpu.memory_space<semaphore_mem>>) src(%dma_wait3A_366 : memref<288x128xf32, #tpu.memory_space<vmem_shared>>) dst(%arg12 : memref<128x128xf32, #tpu.memory_space<vmem>>)
    %add3A_367 = arith.constant 128 : i32
    %add3A_368 = arith.addi %select_n3A, %add3A_367 : i32
    %dma_start3A_369 = arith.constant 0 : i32
    %dma_start3A_370 = tpu.memref_slice %arg5[%add3A_368, %dma_start3A_369] : memref<50000x128xf32, #tpu.memory_space<hbm>> -> memref<128x128xf32, #tpu.memory_space<hbm>>
    %dma_start3A_371 = arith.constant 0 : i32
    %dma_start3A_372 = tpu.memref_slice %arg5[%add3A_368, %dma_start3A_371] : memref<50000x128xf32, #tpu.memory_space<hbm>> -> memref<128x128xf32, #tpu.memory_space<hbm>>
    tpu.enqueue_dma source(%arg12 : memref<128x128xf32, #tpu.memory_space<vmem>>) target(%dma_start3A_372 : memref<128x128xf32, #tpu.memory_space<hbm>>) target_semaphore(%arg16 : memref<!tpu.dma_semaphore, #tpu.memory_space<semaphore_mem>>)
    %dma_wait3A_373 = arith.constant 0 : i32
    %dma_wait3A_374 = tpu.memref_slice %arg5[%add3A_368, %dma_wait3A_373] : memref<50000x128xf32, #tpu.memory_space<hbm>> -> memref<128x128xf32, #tpu.memory_space<hbm>>
    %dma_wait3A_375 = arith.constant 0 : i32
    %dma_wait3A_376 = tpu.memref_slice %arg5[%add3A_368, %dma_wait3A_375] : memref<50000x128xf32, #tpu.memory_space<hbm>> -> memref<128x128xf32, #tpu.memory_space<hbm>>
    tpu.wait_dma2 semaphore(%arg16 : memref<!tpu.dma_semaphore, #tpu.memory_space<semaphore_mem>>) src(%arg12 : memref<128x128xf32, #tpu.memory_space<vmem>>) dst(%dma_wait3A_376 : memref<128x128xf32, #tpu.memory_space<hbm>>)
    %get3A_377 = arith.constant 384 : index
    %get3A_378 = tpu.vector_load %arg8[%get3A_377] {strides = array<i32>} : memref<1664xi32, #tpu.memory_space<vmem>>, vector<16xi32>,
    %get3A_379 = vector.shape_cast %get3A_378 : vector<16xi32> to vector<16xi32>
    %mul3A_380 = arith.constant 96 : i32
    %mul3A_381 = vector.broadcast %mul3A_380 : i32 to vector<16xi32>
    %mul3A_382 = arith.muli %get3A_379, %mul3A_381 : vector<16xi32>
    %get3A_383 = arith.constant 384 : index
    %get3A_384 = tpu.vector_load %arg7[%get3A_383] {strides = array<i32>} : memref<1664xi32, #tpu.memory_space<vmem>>, vector<16xi32>,
    %get3A_385 = vector.shape_cast %get3A_384 : vector<16xi32> to vector<16xi32>
    %add3A_386 = arith.addi %mul3A_382, %get3A_385 : vector<16xi32>
    %swap3A_387 = arith.constant 0 : index
    %swap3A_388 = tpu.vector_load %arg10[%swap3A_387] {strides = array<i32>} : memref<128xi32, #tpu.memory_space<vmem>>, vector<16xi32>,
    %swap3A_389 = vector.shape_cast %swap3A_388 : vector<16xi32> to vector<16xi32>
    %swap3A_390 = vector.shape_cast %add3A_386 : vector<16xi32> to vector<16xi32>
    tpu.vector_store %arg10[%swap3A_387], %swap3A_390 {strides = array<i32>} : memref<128xi32, #tpu.memory_space<vmem>>, vector<16xi32>,
    %get3A_391 = arith.constant 400 : index
    %get3A_392 = tpu.vector_load %arg8[%get3A_391] {strides = array<i32>} : memref<1664xi32, #tpu.memory_space<vmem>>, vector<16xi32>,
    %get3A_393 = vector.shape_cast %get3A_392 : vector<16xi32> to vector<16xi32>
    %mul3A_394 = arith.constant 96 : i32
    %mul3A_395 = vector.broadcast %mul3A_394 : i32 to vector<16xi32>
    %mul3A_396 = arith.muli %get3A_393, %mul3A_395 : vector<16xi32>
    %get3A_397 = arith.constant 400 : index
    %get3A_398 = tpu.vector_load %arg7[%get3A_397] {strides = array<i32>} : memref<1664xi32, #tpu.memory_space<vmem>>, vector<16xi32>,
    %get3A_399 = vector.shape_cast %get3A_398 : vector<16xi32> to vector<16xi32>
    %add3A_400 = arith.addi %mul3A_396, %get3A_399 : vector<16xi32>
    %swap3A_401 = arith.constant 16 : index
    %swap3A_402 = tpu.vector_load %arg10[%swap3A_401] {strides = array<i32>} : memref<128xi32, #tpu.memory_space<vmem>>, vector<16xi32>,
    %swap3A_403 = vector.shape_cast %swap3A_402 : vector<16xi32> to vector<16xi32>
    %swap3A_404 = vector.shape_cast %add3A_400 : vector<16xi32> to vector<16xi32>
    tpu.vector_store %arg10[%swap3A_401], %swap3A_404 {strides = array<i32>} : memref<128xi32, #tpu.memory_space<vmem>>, vector<16xi32>,
    %get3A_405 = arith.constant 416 : index
    %get3A_406 = tpu.vector_load %arg8[%get3A_405] {strides = array<i32>} : memref<1664xi32, #tpu.memory_space<vmem>>, vector<16xi32>,
    %get3A_407 = vector.shape_cast %get3A_406 : vector<16xi32> to vector<16xi32>
    %mul3A_408 = arith.constant 96 : i32
    %mul3A_409 = vector.broadcast %mul3A_408 : i32 to vector<16xi32>
    %mul3A_410 = arith.muli %get3A_407, %mul3A_409 : vector<16xi32>
    %get3A_411 = arith.constant 416 : index
    %get3A_412 = tpu.vector_load %arg7[%get3A_411] {strides = array<i32>} : memref<1664xi32, #tpu.memory_space<vmem>>, vector<16xi32>,
    %get3A_413 = vector.shape_cast %get3A_412 : vector<16xi32> to vector<16xi32>
    %add3A_414 = arith.addi %mul3A_410, %get3A_413 : vector<16xi32>
    %swap3A_415 = arith.constant 32 : index
    %swap3A_416 = tpu.vector_load %arg10[%swap3A_415] {strides = array<i32>} : memref<128xi32, #tpu.memory_space<vmem>>, vector<16xi32>,
    %swap3A_417 = vector.shape_cast %swap3A_416 : vector<16xi32> to vector<16xi32>
    %swap3A_418 = vector.shape_cast %add3A_414 : vector<16xi32> to vector<16xi32>
    tpu.vector_store %arg10[%swap3A_415], %swap3A_418 {strides = array<i32>} : memref<128xi32, #tpu.memory_space<vmem>>, vector<16xi32>,
    %get3A_419 = arith.constant 432 : index
    %get3A_420 = tpu.vector_load %arg8[%get3A_419] {strides = array<i32>} : memref<1664xi32, #tpu.memory_space<vmem>>, vector<16xi32>,
    %get3A_421 = vector.shape_cast %get3A_420 : vector<16xi32> to vector<16xi32>
    %mul3A_422 = arith.constant 96 : i32
    %mul3A_423 = vector.broadcast %mul3A_422 : i32 to vector<16xi32>
    %mul3A_424 = arith.muli %get3A_421, %mul3A_423 : vector<16xi32>
    %get3A_425 = arith.constant 432 : index
    %get3A_426 = tpu.vector_load %arg7[%get3A_425] {strides = array<i32>} : memref<1664xi32, #tpu.memory_space<vmem>>, vector<16xi32>,
    %get3A_427 = vector.shape_cast %get3A_426 : vector<16xi32> to vector<16xi32>
    %add3A_428 = arith.addi %mul3A_424, %get3A_427 : vector<16xi32>
    %swap3A_429 = arith.constant 48 : index
    %swap3A_430 = tpu.vector_load %arg10[%swap3A_429] {strides = array<i32>} : memref<128xi32, #tpu.memory_space<vmem>>, vector<16xi32>,
    %swap3A_431 = vector.shape_cast %swap3A_430 : vector<16xi32> to vector<16xi32>
    %swap3A_432 = vector.shape_cast %add3A_428 : vector<16xi32> to vector<16xi32>
    tpu.vector_store %arg10[%swap3A_429], %swap3A_432 {strides = array<i32>} : memref<128xi32, #tpu.memory_space<vmem>>, vector<16xi32>,
    %get3A_433 = arith.constant 448 : index
    %get3A_434 = tpu.vector_load %arg8[%get3A_433] {strides = array<i32>} : memref<1664xi32, #tpu.memory_space<vmem>>, vector<16xi32>,
    %get3A_435 = vector.shape_cast %get3A_434 : vector<16xi32> to vector<16xi32>
    %mul3A_436 = arith.constant 96 : i32
    %mul3A_437 = vector.broadcast %mul3A_436 : i32 to vector<16xi32>
    %mul3A_438 = arith.muli %get3A_435, %mul3A_437 : vector<16xi32>
    %get3A_439 = arith.constant 448 : index
    %get3A_440 = tpu.vector_load %arg7[%get3A_439] {strides = array<i32>} : memref<1664xi32, #tpu.memory_space<vmem>>, vector<16xi32>,
    %get3A_441 = vector.shape_cast %get3A_440 : vector<16xi32> to vector<16xi32>
    %add3A_442 = arith.addi %mul3A_438, %get3A_441 : vector<16xi32>
    %swap3A_443 = arith.constant 64 : index
    %swap3A_444 = tpu.vector_load %arg10[%swap3A_443] {strides = array<i32>} : memref<128xi32, #tpu.memory_space<vmem>>, vector<16xi32>,
    %swap3A_445 = vector.shape_cast %swap3A_444 : vector<16xi32> to vector<16xi32>
    %swap3A_446 = vector.shape_cast %add3A_442 : vector<16xi32> to vector<16xi32>
    tpu.vector_store %arg10[%swap3A_443], %swap3A_446 {strides = array<i32>} : memref<128xi32, #tpu.memory_space<vmem>>, vector<16xi32>,
    %get3A_447 = arith.constant 464 : index
    %get3A_448 = tpu.vector_load %arg8[%get3A_447] {strides = array<i32>} : memref<1664xi32, #tpu.memory_space<vmem>>, vector<16xi32>,
    %get3A_449 = vector.shape_cast %get3A_448 : vector<16xi32> to vector<16xi32>
    %mul3A_450 = arith.constant 96 : i32
    %mul3A_451 = vector.broadcast %mul3A_450 : i32 to vector<16xi32>
    %mul3A_452 = arith.muli %get3A_449, %mul3A_451 : vector<16xi32>
    %get3A_453 = arith.constant 464 : index
    %get3A_454 = tpu.vector_load %arg7[%get3A_453] {strides = array<i32>} : memref<1664xi32, #tpu.memory_space<vmem>>, vector<16xi32>,
    %get3A_455 = vector.shape_cast %get3A_454 : vector<16xi32> to vector<16xi32>
    %add3A_456 = arith.addi %mul3A_452, %get3A_455 : vector<16xi32>
    %swap3A_457 = arith.constant 80 : index
    %swap3A_458 = tpu.vector_load %arg10[%swap3A_457] {strides = array<i32>} : memref<128xi32, #tpu.memory_space<vmem>>, vector<16xi32>,
    %swap3A_459 = vector.shape_cast %swap3A_458 : vector<16xi32> to vector<16xi32>
    %swap3A_460 = vector.shape_cast %add3A_456 : vector<16xi32> to vector<16xi32>
    tpu.vector_store %arg10[%swap3A_457], %swap3A_460 {strides = array<i32>} : memref<128xi32, #tpu.memory_space<vmem>>, vector<16xi32>,
    %get3A_461 = arith.constant 480 : index
    %get3A_462 = tpu.vector_load %arg8[%get3A_461] {strides = array<i32>} : memref<1664xi32, #tpu.memory_space<vmem>>, vector<16xi32>,
    %get3A_463 = vector.shape_cast %get3A_462 : vector<16xi32> to vector<16xi32>
    %mul3A_464 = arith.constant 96 : i32
    %mul3A_465 = vector.broadcast %mul3A_464 : i32 to vector<16xi32>
    %mul3A_466 = arith.muli %get3A_463, %mul3A_465 : vector<16xi32>
    %get3A_467 = arith.constant 480 : index
    %get3A_468 = tpu.vector_load %arg7[%get3A_467] {strides = array<i32>} : memref<1664xi32, #tpu.memory_space<vmem>>, vector<16xi32>,
    %get3A_469 = vector.shape_cast %get3A_468 : vector<16xi32> to vector<16xi32>
    %add3A_470 = arith.addi %mul3A_466, %get3A_469 : vector<16xi32>
    %swap3A_471 = arith.constant 96 : index
    %swap3A_472 = tpu.vector_load %arg10[%swap3A_471] {strides = array<i32>} : memref<128xi32, #tpu.memory_space<vmem>>, vector<16xi32>,
    %swap3A_473 = vector.shape_cast %swap3A_472 : vector<16xi32> to vector<16xi32>
    %swap3A_474 = vector.shape_cast %add3A_470 : vector<16xi32> to vector<16xi32>
    tpu.vector_store %arg10[%swap3A_471], %swap3A_474 {strides = array<i32>} : memref<128xi32, #tpu.memory_space<vmem>>, vector<16xi32>,
    %get3A_475 = arith.constant 496 : index
    %get3A_476 = tpu.vector_load %arg8[%get3A_475] {strides = array<i32>} : memref<1664xi32, #tpu.memory_space<vmem>>, vector<16xi32>,
    %get3A_477 = vector.shape_cast %get3A_476 : vector<16xi32> to vector<16xi32>
    %mul3A_478 = arith.constant 96 : i32
    %mul3A_479 = vector.broadcast %mul3A_478 : i32 to vector<16xi32>
    %mul3A_480 = arith.muli %get3A_477, %mul3A_479 : vector<16xi32>
    %get3A_481 = arith.constant 496 : index
    %get3A_482 = tpu.vector_load %arg7[%get3A_481] {strides = array<i32>} : memref<1664xi32, #tpu.memory_space<vmem>>, vector<16xi32>,
    %get3A_483 = vector.shape_cast %get3A_482 : vector<16xi32> to vector<16xi32>
    %add3A_484 = arith.addi %mul3A_480, %get3A_483 : vector<16xi32>
    %swap3A_485 = arith.constant 112 : index
    %swap3A_486 = tpu.vector_load %arg10[%swap3A_485] {strides = array<i32>} : memref<128xi32, #tpu.memory_space<vmem>>, vector<16xi32>,
    %swap3A_487 = vector.shape_cast %swap3A_486 : vector<16xi32> to vector<16xi32>
    %swap3A_488 = vector.shape_cast %add3A_484 : vector<16xi32> to vector<16xi32>
    tpu.vector_store %arg10[%swap3A_485], %swap3A_488 {strides = array<i32>} : memref<128xi32, #tpu.memory_space<vmem>>, vector<16xi32>,
    %dma_start3A_489 = arith.constant 0 : i32
    %dma_start3A_490 = arith.constant 0 : i32
    %dma_start3A_491 = tpu.memref_slice %arg6[%dma_start3A_489, %dma_start3A_490] : memref<288x128xf32, #tpu.memory_space<vmem_shared>> -> memref<288x128xf32, #tpu.memory_space<vmem_shared>>
    tpu.enqueue_indirect_dma source(%dma_start3A_491 : memref<288x128xf32, #tpu.memory_space<vmem_shared>>) target(%arg12 : memref<128x128xf32, #tpu.memory_space<vmem>>) offsets(%arg10 : memref<128xi32, #tpu.memory_space<vmem>>) semaphore(%arg14 : memref<!tpu.dma_semaphore, #tpu.memory_space<semaphore_mem>>)
    %dma_wait3A_492 = arith.constant 0 : i32
    %dma_wait3A_493 = arith.constant 0 : i32
    %dma_wait3A_494 = tpu.memref_slice %arg6[%dma_wait3A_492, %dma_wait3A_493] : memref<288x128xf32, #tpu.memory_space<vmem_shared>> -> memref<288x128xf32, #tpu.memory_space<vmem_shared>>
    tpu.wait_indirect_dma semaphore(%arg13 : memref<!tpu.dma_semaphore, #tpu.memory_space<semaphore_mem>>) src(%dma_wait3A_494 : memref<288x128xf32, #tpu.memory_space<vmem_shared>>) dst(%arg11 : memref<128x128xf32, #tpu.memory_space<vmem>>)
    %add3A_495 = arith.constant 256 : i32
    %add3A_496 = arith.addi %select_n3A, %add3A_495 : i32
    %dma_start3A_497 = arith.constant 0 : i32
    %dma_start3A_498 = tpu.memref_slice %arg5[%add3A_496, %dma_start3A_497] : memref<50000x128xf32, #tpu.memory_space<hbm>> -> memref<128x128xf32, #tpu.memory_space<hbm>>
    %dma_start3A_499 = arith.constant 0 : i32
    %dma_start3A_500 = tpu.memref_slice %arg5[%add3A_496, %dma_start3A_499] : memref<50000x128xf32, #tpu.memory_space<hbm>> -> memref<128x128xf32, #tpu.memory_space<hbm>>
    tpu.enqueue_dma source(%arg11 : memref<128x128xf32, #tpu.memory_space<vmem>>) target(%dma_start3A_500 : memref<128x128xf32, #tpu.memory_space<hbm>>) target_semaphore(%arg15 : memref<!tpu.dma_semaphore, #tpu.memory_space<semaphore_mem>>)
    %dma_wait3A_501 = arith.constant 0 : i32
    %dma_wait3A_502 = tpu.memref_slice %arg5[%add3A_496, %dma_wait3A_501] : memref<50000x128xf32, #tpu.memory_space<hbm>> -> memref<128x128xf32, #tpu.memory_space<hbm>>
    %dma_wait3A_503 = arith.constant 0 : i32
    %dma_wait3A_504 = tpu.memref_slice %arg5[%add3A_496, %dma_wait3A_503] : memref<50000x128xf32, #tpu.memory_space<hbm>> -> memref<128x128xf32, #tpu.memory_space<hbm>>
    tpu.wait_dma2 semaphore(%arg15 : memref<!tpu.dma_semaphore, #tpu.memory_space<semaphore_mem>>) src(%arg11 : memref<128x128xf32, #tpu.memory_space<vmem>>) dst(%dma_wait3A_504 : memref<128x128xf32, #tpu.memory_space<hbm>>)
    %get3A_505 = arith.constant 512 : index
    %get3A_506 = tpu.vector_load %arg8[%get3A_505] {strides = array<i32>} : memref<1664xi32, #tpu.memory_space<vmem>>, vector<16xi32>,
    %get3A_507 = vector.shape_cast %get3A_506 : vector<16xi32> to vector<16xi32>
    %mul3A_508 = arith.constant 96 : i32
    %mul3A_509 = vector.broadcast %mul3A_508 : i32 to vector<16xi32>
    %mul3A_510 = arith.muli %get3A_507, %mul3A_509 : vector<16xi32>
    %get3A_511 = arith.constant 512 : index
    %get3A_512 = tpu.vector_load %arg7[%get3A_511] {strides = array<i32>} : memref<1664xi32, #tpu.memory_space<vmem>>, vector<16xi32>,
    %get3A_513 = vector.shape_cast %get3A_512 : vector<16xi32> to vector<16xi32>
    %add3A_514 = arith.addi %mul3A_510, %get3A_513 : vector<16xi32>
    %swap3A_515 = arith.constant 0 : index
    %swap3A_516 = tpu.vector_load %arg9[%swap3A_515] {strides = array<i32>} : memref<128xi32, #tpu.memory_space<vmem>>, vector<16xi32>,
    %swap3A_517 = vector.shape_cast %swap3A_516 : vector<16xi32> to vector<16xi32>
    %swap3A_518 = vector.shape_cast %add3A_514 : vector<16xi32> to vector<16xi32>
    tpu.vector_store %arg9[%swap3A_515], %swap3A_518 {strides = array<i32>} : memref<128xi32, #tpu.memory_space<vmem>>, vector<16xi32>,
    %get3A_519 = arith.constant 528 : index
    %get3A_520 = tpu.vector_load %arg8[%get3A_519] {strides = array<i32>} : memref<1664xi32, #tpu.memory_space<vmem>>, vector<16xi32>,
    %get3A_521 = vector.shape_cast %get3A_520 : vector<16xi32> to vector<16xi32>
    %mul3A_522 = arith.constant 96 : i32
    %mul3A_523 = vector.broadcast %mul3A_522 : i32 to vector<16xi32>
    %mul3A_524 = arith.muli %get3A_521, %mul3A_523 : vector<16xi32>
    %get3A_525 = arith.constant 528 : index
    %get3A_526 = tpu.vector_load %arg7[%get3A_525] {strides = array<i32>} : memref<1664xi32, #tpu.memory_space<vmem>>, vector<16xi32>,
    %get3A_527 = vector.shape_cast %get3A_526 : vector<16xi32> to vector<16xi32>
    %add3A_528 = arith.addi %mul3A_524, %get3A_527 : vector<16xi32>
    %swap3A_529 = arith.constant 16 : index
    %swap3A_530 = tpu.vector_load %arg9[%swap3A_529] {strides = array<i32>} : memref<128xi32, #tpu.memory_space<vmem>>, vector<16xi32>,
    %swap3A_531 = vector.shape_cast %swap3A_530 : vector<16xi32> to vector<16xi32>
    %swap3A_532 = vector.shape_cast %add3A_528 : vector<16xi32> to vector<16xi32>
    tpu.vector_store %arg9[%swap3A_529], %swap3A_532 {strides = array<i32>} : memref<128xi32, #tpu.memory_space<vmem>>, vector<16xi32>,
    %get3A_533 = arith.constant 544 : index
    %get3A_534 = tpu.vector_load %arg8[%get3A_533] {strides = array<i32>} : memref<1664xi32, #tpu.memory_space<vmem>>, vector<16xi32>,
    %get3A_535 = vector.shape_cast %get3A_534 : vector<16xi32> to vector<16xi32>
    %mul3A_536 = arith.constant 96 : i32
    %mul3A_537 = vector.broadcast %mul3A_536 : i32 to vector<16xi32>
    %mul3A_538 = arith.muli %get3A_535, %mul3A_537 : vector<16xi32>
    %get3A_539 = arith.constant 544 : index
    %get3A_540 = tpu.vector_load %arg7[%get3A_539] {strides = array<i32>} : memref<1664xi32, #tpu.memory_space<vmem>>, vector<16xi32>,
    %get3A_541 = vector.shape_cast %get3A_540 : vector<16xi32> to vector<16xi32>
    %add3A_542 = arith.addi %mul3A_538, %get3A_541 : vector<16xi32>
    %swap3A_543 = arith.constant 32 : index
    %swap3A_544 = tpu.vector_load %arg9[%swap3A_543] {strides = array<i32>} : memref<128xi32, #tpu.memory_space<vmem>>, vector<16xi32>,
    %swap3A_545 = vector.shape_cast %swap3A_544 : vector<16xi32> to vector<16xi32>
    %swap3A_546 = vector.shape_cast %add3A_542 : vector<16xi32> to vector<16xi32>
    tpu.vector_store %arg9[%swap3A_543], %swap3A_546 {strides = array<i32>} : memref<128xi32, #tpu.memory_space<vmem>>, vector<16xi32>,
    %get3A_547 = arith.constant 560 : index
    %get3A_548 = tpu.vector_load %arg8[%get3A_547] {strides = array<i32>} : memref<1664xi32, #tpu.memory_space<vmem>>, vector<16xi32>,
    %get3A_549 = vector.shape_cast %get3A_548 : vector<16xi32> to vector<16xi32>
    %mul3A_550 = arith.constant 96 : i32
    %mul3A_551 = vector.broadcast %mul3A_550 : i32 to vector<16xi32>
    %mul3A_552 = arith.muli %get3A_549, %mul3A_551 : vector<16xi32>
    %get3A_553 = arith.constant 560 : index
    %get3A_554 = tpu.vector_load %arg7[%get3A_553] {strides = array<i32>} : memref<1664xi32, #tpu.memory_space<vmem>>, vector<16xi32>,
    %get3A_555 = vector.shape_cast %get3A_554 : vector<16xi32> to vector<16xi32>
    %add3A_556 = arith.addi %mul3A_552, %get3A_555 : vector<16xi32>
    %swap3A_557 = arith.constant 48 : index
    %swap3A_558 = tpu.vector_load %arg9[%swap3A_557] {strides = array<i32>} : memref<128xi32, #tpu.memory_space<vmem>>, vector<16xi32>,
    %swap3A_559 = vector.shape_cast %swap3A_558 : vector<16xi32> to vector<16xi32>
    %swap3A_560 = vector.shape_cast %add3A_556 : vector<16xi32> to vector<16xi32>
    tpu.vector_store %arg9[%swap3A_557], %swap3A_560 {strides = array<i32>} : memref<128xi32, #tpu.memory_space<vmem>>, vector<16xi32>,
    %get3A_561 = arith.constant 576 : index
    %get3A_562 = tpu.vector_load %arg8[%get3A_561] {strides = array<i32>} : memref<1664xi32, #tpu.memory_space<vmem>>, vector<16xi32>,
    %get3A_563 = vector.shape_cast %get3A_562 : vector<16xi32> to vector<16xi32>
    %mul3A_564 = arith.constant 96 : i32
    %mul3A_565 = vector.broadcast %mul3A_564 : i32 to vector<16xi32>
    %mul3A_566 = arith.muli %get3A_563, %mul3A_565 : vector<16xi32>
    %get3A_567 = arith.constant 576 : index
    %get3A_568 = tpu.vector_load %arg7[%get3A_567] {strides = array<i32>} : memref<1664xi32, #tpu.memory_space<vmem>>, vector<16xi32>,
    %get3A_569 = vector.shape_cast %get3A_568 : vector<16xi32> to vector<16xi32>
    %add3A_570 = arith.addi %mul3A_566, %get3A_569 : vector<16xi32>
    %swap3A_571 = arith.constant 64 : index
    %swap3A_572 = tpu.vector_load %arg9[%swap3A_571] {strides = array<i32>} : memref<128xi32, #tpu.memory_space<vmem>>, vector<16xi32>,
    %swap3A_573 = vector.shape_cast %swap3A_572 : vector<16xi32> to vector<16xi32>
    %swap3A_574 = vector.shape_cast %add3A_570 : vector<16xi32> to vector<16xi32>
    tpu.vector_store %arg9[%swap3A_571], %swap3A_574 {strides = array<i32>} : memref<128xi32, #tpu.memory_space<vmem>>, vector<16xi32>,
    %get3A_575 = arith.constant 592 : index
    %get3A_576 = tpu.vector_load %arg8[%get3A_575] {strides = array<i32>} : memref<1664xi32, #tpu.memory_space<vmem>>, vector<16xi32>,
    %get3A_577 = vector.shape_cast %get3A_576 : vector<16xi32> to vector<16xi32>
    %mul3A_578 = arith.constant 96 : i32
    %mul3A_579 = vector.broadcast %mul3A_578 : i32 to vector<16xi32>
    %mul3A_580 = arith.muli %get3A_577, %mul3A_579 : vector<16xi32>
    %get3A_581 = arith.constant 592 : index
    %get3A_582 = tpu.vector_load %arg7[%get3A_581] {strides = array<i32>} : memref<1664xi32, #tpu.memory_space<vmem>>, vector<16xi32>,
    %get3A_583 = vector.shape_cast %get3A_582 : vector<16xi32> to vector<16xi32>
    %add3A_584 = arith.addi %mul3A_580, %get3A_583 : vector<16xi32>
    %swap3A_585 = arith.constant 80 : index
    %swap3A_586 = tpu.vector_load %arg9[%swap3A_585] {strides = array<i32>} : memref<128xi32, #tpu.memory_space<vmem>>, vector<16xi32>,
    %swap3A_587 = vector.shape_cast %swap3A_586 : vector<16xi32> to vector<16xi32>
    %swap3A_588 = vector.shape_cast %add3A_584 : vector<16xi32> to vector<16xi32>
    tpu.vector_store %arg9[%swap3A_585], %swap3A_588 {strides = array<i32>} : memref<128xi32, #tpu.memory_space<vmem>>, vector<16xi32>,
    %get3A_589 = arith.constant 608 : index
    %get3A_590 = tpu.vector_load %arg8[%get3A_589] {strides = array<i32>} : memref<1664xi32, #tpu.memory_space<vmem>>, vector<16xi32>,
    %get3A_591 = vector.shape_cast %get3A_590 : vector<16xi32> to vector<16xi32>
    %mul3A_592 = arith.constant 96 : i32
    %mul3A_593 = vector.broadcast %mul3A_592 : i32 to vector<16xi32>
    %mul3A_594 = arith.muli %get3A_591, %mul3A_593 : vector<16xi32>
    %get3A_595 = arith.constant 608 : index
    %get3A_596 = tpu.vector_load %arg7[%get3A_595] {strides = array<i32>} : memref<1664xi32, #tpu.memory_space<vmem>>, vector<16xi32>,
    %get3A_597 = vector.shape_cast %get3A_596 : vector<16xi32> to vector<16xi32>
    %add3A_598 = arith.addi %mul3A_594, %get3A_597 : vector<16xi32>
    %swap3A_599 = arith.constant 96 : index
    %swap3A_600 = tpu.vector_load %arg9[%swap3A_599] {strides = array<i32>} : memref<128xi32, #tpu.memory_space<vmem>>, vector<16xi32>,
    %swap3A_601 = vector.shape_cast %swap3A_600 : vector<16xi32> to vector<16xi32>
    %swap3A_602 = vector.shape_cast %add3A_598 : vector<16xi32> to vector<16xi32>
    tpu.vector_store %arg9[%swap3A_599], %swap3A_602 {strides = array<i32>} : memref<128xi32, #tpu.memory_space<vmem>>, vector<16xi32>,
    %get3A_603 = arith.constant 624 : index
    %get3A_604 = tpu.vector_load %arg8[%get3A_603] {strides = array<i32>} : memref<1664xi32, #tpu.memory_space<vmem>>, vector<16xi32>,
    %get3A_605 = vector.shape_cast %get3A_604 : vector<16xi32> to vector<16xi32>
    %mul3A_606 = arith.constant 96 : i32
    %mul3A_607 = vector.broadcast %mul3A_606 : i32 to vector<16xi32>
    %mul3A_608 = arith.muli %get3A_605, %mul3A_607 : vector<16xi32>
    %get3A_609 = arith.constant 624 : index
    %get3A_610 = tpu.vector_load %arg7[%get3A_609] {strides = array<i32>} : memref<1664xi32, #tpu.memory_space<vmem>>, vector<16xi32>,
    %get3A_611 = vector.shape_cast %get3A_610 : vector<16xi32> to vector<16xi32>
    %add3A_612 = arith.addi %mul3A_608, %get3A_611 : vector<16xi32>
    %swap3A_613 = arith.constant 112 : index
    %swap3A_614 = tpu.vector_load %arg9[%swap3A_613] {strides = array<i32>} : memref<128xi32, #tpu.memory_space<vmem>>, vector<16xi32>,
    %swap3A_615 = vector.shape_cast %swap3A_614 : vector<16xi32> to vector<16xi32>
    %swap3A_616 = vector.shape_cast %add3A_612 : vector<16xi32> to vector<16xi32>
    tpu.vector_store %arg9[%swap3A_613], %swap3A_616 {strides = array<i32>} : memref<128xi32, #tpu.memory_space<vmem>>, vector<16xi32>,
    %dma_start3A_617 = arith.constant 0 : i32
    %dma_start3A_618 = arith.constant 0 : i32
    %dma_start3A_619 = tpu.memref_slice %arg6[%dma_start3A_617, %dma_start3A_618] : memref<288x128xf32, #tpu.memory_space<vmem_shared>> -> memref<288x128xf32, #tpu.memory_space<vmem_shared>>
    tpu.enqueue_indirect_dma source(%dma_start3A_619 : memref<288x128xf32, #tpu.memory_space<vmem_shared>>) target(%arg11 : memref<128x128xf32, #tpu.memory_space<vmem>>) offsets(%arg9 : memref<128xi32, #tpu.memory_space<vmem>>) semaphore(%arg13 : memref<!tpu.dma_semaphore, #tpu.memory_space<semaphore_mem>>)
    %dma_wait3A_620 = arith.constant 0 : i32
    %dma_wait3A_621 = arith.constant 0 : i32
    %dma_wait3A_622 = tpu.memref_slice %arg6[%dma_wait3A_620, %dma_wait3A_621] : memref<288x128xf32, #tpu.memory_space<vmem_shared>> -> memref<288x128xf32, #tpu.memory_space<vmem_shared>>
    tpu.wait_indirect_dma semaphore(%arg14 : memref<!tpu.dma_semaphore, #tpu.memory_space<semaphore_mem>>) src(%dma_wait3A_622 : memref<288x128xf32, #tpu.memory_space<vmem_shared>>) dst(%arg12 : memref<128x128xf32, #tpu.memory_space<vmem>>)
    %add3A_623 = arith.constant 384 : i32
    %add3A_624 = arith.addi %select_n3A, %add3A_623 : i32
    %dma_start3A_625 = arith.constant 0 : i32
    %dma_start3A_626 = tpu.memref_slice %arg5[%add3A_624, %dma_start3A_625] : memref<50000x128xf32, #tpu.memory_space<hbm>> -> memref<128x128xf32, #tpu.memory_space<hbm>>
    %dma_start3A_627 = arith.constant 0 : i32
    %dma_start3A_628 = tpu.memref_slice %arg5[%add3A_624, %dma_start3A_627] : memref<50000x128xf32, #tpu.memory_space<hbm>> -> memref<128x128xf32, #tpu.memory_space<hbm>>
    tpu.enqueue_dma source(%arg12 : memref<128x128xf32, #tpu.memory_space<vmem>>) target(%dma_start3A_628 : memref<128x128xf32, #tpu.memory_space<hbm>>) target_semaphore(%arg16 : memref<!tpu.dma_semaphore, #tpu.memory_space<semaphore_mem>>)
    %dma_wait3A_629 = arith.constant 0 : i32
    %dma_wait3A_630 = tpu.memref_slice %arg5[%add3A_624, %dma_wait3A_629] : memref<50000x128xf32, #tpu.memory_space<hbm>> -> memref<128x128xf32, #tpu.memory_space<hbm>>
    %dma_wait3A_631 = arith.constant 0 : i32
    %dma_wait3A_632 = tpu.memref_slice %arg5[%add3A_624, %dma_wait3A_631] : memref<50000x128xf32, #tpu.memory_space<hbm>> -> memref<128x128xf32, #tpu.memory_space<hbm>>
    tpu.wait_dma2 semaphore(%arg16 : memref<!tpu.dma_semaphore, #tpu.memory_space<semaphore_mem>>) src(%arg12 : memref<128x128xf32, #tpu.memory_space<vmem>>) dst(%dma_wait3A_632 : memref<128x128xf32, #tpu.memory_space<hbm>>)
    %get3A_633 = arith.constant 640 : index
    %get3A_634 = tpu.vector_load %arg8[%get3A_633] {strides = array<i32>} : memref<1664xi32, #tpu.memory_space<vmem>>, vector<16xi32>,
    %get3A_635 = vector.shape_cast %get3A_634 : vector<16xi32> to vector<16xi32>
    %mul3A_636 = arith.constant 96 : i32
    %mul3A_637 = vector.broadcast %mul3A_636 : i32 to vector<16xi32>
    %mul3A_638 = arith.muli %get3A_635, %mul3A_637 : vector<16xi32>
    %get3A_639 = arith.constant 640 : index
    %get3A_640 = tpu.vector_load %arg7[%get3A_639] {strides = array<i32>} : memref<1664xi32, #tpu.memory_space<vmem>>, vector<16xi32>,
    %get3A_641 = vector.shape_cast %get3A_640 : vector<16xi32> to vector<16xi32>
    %add3A_642 = arith.addi %mul3A_638, %get3A_641 : vector<16xi32>
    %swap3A_643 = arith.constant 0 : index
    %swap3A_644 = tpu.vector_load %arg10[%swap3A_643] {strides = array<i32>} : memref<128xi32, #tpu.memory_space<vmem>>, vector<16xi32>,
    %swap3A_645 = vector.shape_cast %swap3A_644 : vector<16xi32> to vector<16xi32>
    %swap3A_646 = vector.shape_cast %add3A_642 : vector<16xi32> to vector<16xi32>
    tpu.vector_store %arg10[%swap3A_643], %swap3A_646 {strides = array<i32>} : memref<128xi32, #tpu.memory_space<vmem>>, vector<16xi32>,
    %get3A_647 = arith.constant 656 : index
    %get3A_648 = tpu.vector_load %arg8[%get3A_647] {strides = array<i32>} : memref<1664xi32, #tpu.memory_space<vmem>>, vector<16xi32>,
    %get3A_649 = vector.shape_cast %get3A_648 : vector<16xi32> to vector<16xi32>
    %mul3A_650 = arith.constant 96 : i32
    %mul3A_651 = vector.broadcast %mul3A_650 : i32 to vector<16xi32>
    %mul3A_652 = arith.muli %get3A_649, %mul3A_651 : vector<16xi32>
    %get3A_653 = arith.constant 656 : index
    %get3A_654 = tpu.vector_load %arg7[%get3A_653] {strides = array<i32>} : memref<1664xi32, #tpu.memory_space<vmem>>, vector<16xi32>,
    %get3A_655 = vector.shape_cast %get3A_654 : vector<16xi32> to vector<16xi32>
    %add3A_656 = arith.addi %mul3A_652, %get3A_655 : vector<16xi32>
    %swap3A_657 = arith.constant 16 : index
    %swap3A_658 = tpu.vector_load %arg10[%swap3A_657] {strides = array<i32>} : memref<128xi32, #tpu.memory_space<vmem>>, vector<16xi32>,
    %swap3A_659 = vector.shape_cast %swap3A_658 : vector<16xi32> to vector<16xi32>
    %swap3A_660 = vector.shape_cast %add3A_656 : vector<16xi32> to vector<16xi32>
    tpu.vector_store %arg10[%swap3A_657], %swap3A_660 {strides = array<i32>} : memref<128xi32, #tpu.memory_space<vmem>>, vector<16xi32>,
    %get3A_661 = arith.constant 672 : index
    %get3A_662 = tpu.vector_load %arg8[%get3A_661] {strides = array<i32>} : memref<1664xi32, #tpu.memory_space<vmem>>, vector<16xi32>,
    %get3A_663 = vector.shape_cast %get3A_662 : vector<16xi32> to vector<16xi32>
    %mul3A_664 = arith.constant 96 : i32
    %mul3A_665 = vector.broadcast %mul3A_664 : i32 to vector<16xi32>
    %mul3A_666 = arith.muli %get3A_663, %mul3A_665 : vector<16xi32>
    %get3A_667 = arith.constant 672 : index
    %get3A_668 = tpu.vector_load %arg7[%get3A_667] {strides = array<i32>} : memref<1664xi32, #tpu.memory_space<vmem>>, vector<16xi32>,
    %get3A_669 = vector.shape_cast %get3A_668 : vector<16xi32> to vector<16xi32>
    %add3A_670 = arith.addi %mul3A_666, %get3A_669 : vector<16xi32>
    %swap3A_671 = arith.constant 32 : index
    %swap3A_672 = tpu.vector_load %arg10[%swap3A_671] {strides = array<i32>} : memref<128xi32, #tpu.memory_space<vmem>>, vector<16xi32>,
    %swap3A_673 = vector.shape_cast %swap3A_672 : vector<16xi32> to vector<16xi32>
    %swap3A_674 = vector.shape_cast %add3A_670 : vector<16xi32> to vector<16xi32>
    tpu.vector_store %arg10[%swap3A_671], %swap3A_674 {strides = array<i32>} : memref<128xi32, #tpu.memory_space<vmem>>, vector<16xi32>,
    %get3A_675 = arith.constant 688 : index
    %get3A_676 = tpu.vector_load %arg8[%get3A_675] {strides = array<i32>} : memref<1664xi32, #tpu.memory_space<vmem>>, vector<16xi32>,
    %get3A_677 = vector.shape_cast %get3A_676 : vector<16xi32> to vector<16xi32>
    %mul3A_678 = arith.constant 96 : i32
    %mul3A_679 = vector.broadcast %mul3A_678 : i32 to vector<16xi32>
    %mul3A_680 = arith.muli %get3A_677, %mul3A_679 : vector<16xi32>
    %get3A_681 = arith.constant 688 : index
    %get3A_682 = tpu.vector_load %arg7[%get3A_681] {strides = array<i32>} : memref<1664xi32, #tpu.memory_space<vmem>>, vector<16xi32>,
    %get3A_683 = vector.shape_cast %get3A_682 : vector<16xi32> to vector<16xi32>
    %add3A_684 = arith.addi %mul3A_680, %get3A_683 : vector<16xi32>
    %swap3A_685 = arith.constant 48 : index
    %swap3A_686 = tpu.vector_load %arg10[%swap3A_685] {strides = array<i32>} : memref<128xi32, #tpu.memory_space<vmem>>, vector<16xi32>,
    %swap3A_687 = vector.shape_cast %swap3A_686 : vector<16xi32> to vector<16xi32>
    %swap3A_688 = vector.shape_cast %add3A_684 : vector<16xi32> to vector<16xi32>
    tpu.vector_store %arg10[%swap3A_685], %swap3A_688 {strides = array<i32>} : memref<128xi32, #tpu.memory_space<vmem>>, vector<16xi32>,
    %get3A_689 = arith.constant 704 : index
    %get3A_690 = tpu.vector_load %arg8[%get3A_689] {strides = array<i32>} : memref<1664xi32, #tpu.memory_space<vmem>>, vector<16xi32>,
    %get3A_691 = vector.shape_cast %get3A_690 : vector<16xi32> to vector<16xi32>
    %mul3A_692 = arith.constant 96 : i32
    %mul3A_693 = vector.broadcast %mul3A_692 : i32 to vector<16xi32>
    %mul3A_694 = arith.muli %get3A_691, %mul3A_693 : vector<16xi32>
    %get3A_695 = arith.constant 704 : index
    %get3A_696 = tpu.vector_load %arg7[%get3A_695] {strides = array<i32>} : memref<1664xi32, #tpu.memory_space<vmem>>, vector<16xi32>,
    %get3A_697 = vector.shape_cast %get3A_696 : vector<16xi32> to vector<16xi32>
    %add3A_698 = arith.addi %mul3A_694, %get3A_697 : vector<16xi32>
    %swap3A_699 = arith.constant 64 : index
    %swap3A_700 = tpu.vector_load %arg10[%swap3A_699] {strides = array<i32>} : memref<128xi32, #tpu.memory_space<vmem>>, vector<16xi32>,
    %swap3A_701 = vector.shape_cast %swap3A_700 : vector<16xi32> to vector<16xi32>
    %swap3A_702 = vector.shape_cast %add3A_698 : vector<16xi32> to vector<16xi32>
    tpu.vector_store %arg10[%swap3A_699], %swap3A_702 {strides = array<i32>} : memref<128xi32, #tpu.memory_space<vmem>>, vector<16xi32>,
    %get3A_703 = arith.constant 720 : index
    %get3A_704 = tpu.vector_load %arg8[%get3A_703] {strides = array<i32>} : memref<1664xi32, #tpu.memory_space<vmem>>, vector<16xi32>,
    %get3A_705 = vector.shape_cast %get3A_704 : vector<16xi32> to vector<16xi32>
    %mul3A_706 = arith.constant 96 : i32
    %mul3A_707 = vector.broadcast %mul3A_706 : i32 to vector<16xi32>
    %mul3A_708 = arith.muli %get3A_705, %mul3A_707 : vector<16xi32>
    %get3A_709 = arith.constant 720 : index
    %get3A_710 = tpu.vector_load %arg7[%get3A_709] {strides = array<i32>} : memref<1664xi32, #tpu.memory_space<vmem>>, vector<16xi32>,
    %get3A_711 = vector.shape_cast %get3A_710 : vector<16xi32> to vector<16xi32>
    %add3A_712 = arith.addi %mul3A_708, %get3A_711 : vector<16xi32>
    %swap3A_713 = arith.constant 80 : index
    %swap3A_714 = tpu.vector_load %arg10[%swap3A_713] {strides = array<i32>} : memref<128xi32, #tpu.memory_space<vmem>>, vector<16xi32>,
    %swap3A_715 = vector.shape_cast %swap3A_714 : vector<16xi32> to vector<16xi32>
    %swap3A_716 = vector.shape_cast %add3A_712 : vector<16xi32> to vector<16xi32>
    tpu.vector_store %arg10[%swap3A_713], %swap3A_716 {strides = array<i32>} : memref<128xi32, #tpu.memory_space<vmem>>, vector<16xi32>,
    %get3A_717 = arith.constant 736 : index
    %get3A_718 = tpu.vector_load %arg8[%get3A_717] {strides = array<i32>} : memref<1664xi32, #tpu.memory_space<vmem>>, vector<16xi32>,
    %get3A_719 = vector.shape_cast %get3A_718 : vector<16xi32> to vector<16xi32>
    %mul3A_720 = arith.constant 96 : i32
    %mul3A_721 = vector.broadcast %mul3A_720 : i32 to vector<16xi32>
    %mul3A_722 = arith.muli %get3A_719, %mul3A_721 : vector<16xi32>
    %get3A_723 = arith.constant 736 : index
    %get3A_724 = tpu.vector_load %arg7[%get3A_723] {strides = array<i32>} : memref<1664xi32, #tpu.memory_space<vmem>>, vector<16xi32>,
    %get3A_725 = vector.shape_cast %get3A_724 : vector<16xi32> to vector<16xi32>
    %add3A_726 = arith.addi %mul3A_722, %get3A_725 : vector<16xi32>
    %swap3A_727 = arith.constant 96 : index
    %swap3A_728 = tpu.vector_load %arg10[%swap3A_727] {strides = array<i32>} : memref<128xi32, #tpu.memory_space<vmem>>, vector<16xi32>,
    %swap3A_729 = vector.shape_cast %swap3A_728 : vector<16xi32> to vector<16xi32>
    %swap3A_730 = vector.shape_cast %add3A_726 : vector<16xi32> to vector<16xi32>
    tpu.vector_store %arg10[%swap3A_727], %swap3A_730 {strides = array<i32>} : memref<128xi32, #tpu.memory_space<vmem>>, vector<16xi32>,
    %get3A_731 = arith.constant 752 : index
    %get3A_732 = tpu.vector_load %arg8[%get3A_731] {strides = array<i32>} : memref<1664xi32, #tpu.memory_space<vmem>>, vector<16xi32>,
    %get3A_733 = vector.shape_cast %get3A_732 : vector<16xi32> to vector<16xi32>
    %mul3A_734 = arith.constant 96 : i32
    %mul3A_735 = vector.broadcast %mul3A_734 : i32 to vector<16xi32>
    %mul3A_736 = arith.muli %get3A_733, %mul3A_735 : vector<16xi32>
    %get3A_737 = arith.constant 752 : index
    %get3A_738 = tpu.vector_load %arg7[%get3A_737] {strides = array<i32>} : memref<1664xi32, #tpu.memory_space<vmem>>, vector<16xi32>,
    %get3A_739 = vector.shape_cast %get3A_738 : vector<16xi32> to vector<16xi32>
    %add3A_740 = arith.addi %mul3A_736, %get3A_739 : vector<16xi32>
    %swap3A_741 = arith.constant 112 : index
    %swap3A_742 = tpu.vector_load %arg10[%swap3A_741] {strides = array<i32>} : memref<128xi32, #tpu.memory_space<vmem>>, vector<16xi32>,
    %swap3A_743 = vector.shape_cast %swap3A_742 : vector<16xi32> to vector<16xi32>
    %swap3A_744 = vector.shape_cast %add3A_740 : vector<16xi32> to vector<16xi32>
    tpu.vector_store %arg10[%swap3A_741], %swap3A_744 {strides = array<i32>} : memref<128xi32, #tpu.memory_space<vmem>>, vector<16xi32>,
    %dma_start3A_745 = arith.constant 0 : i32
    %dma_start3A_746 = arith.constant 0 : i32
    %dma_start3A_747 = tpu.memref_slice %arg6[%dma_start3A_745, %dma_start3A_746] : memref<288x128xf32, #tpu.memory_space<vmem_shared>> -> memref<288x128xf32, #tpu.memory_space<vmem_shared>>
    tpu.enqueue_indirect_dma source(%dma_start3A_747 : memref<288x128xf32, #tpu.memory_space<vmem_shared>>) target(%arg12 : memref<128x128xf32, #tpu.memory_space<vmem>>) offsets(%arg10 : memref<128xi32, #tpu.memory_space<vmem>>) semaphore(%arg14 : memref<!tpu.dma_semaphore, #tpu.memory_space<semaphore_mem>>)
    %dma_wait3A_748 = arith.constant 0 : i32
    %dma_wait3A_749 = arith.constant 0 : i32
    %dma_wait3A_750 = tpu.memref_slice %arg6[%dma_wait3A_748, %dma_wait3A_749] : memref<288x128xf32, #tpu.memory_space<vmem_shared>> -> memref<288x128xf32, #tpu.memory_space<vmem_shared>>
    tpu.wait_indirect_dma semaphore(%arg13 : memref<!tpu.dma_semaphore, #tpu.memory_space<semaphore_mem>>) src(%dma_wait3A_750 : memref<288x128xf32, #tpu.memory_space<vmem_shared>>) dst(%arg11 : memref<128x128xf32, #tpu.memory_space<vmem>>)
    %add3A_751 = arith.constant 512 : i32
    %add3A_752 = arith.addi %select_n3A, %add3A_751 : i32
    %dma_start3A_753 = arith.constant 0 : i32
    %dma_start3A_754 = tpu.memref_slice %arg5[%add3A_752, %dma_start3A_753] : memref<50000x128xf32, #tpu.memory_space<hbm>> -> memref<128x128xf32, #tpu.memory_space<hbm>>
    %dma_start3A_755 = arith.constant 0 : i32
    %dma_start3A_756 = tpu.memref_slice %arg5[%add3A_752, %dma_start3A_755] : memref<50000x128xf32, #tpu.memory_space<hbm>> -> memref<128x128xf32, #tpu.memory_space<hbm>>
    tpu.enqueue_dma source(%arg11 : memref<128x128xf32, #tpu.memory_space<vmem>>) target(%dma_start3A_756 : memref<128x128xf32, #tpu.memory_space<hbm>>) target_semaphore(%arg15 : memref<!tpu.dma_semaphore, #tpu.memory_space<semaphore_mem>>)
    %dma_wait3A_757 = arith.constant 0 : i32
    %dma_wait3A_758 = tpu.memref_slice %arg5[%add3A_752, %dma_wait3A_757] : memref<50000x128xf32, #tpu.memory_space<hbm>> -> memref<128x128xf32, #tpu.memory_space<hbm>>
    %dma_wait3A_759 = arith.constant 0 : i32
    %dma_wait3A_760 = tpu.memref_slice %arg5[%add3A_752, %dma_wait3A_759] : memref<50000x128xf32, #tpu.memory_space<hbm>> -> memref<128x128xf32, #tpu.memory_space<hbm>>
    tpu.wait_dma2 semaphore(%arg15 : memref<!tpu.dma_semaphore, #tpu.memory_space<semaphore_mem>>) src(%arg11 : memref<128x128xf32, #tpu.memory_space<vmem>>) dst(%dma_wait3A_760 : memref<128x128xf32, #tpu.memory_space<hbm>>)
    %get3A_761 = arith.constant 768 : index
    %get3A_762 = tpu.vector_load %arg8[%get3A_761] {strides = array<i32>} : memref<1664xi32, #tpu.memory_space<vmem>>, vector<16xi32>,
    %get3A_763 = vector.shape_cast %get3A_762 : vector<16xi32> to vector<16xi32>
    %mul3A_764 = arith.constant 96 : i32
    %mul3A_765 = vector.broadcast %mul3A_764 : i32 to vector<16xi32>
    %mul3A_766 = arith.muli %get3A_763, %mul3A_765 : vector<16xi32>
    %get3A_767 = arith.constant 768 : index
    %get3A_768 = tpu.vector_load %arg7[%get3A_767] {strides = array<i32>} : memref<1664xi32, #tpu.memory_space<vmem>>, vector<16xi32>,
    %get3A_769 = vector.shape_cast %get3A_768 : vector<16xi32> to vector<16xi32>
    %add3A_770 = arith.addi %mul3A_766, %get3A_769 : vector<16xi32>
    %swap3A_771 = arith.constant 0 : index
    %swap3A_772 = tpu.vector_load %arg9[%swap3A_771] {strides = array<i32>} : memref<128xi32, #tpu.memory_space<vmem>>, vector<16xi32>,
    %swap3A_773 = vector.shape_cast %swap3A_772 : vector<16xi32> to vector<16xi32>
    %swap3A_774 = vector.shape_cast %add3A_770 : vector<16xi32> to vector<16xi32>
    tpu.vector_store %arg9[%swap3A_771], %swap3A_774 {strides = array<i32>} : memref<128xi32, #tpu.memory_space<vmem>>, vector<16xi32>,
    %get3A_775 = arith.constant 784 : index
    %get3A_776 = tpu.vector_load %arg8[%get3A_775] {strides = array<i32>} : memref<1664xi32, #tpu.memory_space<vmem>>, vector<16xi32>,
    %get3A_777 = vector.shape_cast %get3A_776 : vector<16xi32> to vector<16xi32>
    %mul3A_778 = arith.constant 96 : i32
    %mul3A_779 = vector.broadcast %mul3A_778 : i32 to vector<16xi32>
    %mul3A_780 = arith.muli %get3A_777, %mul3A_779 : vector<16xi32>
    %get3A_781 = arith.constant 784 : index
    %get3A_782 = tpu.vector_load %arg7[%get3A_781] {strides = array<i32>} : memref<1664xi32, #tpu.memory_space<vmem>>, vector<16xi32>,
    %get3A_783 = vector.shape_cast %get3A_782 : vector<16xi32> to vector<16xi32>
    %add3A_784 = arith.addi %mul3A_780, %get3A_783 : vector<16xi32>
    %swap3A_785 = arith.constant 16 : index
    %swap3A_786 = tpu.vector_load %arg9[%swap3A_785] {strides = array<i32>} : memref<128xi32, #tpu.memory_space<vmem>>, vector<16xi32>,
    %swap3A_787 = vector.shape_cast %swap3A_786 : vector<16xi32> to vector<16xi32>
    %swap3A_788 = vector.shape_cast %add3A_784 : vector<16xi32> to vector<16xi32>
    tpu.vector_store %arg9[%swap3A_785], %swap3A_788 {strides = array<i32>} : memref<128xi32, #tpu.memory_space<vmem>>, vector<16xi32>,
    %get3A_789 = arith.constant 800 : index
    %get3A_790 = tpu.vector_load %arg8[%get3A_789] {strides = array<i32>} : memref<1664xi32, #tpu.memory_space<vmem>>, vector<16xi32>,
    %get3A_791 = vector.shape_cast %get3A_790 : vector<16xi32> to vector<16xi32>
    %mul3A_792 = arith.constant 96 : i32
    %mul3A_793 = vector.broadcast %mul3A_792 : i32 to vector<16xi32>
    %mul3A_794 = arith.muli %get3A_791, %mul3A_793 : vector<16xi32>
    %get3A_795 = arith.constant 800 : index
    %get3A_796 = tpu.vector_load %arg7[%get3A_795] {strides = array<i32>} : memref<1664xi32, #tpu.memory_space<vmem>>, vector<16xi32>,
    %get3A_797 = vector.shape_cast %get3A_796 : vector<16xi32> to vector<16xi32>
    %add3A_798 = arith.addi %mul3A_794, %get3A_797 : vector<16xi32>
    %swap3A_799 = arith.constant 32 : index
    %swap3A_800 = tpu.vector_load %arg9[%swap3A_799] {strides = array<i32>} : memref<128xi32, #tpu.memory_space<vmem>>, vector<16xi32>,
    %swap3A_801 = vector.shape_cast %swap3A_800 : vector<16xi32> to vector<16xi32>
    %swap3A_802 = vector.shape_cast %add3A_798 : vector<16xi32> to vector<16xi32>
    tpu.vector_store %arg9[%swap3A_799], %swap3A_802 {strides = array<i32>} : memref<128xi32, #tpu.memory_space<vmem>>, vector<16xi32>,
    %get3A_803 = arith.constant 816 : index
    %get3A_804 = tpu.vector_load %arg8[%get3A_803] {strides = array<i32>} : memref<1664xi32, #tpu.memory_space<vmem>>, vector<16xi32>,
    %get3A_805 = vector.shape_cast %get3A_804 : vector<16xi32> to vector<16xi32>
    %mul3A_806 = arith.constant 96 : i32
    %mul3A_807 = vector.broadcast %mul3A_806 : i32 to vector<16xi32>
    %mul3A_808 = arith.muli %get3A_805, %mul3A_807 : vector<16xi32>
    %get3A_809 = arith.constant 816 : index
    %get3A_810 = tpu.vector_load %arg7[%get3A_809] {strides = array<i32>} : memref<1664xi32, #tpu.memory_space<vmem>>, vector<16xi32>,
    %get3A_811 = vector.shape_cast %get3A_810 : vector<16xi32> to vector<16xi32>
    %add3A_812 = arith.addi %mul3A_808, %get3A_811 : vector<16xi32>
    %swap3A_813 = arith.constant 48 : index
    %swap3A_814 = tpu.vector_load %arg9[%swap3A_813] {strides = array<i32>} : memref<128xi32, #tpu.memory_space<vmem>>, vector<16xi32>,
    %swap3A_815 = vector.shape_cast %swap3A_814 : vector<16xi32> to vector<16xi32>
    %swap3A_816 = vector.shape_cast %add3A_812 : vector<16xi32> to vector<16xi32>
    tpu.vector_store %arg9[%swap3A_813], %swap3A_816 {strides = array<i32>} : memref<128xi32, #tpu.memory_space<vmem>>, vector<16xi32>,
    %get3A_817 = arith.constant 832 : index
    %get3A_818 = tpu.vector_load %arg8[%get3A_817] {strides = array<i32>} : memref<1664xi32, #tpu.memory_space<vmem>>, vector<16xi32>,
    %get3A_819 = vector.shape_cast %get3A_818 : vector<16xi32> to vector<16xi32>
    %mul3A_820 = arith.constant 96 : i32
    %mul3A_821 = vector.broadcast %mul3A_820 : i32 to vector<16xi32>
    %mul3A_822 = arith.muli %get3A_819, %mul3A_821 : vector<16xi32>
    %get3A_823 = arith.constant 832 : index
    %get3A_824 = tpu.vector_load %arg7[%get3A_823] {strides = array<i32>} : memref<1664xi32, #tpu.memory_space<vmem>>, vector<16xi32>,
    %get3A_825 = vector.shape_cast %get3A_824 : vector<16xi32> to vector<16xi32>
    %add3A_826 = arith.addi %mul3A_822, %get3A_825 : vector<16xi32>
    %swap3A_827 = arith.constant 64 : index
    %swap3A_828 = tpu.vector_load %arg9[%swap3A_827] {strides = array<i32>} : memref<128xi32, #tpu.memory_space<vmem>>, vector<16xi32>,
    %swap3A_829 = vector.shape_cast %swap3A_828 : vector<16xi32> to vector<16xi32>
    %swap3A_830 = vector.shape_cast %add3A_826 : vector<16xi32> to vector<16xi32>
    tpu.vector_store %arg9[%swap3A_827], %swap3A_830 {strides = array<i32>} : memref<128xi32, #tpu.memory_space<vmem>>, vector<16xi32>,
    %get3A_831 = arith.constant 848 : index
    %get3A_832 = tpu.vector_load %arg8[%get3A_831] {strides = array<i32>} : memref<1664xi32, #tpu.memory_space<vmem>>, vector<16xi32>,
    %get3A_833 = vector.shape_cast %get3A_832 : vector<16xi32> to vector<16xi32>
    %mul3A_834 = arith.constant 96 : i32
    %mul3A_835 = vector.broadcast %mul3A_834 : i32 to vector<16xi32>
    %mul3A_836 = arith.muli %get3A_833, %mul3A_835 : vector<16xi32>
    %get3A_837 = arith.constant 848 : index
    %get3A_838 = tpu.vector_load %arg7[%get3A_837] {strides = array<i32>} : memref<1664xi32, #tpu.memory_space<vmem>>, vector<16xi32>,
    %get3A_839 = vector.shape_cast %get3A_838 : vector<16xi32> to vector<16xi32>
    %add3A_840 = arith.addi %mul3A_836, %get3A_839 : vector<16xi32>
    %swap3A_841 = arith.constant 80 : index
    %swap3A_842 = tpu.vector_load %arg9[%swap3A_841] {strides = array<i32>} : memref<128xi32, #tpu.memory_space<vmem>>, vector<16xi32>,
    %swap3A_843 = vector.shape_cast %swap3A_842 : vector<16xi32> to vector<16xi32>
    %swap3A_844 = vector.shape_cast %add3A_840 : vector<16xi32> to vector<16xi32>
    tpu.vector_store %arg9[%swap3A_841], %swap3A_844 {strides = array<i32>} : memref<128xi32, #tpu.memory_space<vmem>>, vector<16xi32>,
    %get3A_845 = arith.constant 864 : index
    %get3A_846 = tpu.vector_load %arg8[%get3A_845] {strides = array<i32>} : memref<1664xi32, #tpu.memory_space<vmem>>, vector<16xi32>,
    %get3A_847 = vector.shape_cast %get3A_846 : vector<16xi32> to vector<16xi32>
    %mul3A_848 = arith.constant 96 : i32
    %mul3A_849 = vector.broadcast %mul3A_848 : i32 to vector<16xi32>
    %mul3A_850 = arith.muli %get3A_847, %mul3A_849 : vector<16xi32>
    %get3A_851 = arith.constant 864 : index
    %get3A_852 = tpu.vector_load %arg7[%get3A_851] {strides = array<i32>} : memref<1664xi32, #tpu.memory_space<vmem>>, vector<16xi32>,
    %get3A_853 = vector.shape_cast %get3A_852 : vector<16xi32> to vector<16xi32>
    %add3A_854 = arith.addi %mul3A_850, %get3A_853 : vector<16xi32>
    %swap3A_855 = arith.constant 96 : index
    %swap3A_856 = tpu.vector_load %arg9[%swap3A_855] {strides = array<i32>} : memref<128xi32, #tpu.memory_space<vmem>>, vector<16xi32>,
    %swap3A_857 = vector.shape_cast %swap3A_856 : vector<16xi32> to vector<16xi32>
    %swap3A_858 = vector.shape_cast %add3A_854 : vector<16xi32> to vector<16xi32>
    tpu.vector_store %arg9[%swap3A_855], %swap3A_858 {strides = array<i32>} : memref<128xi32, #tpu.memory_space<vmem>>, vector<16xi32>,
    %get3A_859 = arith.constant 880 : index
    %get3A_860 = tpu.vector_load %arg8[%get3A_859] {strides = array<i32>} : memref<1664xi32, #tpu.memory_space<vmem>>, vector<16xi32>,
    %get3A_861 = vector.shape_cast %get3A_860 : vector<16xi32> to vector<16xi32>
    %mul3A_862 = arith.constant 96 : i32
    %mul3A_863 = vector.broadcast %mul3A_862 : i32 to vector<16xi32>
    %mul3A_864 = arith.muli %get3A_861, %mul3A_863 : vector<16xi32>
    %get3A_865 = arith.constant 880 : index
    %get3A_866 = tpu.vector_load %arg7[%get3A_865] {strides = array<i32>} : memref<1664xi32, #tpu.memory_space<vmem>>, vector<16xi32>,
    %get3A_867 = vector.shape_cast %get3A_866 : vector<16xi32> to vector<16xi32>
    %add3A_868 = arith.addi %mul3A_864, %get3A_867 : vector<16xi32>
    %swap3A_869 = arith.constant 112 : index
    %swap3A_870 = tpu.vector_load %arg9[%swap3A_869] {strides = array<i32>} : memref<128xi32, #tpu.memory_space<vmem>>, vector<16xi32>,
    %swap3A_871 = vector.shape_cast %swap3A_870 : vector<16xi32> to vector<16xi32>
    %swap3A_872 = vector.shape_cast %add3A_868 : vector<16xi32> to vector<16xi32>
    tpu.vector_store %arg9[%swap3A_869], %swap3A_872 {strides = array<i32>} : memref<128xi32, #tpu.memory_space<vmem>>, vector<16xi32>,
    %dma_start3A_873 = arith.constant 0 : i32
    %dma_start3A_874 = arith.constant 0 : i32
    %dma_start3A_875 = tpu.memref_slice %arg6[%dma_start3A_873, %dma_start3A_874] : memref<288x128xf32, #tpu.memory_space<vmem_shared>> -> memref<288x128xf32, #tpu.memory_space<vmem_shared>>
    tpu.enqueue_indirect_dma source(%dma_start3A_875 : memref<288x128xf32, #tpu.memory_space<vmem_shared>>) target(%arg11 : memref<128x128xf32, #tpu.memory_space<vmem>>) offsets(%arg9 : memref<128xi32, #tpu.memory_space<vmem>>) semaphore(%arg13 : memref<!tpu.dma_semaphore, #tpu.memory_space<semaphore_mem>>)
    %dma_wait3A_876 = arith.constant 0 : i32
    %dma_wait3A_877 = arith.constant 0 : i32
    %dma_wait3A_878 = tpu.memref_slice %arg6[%dma_wait3A_876, %dma_wait3A_877] : memref<288x128xf32, #tpu.memory_space<vmem_shared>> -> memref<288x128xf32, #tpu.memory_space<vmem_shared>>
    tpu.wait_indirect_dma semaphore(%arg14 : memref<!tpu.dma_semaphore, #tpu.memory_space<semaphore_mem>>) src(%dma_wait3A_878 : memref<288x128xf32, #tpu.memory_space<vmem_shared>>) dst(%arg12 : memref<128x128xf32, #tpu.memory_space<vmem>>)
    %add3A_879 = arith.constant 640 : i32
    %add3A_880 = arith.addi %select_n3A, %add3A_879 : i32
    %dma_start3A_881 = arith.constant 0 : i32
    %dma_start3A_882 = tpu.memref_slice %arg5[%add3A_880, %dma_start3A_881] : memref<50000x128xf32, #tpu.memory_space<hbm>> -> memref<128x128xf32, #tpu.memory_space<hbm>>
    %dma_start3A_883 = arith.constant 0 : i32
    %dma_start3A_884 = tpu.memref_slice %arg5[%add3A_880, %dma_start3A_883] : memref<50000x128xf32, #tpu.memory_space<hbm>> -> memref<128x128xf32, #tpu.memory_space<hbm>>
    tpu.enqueue_dma source(%arg12 : memref<128x128xf32, #tpu.memory_space<vmem>>) target(%dma_start3A_884 : memref<128x128xf32, #tpu.memory_space<hbm>>) target_semaphore(%arg16 : memref<!tpu.dma_semaphore, #tpu.memory_space<semaphore_mem>>)
    %dma_wait3A_885 = arith.constant 0 : i32
    %dma_wait3A_886 = tpu.memref_slice %arg5[%add3A_880, %dma_wait3A_885] : memref<50000x128xf32, #tpu.memory_space<hbm>> -> memref<128x128xf32, #tpu.memory_space<hbm>>
    %dma_wait3A_887 = arith.constant 0 : i32
    %dma_wait3A_888 = tpu.memref_slice %arg5[%add3A_880, %dma_wait3A_887] : memref<50000x128xf32, #tpu.memory_space<hbm>> -> memref<128x128xf32, #tpu.memory_space<hbm>>
    tpu.wait_dma2 semaphore(%arg16 : memref<!tpu.dma_semaphore, #tpu.memory_space<semaphore_mem>>) src(%arg12 : memref<128x128xf32, #tpu.memory_space<vmem>>) dst(%dma_wait3A_888 : memref<128x128xf32, #tpu.memory_space<hbm>>)
    %get3A_889 = arith.constant 896 : index
    %get3A_890 = tpu.vector_load %arg8[%get3A_889] {strides = array<i32>} : memref<1664xi32, #tpu.memory_space<vmem>>, vector<16xi32>,
    %get3A_891 = vector.shape_cast %get3A_890 : vector<16xi32> to vector<16xi32>
    %mul3A_892 = arith.constant 96 : i32
    %mul3A_893 = vector.broadcast %mul3A_892 : i32 to vector<16xi32>
    %mul3A_894 = arith.muli %get3A_891, %mul3A_893 : vector<16xi32>
    %get3A_895 = arith.constant 896 : index
    %get3A_896 = tpu.vector_load %arg7[%get3A_895] {strides = array<i32>} : memref<1664xi32, #tpu.memory_space<vmem>>, vector<16xi32>,
    %get3A_897 = vector.shape_cast %get3A_896 : vector<16xi32> to vector<16xi32>
    %add3A_898 = arith.addi %mul3A_894, %get3A_897 : vector<16xi32>
    %swap3A_899 = arith.constant 0 : index
    %swap3A_900 = tpu.vector_load %arg10[%swap3A_899] {strides = array<i32>} : memref<128xi32, #tpu.memory_space<vmem>>, vector<16xi32>,
    %swap3A_901 = vector.shape_cast %swap3A_900 : vector<16xi32> to vector<16xi32>
    %swap3A_902 = vector.shape_cast %add3A_898 : vector<16xi32> to vector<16xi32>
    tpu.vector_store %arg10[%swap3A_899], %swap3A_902 {strides = array<i32>} : memref<128xi32, #tpu.memory_space<vmem>>, vector<16xi32>,
    %get3A_903 = arith.constant 912 : index
    %get3A_904 = tpu.vector_load %arg8[%get3A_903] {strides = array<i32>} : memref<1664xi32, #tpu.memory_space<vmem>>, vector<16xi32>,
    %get3A_905 = vector.shape_cast %get3A_904 : vector<16xi32> to vector<16xi32>
    %mul3A_906 = arith.constant 96 : i32
    %mul3A_907 = vector.broadcast %mul3A_906 : i32 to vector<16xi32>
    %mul3A_908 = arith.muli %get3A_905, %mul3A_907 : vector<16xi32>
    %get3A_909 = arith.constant 912 : index
    %get3A_910 = tpu.vector_load %arg7[%get3A_909] {strides = array<i32>} : memref<1664xi32, #tpu.memory_space<vmem>>, vector<16xi32>,
    %get3A_911 = vector.shape_cast %get3A_910 : vector<16xi32> to vector<16xi32>
    %add3A_912 = arith.addi %mul3A_908, %get3A_911 : vector<16xi32>
    %swap3A_913 = arith.constant 16 : index
    %swap3A_914 = tpu.vector_load %arg10[%swap3A_913] {strides = array<i32>} : memref<128xi32, #tpu.memory_space<vmem>>, vector<16xi32>,
    %swap3A_915 = vector.shape_cast %swap3A_914 : vector<16xi32> to vector<16xi32>
    %swap3A_916 = vector.shape_cast %add3A_912 : vector<16xi32> to vector<16xi32>
    tpu.vector_store %arg10[%swap3A_913], %swap3A_916 {strides = array<i32>} : memref<128xi32, #tpu.memory_space<vmem>>, vector<16xi32>,
    %get3A_917 = arith.constant 928 : index
    %get3A_918 = tpu.vector_load %arg8[%get3A_917] {strides = array<i32>} : memref<1664xi32, #tpu.memory_space<vmem>>, vector<16xi32>,
    %get3A_919 = vector.shape_cast %get3A_918 : vector<16xi32> to vector<16xi32>
    %mul3A_920 = arith.constant 96 : i32
    %mul3A_921 = vector.broadcast %mul3A_920 : i32 to vector<16xi32>
    %mul3A_922 = arith.muli %get3A_919, %mul3A_921 : vector<16xi32>
    %get3A_923 = arith.constant 928 : index
    %get3A_924 = tpu.vector_load %arg7[%get3A_923] {strides = array<i32>} : memref<1664xi32, #tpu.memory_space<vmem>>, vector<16xi32>,
    %get3A_925 = vector.shape_cast %get3A_924 : vector<16xi32> to vector<16xi32>
    %add3A_926 = arith.addi %mul3A_922, %get3A_925 : vector<16xi32>
    %swap3A_927 = arith.constant 32 : index
    %swap3A_928 = tpu.vector_load %arg10[%swap3A_927] {strides = array<i32>} : memref<128xi32, #tpu.memory_space<vmem>>, vector<16xi32>,
    %swap3A_929 = vector.shape_cast %swap3A_928 : vector<16xi32> to vector<16xi32>
    %swap3A_930 = vector.shape_cast %add3A_926 : vector<16xi32> to vector<16xi32>
    tpu.vector_store %arg10[%swap3A_927], %swap3A_930 {strides = array<i32>} : memref<128xi32, #tpu.memory_space<vmem>>, vector<16xi32>,
    %get3A_931 = arith.constant 944 : index
    %get3A_932 = tpu.vector_load %arg8[%get3A_931] {strides = array<i32>} : memref<1664xi32, #tpu.memory_space<vmem>>, vector<16xi32>,
    %get3A_933 = vector.shape_cast %get3A_932 : vector<16xi32> to vector<16xi32>
    %mul3A_934 = arith.constant 96 : i32
    %mul3A_935 = vector.broadcast %mul3A_934 : i32 to vector<16xi32>
    %mul3A_936 = arith.muli %get3A_933, %mul3A_935 : vector<16xi32>
    %get3A_937 = arith.constant 944 : index
    %get3A_938 = tpu.vector_load %arg7[%get3A_937] {strides = array<i32>} : memref<1664xi32, #tpu.memory_space<vmem>>, vector<16xi32>,
    %get3A_939 = vector.shape_cast %get3A_938 : vector<16xi32> to vector<16xi32>
    %add3A_940 = arith.addi %mul3A_936, %get3A_939 : vector<16xi32>
    %swap3A_941 = arith.constant 48 : index
    %swap3A_942 = tpu.vector_load %arg10[%swap3A_941] {strides = array<i32>} : memref<128xi32, #tpu.memory_space<vmem>>, vector<16xi32>,
    %swap3A_943 = vector.shape_cast %swap3A_942 : vector<16xi32> to vector<16xi32>
    %swap3A_944 = vector.shape_cast %add3A_940 : vector<16xi32> to vector<16xi32>
    tpu.vector_store %arg10[%swap3A_941], %swap3A_944 {strides = array<i32>} : memref<128xi32, #tpu.memory_space<vmem>>, vector<16xi32>,
    %get3A_945 = arith.constant 960 : index
    %get3A_946 = tpu.vector_load %arg8[%get3A_945] {strides = array<i32>} : memref<1664xi32, #tpu.memory_space<vmem>>, vector<16xi32>,
    %get3A_947 = vector.shape_cast %get3A_946 : vector<16xi32> to vector<16xi32>
    %mul3A_948 = arith.constant 96 : i32
    %mul3A_949 = vector.broadcast %mul3A_948 : i32 to vector<16xi32>
    %mul3A_950 = arith.muli %get3A_947, %mul3A_949 : vector<16xi32>
    %get3A_951 = arith.constant 960 : index
    %get3A_952 = tpu.vector_load %arg7[%get3A_951] {strides = array<i32>} : memref<1664xi32, #tpu.memory_space<vmem>>, vector<16xi32>,
    %get3A_953 = vector.shape_cast %get3A_952 : vector<16xi32> to vector<16xi32>
    %add3A_954 = arith.addi %mul3A_950, %get3A_953 : vector<16xi32>
    %swap3A_955 = arith.constant 64 : index
    %swap3A_956 = tpu.vector_load %arg10[%swap3A_955] {strides = array<i32>} : memref<128xi32, #tpu.memory_space<vmem>>, vector<16xi32>,
    %swap3A_957 = vector.shape_cast %swap3A_956 : vector<16xi32> to vector<16xi32>
    %swap3A_958 = vector.shape_cast %add3A_954 : vector<16xi32> to vector<16xi32>
    tpu.vector_store %arg10[%swap3A_955], %swap3A_958 {strides = array<i32>} : memref<128xi32, #tpu.memory_space<vmem>>, vector<16xi32>,
    %get3A_959 = arith.constant 976 : index
    %get3A_960 = tpu.vector_load %arg8[%get3A_959] {strides = array<i32>} : memref<1664xi32, #tpu.memory_space<vmem>>, vector<16xi32>,
    %get3A_961 = vector.shape_cast %get3A_960 : vector<16xi32> to vector<16xi32>
    %mul3A_962 = arith.constant 96 : i32
    %mul3A_963 = vector.broadcast %mul3A_962 : i32 to vector<16xi32>
    %mul3A_964 = arith.muli %get3A_961, %mul3A_963 : vector<16xi32>
    %get3A_965 = arith.constant 976 : index
    %get3A_966 = tpu.vector_load %arg7[%get3A_965] {strides = array<i32>} : memref<1664xi32, #tpu.memory_space<vmem>>, vector<16xi32>,
    %get3A_967 = vector.shape_cast %get3A_966 : vector<16xi32> to vector<16xi32>
    %add3A_968 = arith.addi %mul3A_964, %get3A_967 : vector<16xi32>
    %swap3A_969 = arith.constant 80 : index
    %swap3A_970 = tpu.vector_load %arg10[%swap3A_969] {strides = array<i32>} : memref<128xi32, #tpu.memory_space<vmem>>, vector<16xi32>,
    %swap3A_971 = vector.shape_cast %swap3A_970 : vector<16xi32> to vector<16xi32>
    %swap3A_972 = vector.shape_cast %add3A_968 : vector<16xi32> to vector<16xi32>
    tpu.vector_store %arg10[%swap3A_969], %swap3A_972 {strides = array<i32>} : memref<128xi32, #tpu.memory_space<vmem>>, vector<16xi32>,
    %get3A_973 = arith.constant 992 : index
    %get3A_974 = tpu.vector_load %arg8[%get3A_973] {strides = array<i32>} : memref<1664xi32, #tpu.memory_space<vmem>>, vector<16xi32>,
    %get3A_975 = vector.shape_cast %get3A_974 : vector<16xi32> to vector<16xi32>
    %mul3A_976 = arith.constant 96 : i32
    %mul3A_977 = vector.broadcast %mul3A_976 : i32 to vector<16xi32>
    %mul3A_978 = arith.muli %get3A_975, %mul3A_977 : vector<16xi32>
    %get3A_979 = arith.constant 992 : index
    %get3A_980 = tpu.vector_load %arg7[%get3A_979] {strides = array<i32>} : memref<1664xi32, #tpu.memory_space<vmem>>, vector<16xi32>,
    %get3A_981 = vector.shape_cast %get3A_980 : vector<16xi32> to vector<16xi32>
    %add3A_982 = arith.addi %mul3A_978, %get3A_981 : vector<16xi32>
    %swap3A_983 = arith.constant 96 : index
    %swap3A_984 = tpu.vector_load %arg10[%swap3A_983] {strides = array<i32>} : memref<128xi32, #tpu.memory_space<vmem>>, vector<16xi32>,
    %swap3A_985 = vector.shape_cast %swap3A_984 : vector<16xi32> to vector<16xi32>
    %swap3A_986 = vector.shape_cast %add3A_982 : vector<16xi32> to vector<16xi32>
    tpu.vector_store %arg10[%swap3A_983], %swap3A_986 {strides = array<i32>} : memref<128xi32, #tpu.memory_space<vmem>>, vector<16xi32>,
    %get3A_987 = arith.constant 1008 : index
    %get3A_988 = tpu.vector_load %arg8[%get3A_987] {strides = array<i32>} : memref<1664xi32, #tpu.memory_space<vmem>>, vector<16xi32>,
    %get3A_989 = vector.shape_cast %get3A_988 : vector<16xi32> to vector<16xi32>
    %mul3A_990 = arith.constant 96 : i32
    %mul3A_991 = vector.broadcast %mul3A_990 : i32 to vector<16xi32>
    %mul3A_992 = arith.muli %get3A_989, %mul3A_991 : vector<16xi32>
    %get3A_993 = arith.constant 1008 : index
    %get3A_994 = tpu.vector_load %arg7[%get3A_993] {strides = array<i32>} : memref<1664xi32, #tpu.memory_space<vmem>>, vector<16xi32>,
    %get3A_995 = vector.shape_cast %get3A_994 : vector<16xi32> to vector<16xi32>
    %add3A_996 = arith.addi %mul3A_992, %get3A_995 : vector<16xi32>
    %swap3A_997 = arith.constant 112 : index
    %swap3A_998 = tpu.vector_load %arg10[%swap3A_997] {strides = array<i32>} : memref<128xi32, #tpu.memory_space<vmem>>, vector<16xi32>,
    %swap3A_999 = vector.shape_cast %swap3A_998 : vector<16xi32> to vector<16xi32>
    %swap3A_1000 = vector.shape_cast %add3A_996 : vector<16xi32> to vector<16xi32>
    tpu.vector_store %arg10[%swap3A_997], %swap3A_1000 {strides = array<i32>} : memref<128xi32, #tpu.memory_space<vmem>>, vector<16xi32>,
    %dma_start3A_1001 = arith.constant 0 : i32
    %dma_start3A_1002 = arith.constant 0 : i32
    %dma_start3A_1003 = tpu.memref_slice %arg6[%dma_start3A_1001, %dma_start3A_1002] : memref<288x128xf32, #tpu.memory_space<vmem_shared>> -> memref<288x128xf32, #tpu.memory_space<vmem_shared>>
    tpu.enqueue_indirect_dma source(%dma_start3A_1003 : memref<288x128xf32, #tpu.memory_space<vmem_shared>>) target(%arg12 : memref<128x128xf32, #tpu.memory_space<vmem>>) offsets(%arg10 : memref<128xi32, #tpu.memory_space<vmem>>) semaphore(%arg14 : memref<!tpu.dma_semaphore, #tpu.memory_space<semaphore_mem>>)
    %dma_wait3A_1004 = arith.constant 0 : i32
    %dma_wait3A_1005 = arith.constant 0 : i32
    %dma_wait3A_1006 = tpu.memref_slice %arg6[%dma_wait3A_1004, %dma_wait3A_1005] : memref<288x128xf32, #tpu.memory_space<vmem_shared>> -> memref<288x128xf32, #tpu.memory_space<vmem_shared>>
    tpu.wait_indirect_dma semaphore(%arg13 : memref<!tpu.dma_semaphore, #tpu.memory_space<semaphore_mem>>) src(%dma_wait3A_1006 : memref<288x128xf32, #tpu.memory_space<vmem_shared>>) dst(%arg11 : memref<128x128xf32, #tpu.memory_space<vmem>>)
    %add3A_1007 = arith.constant 768 : i32
    %add3A_1008 = arith.addi %select_n3A, %add3A_1007 : i32
    %dma_start3A_1009 = arith.constant 0 : i32
    %dma_start3A_1010 = tpu.memref_slice %arg5[%add3A_1008, %dma_start3A_1009] : memref<50000x128xf32, #tpu.memory_space<hbm>> -> memref<128x128xf32, #tpu.memory_space<hbm>>
    %dma_start3A_1011 = arith.constant 0 : i32
    %dma_start3A_1012 = tpu.memref_slice %arg5[%add3A_1008, %dma_start3A_1011] : memref<50000x128xf32, #tpu.memory_space<hbm>> -> memref<128x128xf32, #tpu.memory_space<hbm>>
    tpu.enqueue_dma source(%arg11 : memref<128x128xf32, #tpu.memory_space<vmem>>) target(%dma_start3A_1012 : memref<128x128xf32, #tpu.memory_space<hbm>>) target_semaphore(%arg15 : memref<!tpu.dma_semaphore, #tpu.memory_space<semaphore_mem>>)
    %dma_wait3A_1013 = arith.constant 0 : i32
    %dma_wait3A_1014 = tpu.memref_slice %arg5[%add3A_1008, %dma_wait3A_1013] : memref<50000x128xf32, #tpu.memory_space<hbm>> -> memref<128x128xf32, #tpu.memory_space<hbm>>
    %dma_wait3A_1015 = arith.constant 0 : i32
    %dma_wait3A_1016 = tpu.memref_slice %arg5[%add3A_1008, %dma_wait3A_1015] : memref<50000x128xf32, #tpu.memory_space<hbm>> -> memref<128x128xf32, #tpu.memory_space<hbm>>
    tpu.wait_dma2 semaphore(%arg15 : memref<!tpu.dma_semaphore, #tpu.memory_space<semaphore_mem>>) src(%arg11 : memref<128x128xf32, #tpu.memory_space<vmem>>) dst(%dma_wait3A_1016 : memref<128x128xf32, #tpu.memory_space<hbm>>)
    %get3A_1017 = arith.constant 1024 : index
    %get3A_1018 = tpu.vector_load %arg8[%get3A_1017] {strides = array<i32>} : memref<1664xi32, #tpu.memory_space<vmem>>, vector<16xi32>,
    %get3A_1019 = vector.shape_cast %get3A_1018 : vector<16xi32> to vector<16xi32>
    %mul3A_1020 = arith.constant 96 : i32
    %mul3A_1021 = vector.broadcast %mul3A_1020 : i32 to vector<16xi32>
    %mul3A_1022 = arith.muli %get3A_1019, %mul3A_1021 : vector<16xi32>
    %get3A_1023 = arith.constant 1024 : index
    %get3A_1024 = tpu.vector_load %arg7[%get3A_1023] {strides = array<i32>} : memref<1664xi32, #tpu.memory_space<vmem>>, vector<16xi32>,
    %get3A_1025 = vector.shape_cast %get3A_1024 : vector<16xi32> to vector<16xi32>
    %add3A_1026 = arith.addi %mul3A_1022, %get3A_1025 : vector<16xi32>
    %swap3A_1027 = arith.constant 0 : index
    %swap3A_1028 = tpu.vector_load %arg9[%swap3A_1027] {strides = array<i32>} : memref<128xi32, #tpu.memory_space<vmem>>, vector<16xi32>,
    %swap3A_1029 = vector.shape_cast %swap3A_1028 : vector<16xi32> to vector<16xi32>
    %swap3A_1030 = vector.shape_cast %add3A_1026 : vector<16xi32> to vector<16xi32>
    tpu.vector_store %arg9[%swap3A_1027], %swap3A_1030 {strides = array<i32>} : memref<128xi32, #tpu.memory_space<vmem>>, vector<16xi32>,
    %get3A_1031 = arith.constant 1040 : index
    %get3A_1032 = tpu.vector_load %arg8[%get3A_1031] {strides = array<i32>} : memref<1664xi32, #tpu.memory_space<vmem>>, vector<16xi32>,
    %get3A_1033 = vector.shape_cast %get3A_1032 : vector<16xi32> to vector<16xi32>
    %mul3A_1034 = arith.constant 96 : i32
    %mul3A_1035 = vector.broadcast %mul3A_1034 : i32 to vector<16xi32>
    %mul3A_1036 = arith.muli %get3A_1033, %mul3A_1035 : vector<16xi32>
    %get3A_1037 = arith.constant 1040 : index
    %get3A_1038 = tpu.vector_load %arg7[%get3A_1037] {strides = array<i32>} : memref<1664xi32, #tpu.memory_space<vmem>>, vector<16xi32>,
    %get3A_1039 = vector.shape_cast %get3A_1038 : vector<16xi32> to vector<16xi32>
    %add3A_1040 = arith.addi %mul3A_1036, %get3A_1039 : vector<16xi32>
    %swap3A_1041 = arith.constant 16 : index
    %swap3A_1042 = tpu.vector_load %arg9[%swap3A_1041] {strides = array<i32>} : memref<128xi32, #tpu.memory_space<vmem>>, vector<16xi32>,
    %swap3A_1043 = vector.shape_cast %swap3A_1042 : vector<16xi32> to vector<16xi32>
    %swap3A_1044 = vector.shape_cast %add3A_1040 : vector<16xi32> to vector<16xi32>
    tpu.vector_store %arg9[%swap3A_1041], %swap3A_1044 {strides = array<i32>} : memref<128xi32, #tpu.memory_space<vmem>>, vector<16xi32>,
    %get3A_1045 = arith.constant 1056 : index
    %get3A_1046 = tpu.vector_load %arg8[%get3A_1045] {strides = array<i32>} : memref<1664xi32, #tpu.memory_space<vmem>>, vector<16xi32>,
    %get3A_1047 = vector.shape_cast %get3A_1046 : vector<16xi32> to vector<16xi32>
    %mul3A_1048 = arith.constant 96 : i32
    %mul3A_1049 = vector.broadcast %mul3A_1048 : i32 to vector<16xi32>
    %mul3A_1050 = arith.muli %get3A_1047, %mul3A_1049 : vector<16xi32>
    %get3A_1051 = arith.constant 1056 : index
    %get3A_1052 = tpu.vector_load %arg7[%get3A_1051] {strides = array<i32>} : memref<1664xi32, #tpu.memory_space<vmem>>, vector<16xi32>,
    %get3A_1053 = vector.shape_cast %get3A_1052 : vector<16xi32> to vector<16xi32>
    %add3A_1054 = arith.addi %mul3A_1050, %get3A_1053 : vector<16xi32>
    %swap3A_1055 = arith.constant 32 : index
    %swap3A_1056 = tpu.vector_load %arg9[%swap3A_1055] {strides = array<i32>} : memref<128xi32, #tpu.memory_space<vmem>>, vector<16xi32>,
    %swap3A_1057 = vector.shape_cast %swap3A_1056 : vector<16xi32> to vector<16xi32>
    %swap3A_1058 = vector.shape_cast %add3A_1054 : vector<16xi32> to vector<16xi32>
    tpu.vector_store %arg9[%swap3A_1055], %swap3A_1058 {strides = array<i32>} : memref<128xi32, #tpu.memory_space<vmem>>, vector<16xi32>,
    %get3A_1059 = arith.constant 1072 : index
    %get3A_1060 = tpu.vector_load %arg8[%get3A_1059] {strides = array<i32>} : memref<1664xi32, #tpu.memory_space<vmem>>, vector<16xi32>,
    %get3A_1061 = vector.shape_cast %get3A_1060 : vector<16xi32> to vector<16xi32>
    %mul3A_1062 = arith.constant 96 : i32
    %mul3A_1063 = vector.broadcast %mul3A_1062 : i32 to vector<16xi32>
    %mul3A_1064 = arith.muli %get3A_1061, %mul3A_1063 : vector<16xi32>
    %get3A_1065 = arith.constant 1072 : index
    %get3A_1066 = tpu.vector_load %arg7[%get3A_1065] {strides = array<i32>} : memref<1664xi32, #tpu.memory_space<vmem>>, vector<16xi32>,
    %get3A_1067 = vector.shape_cast %get3A_1066 : vector<16xi32> to vector<16xi32>
    %add3A_1068 = arith.addi %mul3A_1064, %get3A_1067 : vector<16xi32>
    %swap3A_1069 = arith.constant 48 : index
    %swap3A_1070 = tpu.vector_load %arg9[%swap3A_1069] {strides = array<i32>} : memref<128xi32, #tpu.memory_space<vmem>>, vector<16xi32>,
    %swap3A_1071 = vector.shape_cast %swap3A_1070 : vector<16xi32> to vector<16xi32>
    %swap3A_1072 = vector.shape_cast %add3A_1068 : vector<16xi32> to vector<16xi32>
    tpu.vector_store %arg9[%swap3A_1069], %swap3A_1072 {strides = array<i32>} : memref<128xi32, #tpu.memory_space<vmem>>, vector<16xi32>,
    %get3A_1073 = arith.constant 1088 : index
    %get3A_1074 = tpu.vector_load %arg8[%get3A_1073] {strides = array<i32>} : memref<1664xi32, #tpu.memory_space<vmem>>, vector<16xi32>,
    %get3A_1075 = vector.shape_cast %get3A_1074 : vector<16xi32> to vector<16xi32>
    %mul3A_1076 = arith.constant 96 : i32
    %mul3A_1077 = vector.broadcast %mul3A_1076 : i32 to vector<16xi32>
    %mul3A_1078 = arith.muli %get3A_1075, %mul3A_1077 : vector<16xi32>
    %get3A_1079 = arith.constant 1088 : index
    %get3A_1080 = tpu.vector_load %arg7[%get3A_1079] {strides = array<i32>} : memref<1664xi32, #tpu.memory_space<vmem>>, vector<16xi32>,
    %get3A_1081 = vector.shape_cast %get3A_1080 : vector<16xi32> to vector<16xi32>
    %add3A_1082 = arith.addi %mul3A_1078, %get3A_1081 : vector<16xi32>
    %swap3A_1083 = arith.constant 64 : index
    %swap3A_1084 = tpu.vector_load %arg9[%swap3A_1083] {strides = array<i32>} : memref<128xi32, #tpu.memory_space<vmem>>, vector<16xi32>,
    %swap3A_1085 = vector.shape_cast %swap3A_1084 : vector<16xi32> to vector<16xi32>
    %swap3A_1086 = vector.shape_cast %add3A_1082 : vector<16xi32> to vector<16xi32>
    tpu.vector_store %arg9[%swap3A_1083], %swap3A_1086 {strides = array<i32>} : memref<128xi32, #tpu.memory_space<vmem>>, vector<16xi32>,
    %get3A_1087 = arith.constant 1104 : index
    %get3A_1088 = tpu.vector_load %arg8[%get3A_1087] {strides = array<i32>} : memref<1664xi32, #tpu.memory_space<vmem>>, vector<16xi32>,
    %get3A_1089 = vector.shape_cast %get3A_1088 : vector<16xi32> to vector<16xi32>
    %mul3A_1090 = arith.constant 96 : i32
    %mul3A_1091 = vector.broadcast %mul3A_1090 : i32 to vector<16xi32>
    %mul3A_1092 = arith.muli %get3A_1089, %mul3A_1091 : vector<16xi32>
    %get3A_1093 = arith.constant 1104 : index
    %get3A_1094 = tpu.vector_load %arg7[%get3A_1093] {strides = array<i32>} : memref<1664xi32, #tpu.memory_space<vmem>>, vector<16xi32>,
    %get3A_1095 = vector.shape_cast %get3A_1094 : vector<16xi32> to vector<16xi32>
    %add3A_1096 = arith.addi %mul3A_1092, %get3A_1095 : vector<16xi32>
    %swap3A_1097 = arith.constant 80 : index
    %swap3A_1098 = tpu.vector_load %arg9[%swap3A_1097] {strides = array<i32>} : memref<128xi32, #tpu.memory_space<vmem>>, vector<16xi32>,
    %swap3A_1099 = vector.shape_cast %swap3A_1098 : vector<16xi32> to vector<16xi32>
    %swap3A_1100 = vector.shape_cast %add3A_1096 : vector<16xi32> to vector<16xi32>
    tpu.vector_store %arg9[%swap3A_1097], %swap3A_1100 {strides = array<i32>} : memref<128xi32, #tpu.memory_space<vmem>>, vector<16xi32>,
    %get3A_1101 = arith.constant 1120 : index
    %get3A_1102 = tpu.vector_load %arg8[%get3A_1101] {strides = array<i32>} : memref<1664xi32, #tpu.memory_space<vmem>>, vector<16xi32>,
    %get3A_1103 = vector.shape_cast %get3A_1102 : vector<16xi32> to vector<16xi32>
    %mul3A_1104 = arith.constant 96 : i32
    %mul3A_1105 = vector.broadcast %mul3A_1104 : i32 to vector<16xi32>
    %mul3A_1106 = arith.muli %get3A_1103, %mul3A_1105 : vector<16xi32>
    %get3A_1107 = arith.constant 1120 : index
    %get3A_1108 = tpu.vector_load %arg7[%get3A_1107] {strides = array<i32>} : memref<1664xi32, #tpu.memory_space<vmem>>, vector<16xi32>,
    %get3A_1109 = vector.shape_cast %get3A_1108 : vector<16xi32> to vector<16xi32>
    %add3A_1110 = arith.addi %mul3A_1106, %get3A_1109 : vector<16xi32>
    %swap3A_1111 = arith.constant 96 : index
    %swap3A_1112 = tpu.vector_load %arg9[%swap3A_1111] {strides = array<i32>} : memref<128xi32, #tpu.memory_space<vmem>>, vector<16xi32>,
    %swap3A_1113 = vector.shape_cast %swap3A_1112 : vector<16xi32> to vector<16xi32>
    %swap3A_1114 = vector.shape_cast %add3A_1110 : vector<16xi32> to vector<16xi32>
    tpu.vector_store %arg9[%swap3A_1111], %swap3A_1114 {strides = array<i32>} : memref<128xi32, #tpu.memory_space<vmem>>, vector<16xi32>,
    %get3A_1115 = arith.constant 1136 : index
    %get3A_1116 = tpu.vector_load %arg8[%get3A_1115] {strides = array<i32>} : memref<1664xi32, #tpu.memory_space<vmem>>, vector<16xi32>,
    %get3A_1117 = vector.shape_cast %get3A_1116 : vector<16xi32> to vector<16xi32>
    %mul3A_1118 = arith.constant 96 : i32
    %mul3A_1119 = vector.broadcast %mul3A_1118 : i32 to vector<16xi32>
    %mul3A_1120 = arith.muli %get3A_1117, %mul3A_1119 : vector<16xi32>
    %get3A_1121 = arith.constant 1136 : index
    %get3A_1122 = tpu.vector_load %arg7[%get3A_1121] {strides = array<i32>} : memref<1664xi32, #tpu.memory_space<vmem>>, vector<16xi32>,
    %get3A_1123 = vector.shape_cast %get3A_1122 : vector<16xi32> to vector<16xi32>
    %add3A_1124 = arith.addi %mul3A_1120, %get3A_1123 : vector<16xi32>
    %swap3A_1125 = arith.constant 112 : index
    %swap3A_1126 = tpu.vector_load %arg9[%swap3A_1125] {strides = array<i32>} : memref<128xi32, #tpu.memory_space<vmem>>, vector<16xi32>,
    %swap3A_1127 = vector.shape_cast %swap3A_1126 : vector<16xi32> to vector<16xi32>
    %swap3A_1128 = vector.shape_cast %add3A_1124 : vector<16xi32> to vector<16xi32>
    tpu.vector_store %arg9[%swap3A_1125], %swap3A_1128 {strides = array<i32>} : memref<128xi32, #tpu.memory_space<vmem>>, vector<16xi32>,
    %dma_start3A_1129 = arith.constant 0 : i32
    %dma_start3A_1130 = arith.constant 0 : i32
    %dma_start3A_1131 = tpu.memref_slice %arg6[%dma_start3A_1129, %dma_start3A_1130] : memref<288x128xf32, #tpu.memory_space<vmem_shared>> -> memref<288x128xf32, #tpu.memory_space<vmem_shared>>
    tpu.enqueue_indirect_dma source(%dma_start3A_1131 : memref<288x128xf32, #tpu.memory_space<vmem_shared>>) target(%arg11 : memref<128x128xf32, #tpu.memory_space<vmem>>) offsets(%arg9 : memref<128xi32, #tpu.memory_space<vmem>>) semaphore(%arg13 : memref<!tpu.dma_semaphore, #tpu.memory_space<semaphore_mem>>)
    %dma_wait3A_1132 = arith.constant 0 : i32
    %dma_wait3A_1133 = arith.constant 0 : i32
    %dma_wait3A_1134 = tpu.memref_slice %arg6[%dma_wait3A_1132, %dma_wait3A_1133] : memref<288x128xf32, #tpu.memory_space<vmem_shared>> -> memref<288x128xf32, #tpu.memory_space<vmem_shared>>
    tpu.wait_indirect_dma semaphore(%arg14 : memref<!tpu.dma_semaphore, #tpu.memory_space<semaphore_mem>>) src(%dma_wait3A_1134 : memref<288x128xf32, #tpu.memory_space<vmem_shared>>) dst(%arg12 : memref<128x128xf32, #tpu.memory_space<vmem>>)
    %add3A_1135 = arith.constant 896 : i32
    %add3A_1136 = arith.addi %select_n3A, %add3A_1135 : i32
    %dma_start3A_1137 = arith.constant 0 : i32
    %dma_start3A_1138 = tpu.memref_slice %arg5[%add3A_1136, %dma_start3A_1137] : memref<50000x128xf32, #tpu.memory_space<hbm>> -> memref<128x128xf32, #tpu.memory_space<hbm>>
    %dma_start3A_1139 = arith.constant 0 : i32
    %dma_start3A_1140 = tpu.memref_slice %arg5[%add3A_1136, %dma_start3A_1139] : memref<50000x128xf32, #tpu.memory_space<hbm>> -> memref<128x128xf32, #tpu.memory_space<hbm>>
    tpu.enqueue_dma source(%arg12 : memref<128x128xf32, #tpu.memory_space<vmem>>) target(%dma_start3A_1140 : memref<128x128xf32, #tpu.memory_space<hbm>>) target_semaphore(%arg16 : memref<!tpu.dma_semaphore, #tpu.memory_space<semaphore_mem>>)
    %dma_wait3A_1141 = arith.constant 0 : i32
    %dma_wait3A_1142 = tpu.memref_slice %arg5[%add3A_1136, %dma_wait3A_1141] : memref<50000x128xf32, #tpu.memory_space<hbm>> -> memref<128x128xf32, #tpu.memory_space<hbm>>
    %dma_wait3A_1143 = arith.constant 0 : i32
    %dma_wait3A_1144 = tpu.memref_slice %arg5[%add3A_1136, %dma_wait3A_1143] : memref<50000x128xf32, #tpu.memory_space<hbm>> -> memref<128x128xf32, #tpu.memory_space<hbm>>
    tpu.wait_dma2 semaphore(%arg16 : memref<!tpu.dma_semaphore, #tpu.memory_space<semaphore_mem>>) src(%arg12 : memref<128x128xf32, #tpu.memory_space<vmem>>) dst(%dma_wait3A_1144 : memref<128x128xf32, #tpu.memory_space<hbm>>)
    %get3A_1145 = arith.constant 1152 : index
    %get3A_1146 = tpu.vector_load %arg8[%get3A_1145] {strides = array<i32>} : memref<1664xi32, #tpu.memory_space<vmem>>, vector<16xi32>,
    %get3A_1147 = vector.shape_cast %get3A_1146 : vector<16xi32> to vector<16xi32>
    %mul3A_1148 = arith.constant 96 : i32
    %mul3A_1149 = vector.broadcast %mul3A_1148 : i32 to vector<16xi32>
    %mul3A_1150 = arith.muli %get3A_1147, %mul3A_1149 : vector<16xi32>
    %get3A_1151 = arith.constant 1152 : index
    %get3A_1152 = tpu.vector_load %arg7[%get3A_1151] {strides = array<i32>} : memref<1664xi32, #tpu.memory_space<vmem>>, vector<16xi32>,
    %get3A_1153 = vector.shape_cast %get3A_1152 : vector<16xi32> to vector<16xi32>
    %add3A_1154 = arith.addi %mul3A_1150, %get3A_1153 : vector<16xi32>
    %swap3A_1155 = arith.constant 0 : index
    %swap3A_1156 = tpu.vector_load %arg10[%swap3A_1155] {strides = array<i32>} : memref<128xi32, #tpu.memory_space<vmem>>, vector<16xi32>,
    %swap3A_1157 = vector.shape_cast %swap3A_1156 : vector<16xi32> to vector<16xi32>
    %swap3A_1158 = vector.shape_cast %add3A_1154 : vector<16xi32> to vector<16xi32>
    tpu.vector_store %arg10[%swap3A_1155], %swap3A_1158 {strides = array<i32>} : memref<128xi32, #tpu.memory_space<vmem>>, vector<16xi32>,
    %get3A_1159 = arith.constant 1168 : index
    %get3A_1160 = tpu.vector_load %arg8[%get3A_1159] {strides = array<i32>} : memref<1664xi32, #tpu.memory_space<vmem>>, vector<16xi32>,
    %get3A_1161 = vector.shape_cast %get3A_1160 : vector<16xi32> to vector<16xi32>
    %mul3A_1162 = arith.constant 96 : i32
    %mul3A_1163 = vector.broadcast %mul3A_1162 : i32 to vector<16xi32>
    %mul3A_1164 = arith.muli %get3A_1161, %mul3A_1163 : vector<16xi32>
    %get3A_1165 = arith.constant 1168 : index
    %get3A_1166 = tpu.vector_load %arg7[%get3A_1165] {strides = array<i32>} : memref<1664xi32, #tpu.memory_space<vmem>>, vector<16xi32>,
    %get3A_1167 = vector.shape_cast %get3A_1166 : vector<16xi32> to vector<16xi32>
    %add3A_1168 = arith.addi %mul3A_1164, %get3A_1167 : vector<16xi32>
    %swap3A_1169 = arith.constant 16 : index
    %swap3A_1170 = tpu.vector_load %arg10[%swap3A_1169] {strides = array<i32>} : memref<128xi32, #tpu.memory_space<vmem>>, vector<16xi32>,
    %swap3A_1171 = vector.shape_cast %swap3A_1170 : vector<16xi32> to vector<16xi32>
    %swap3A_1172 = vector.shape_cast %add3A_1168 : vector<16xi32> to vector<16xi32>
    tpu.vector_store %arg10[%swap3A_1169], %swap3A_1172 {strides = array<i32>} : memref<128xi32, #tpu.memory_space<vmem>>, vector<16xi32>,
    %get3A_1173 = arith.constant 1184 : index
    %get3A_1174 = tpu.vector_load %arg8[%get3A_1173] {strides = array<i32>} : memref<1664xi32, #tpu.memory_space<vmem>>, vector<16xi32>,
    %get3A_1175 = vector.shape_cast %get3A_1174 : vector<16xi32> to vector<16xi32>
    %mul3A_1176 = arith.constant 96 : i32
    %mul3A_1177 = vector.broadcast %mul3A_1176 : i32 to vector<16xi32>
    %mul3A_1178 = arith.muli %get3A_1175, %mul3A_1177 : vector<16xi32>
    %get3A_1179 = arith.constant 1184 : index
    %get3A_1180 = tpu.vector_load %arg7[%get3A_1179] {strides = array<i32>} : memref<1664xi32, #tpu.memory_space<vmem>>, vector<16xi32>,
    %get3A_1181 = vector.shape_cast %get3A_1180 : vector<16xi32> to vector<16xi32>
    %add3A_1182 = arith.addi %mul3A_1178, %get3A_1181 : vector<16xi32>
    %swap3A_1183 = arith.constant 32 : index
    %swap3A_1184 = tpu.vector_load %arg10[%swap3A_1183] {strides = array<i32>} : memref<128xi32, #tpu.memory_space<vmem>>, vector<16xi32>,
    %swap3A_1185 = vector.shape_cast %swap3A_1184 : vector<16xi32> to vector<16xi32>
    %swap3A_1186 = vector.shape_cast %add3A_1182 : vector<16xi32> to vector<16xi32>
    tpu.vector_store %arg10[%swap3A_1183], %swap3A_1186 {strides = array<i32>} : memref<128xi32, #tpu.memory_space<vmem>>, vector<16xi32>,
    %get3A_1187 = arith.constant 1200 : index
    %get3A_1188 = tpu.vector_load %arg8[%get3A_1187] {strides = array<i32>} : memref<1664xi32, #tpu.memory_space<vmem>>, vector<16xi32>,
    %get3A_1189 = vector.shape_cast %get3A_1188 : vector<16xi32> to vector<16xi32>
    %mul3A_1190 = arith.constant 96 : i32
    %mul3A_1191 = vector.broadcast %mul3A_1190 : i32 to vector<16xi32>
    %mul3A_1192 = arith.muli %get3A_1189, %mul3A_1191 : vector<16xi32>
    %get3A_1193 = arith.constant 1200 : index
    %get3A_1194 = tpu.vector_load %arg7[%get3A_1193] {strides = array<i32>} : memref<1664xi32, #tpu.memory_space<vmem>>, vector<16xi32>,
    %get3A_1195 = vector.shape_cast %get3A_1194 : vector<16xi32> to vector<16xi32>
    %add3A_1196 = arith.addi %mul3A_1192, %get3A_1195 : vector<16xi32>
    %swap3A_1197 = arith.constant 48 : index
    %swap3A_1198 = tpu.vector_load %arg10[%swap3A_1197] {strides = array<i32>} : memref<128xi32, #tpu.memory_space<vmem>>, vector<16xi32>,
    %swap3A_1199 = vector.shape_cast %swap3A_1198 : vector<16xi32> to vector<16xi32>
    %swap3A_1200 = vector.shape_cast %add3A_1196 : vector<16xi32> to vector<16xi32>
    tpu.vector_store %arg10[%swap3A_1197], %swap3A_1200 {strides = array<i32>} : memref<128xi32, #tpu.memory_space<vmem>>, vector<16xi32>,
    %get3A_1201 = arith.constant 1216 : index
    %get3A_1202 = tpu.vector_load %arg8[%get3A_1201] {strides = array<i32>} : memref<1664xi32, #tpu.memory_space<vmem>>, vector<16xi32>,
    %get3A_1203 = vector.shape_cast %get3A_1202 : vector<16xi32> to vector<16xi32>
    %mul3A_1204 = arith.constant 96 : i32
    %mul3A_1205 = vector.broadcast %mul3A_1204 : i32 to vector<16xi32>
    %mul3A_1206 = arith.muli %get3A_1203, %mul3A_1205 : vector<16xi32>
    %get3A_1207 = arith.constant 1216 : index
    %get3A_1208 = tpu.vector_load %arg7[%get3A_1207] {strides = array<i32>} : memref<1664xi32, #tpu.memory_space<vmem>>, vector<16xi32>,
    %get3A_1209 = vector.shape_cast %get3A_1208 : vector<16xi32> to vector<16xi32>
    %add3A_1210 = arith.addi %mul3A_1206, %get3A_1209 : vector<16xi32>
    %swap3A_1211 = arith.constant 64 : index
    %swap3A_1212 = tpu.vector_load %arg10[%swap3A_1211] {strides = array<i32>} : memref<128xi32, #tpu.memory_space<vmem>>, vector<16xi32>,
    %swap3A_1213 = vector.shape_cast %swap3A_1212 : vector<16xi32> to vector<16xi32>
    %swap3A_1214 = vector.shape_cast %add3A_1210 : vector<16xi32> to vector<16xi32>
    tpu.vector_store %arg10[%swap3A_1211], %swap3A_1214 {strides = array<i32>} : memref<128xi32, #tpu.memory_space<vmem>>, vector<16xi32>,
    %get3A_1215 = arith.constant 1232 : index
    %get3A_1216 = tpu.vector_load %arg8[%get3A_1215] {strides = array<i32>} : memref<1664xi32, #tpu.memory_space<vmem>>, vector<16xi32>,
    %get3A_1217 = vector.shape_cast %get3A_1216 : vector<16xi32> to vector<16xi32>
    %mul3A_1218 = arith.constant 96 : i32
    %mul3A_1219 = vector.broadcast %mul3A_1218 : i32 to vector<16xi32>
    %mul3A_1220 = arith.muli %get3A_1217, %mul3A_1219 : vector<16xi32>
    %get3A_1221 = arith.constant 1232 : index
    %get3A_1222 = tpu.vector_load %arg7[%get3A_1221] {strides = array<i32>} : memref<1664xi32, #tpu.memory_space<vmem>>, vector<16xi32>,
    %get3A_1223 = vector.shape_cast %get3A_1222 : vector<16xi32> to vector<16xi32>
    %add3A_1224 = arith.addi %mul3A_1220, %get3A_1223 : vector<16xi32>
    %swap3A_1225 = arith.constant 80 : index
    %swap3A_1226 = tpu.vector_load %arg10[%swap3A_1225] {strides = array<i32>} : memref<128xi32, #tpu.memory_space<vmem>>, vector<16xi32>,
    %swap3A_1227 = vector.shape_cast %swap3A_1226 : vector<16xi32> to vector<16xi32>
    %swap3A_1228 = vector.shape_cast %add3A_1224 : vector<16xi32> to vector<16xi32>
    tpu.vector_store %arg10[%swap3A_1225], %swap3A_1228 {strides = array<i32>} : memref<128xi32, #tpu.memory_space<vmem>>, vector<16xi32>,
    %get3A_1229 = arith.constant 1248 : index
    %get3A_1230 = tpu.vector_load %arg8[%get3A_1229] {strides = array<i32>} : memref<1664xi32, #tpu.memory_space<vmem>>, vector<16xi32>,
    %get3A_1231 = vector.shape_cast %get3A_1230 : vector<16xi32> to vector<16xi32>
    %mul3A_1232 = arith.constant 96 : i32
    %mul3A_1233 = vector.broadcast %mul3A_1232 : i32 to vector<16xi32>
    %mul3A_1234 = arith.muli %get3A_1231, %mul3A_1233 : vector<16xi32>
    %get3A_1235 = arith.constant 1248 : index
    %get3A_1236 = tpu.vector_load %arg7[%get3A_1235] {strides = array<i32>} : memref<1664xi32, #tpu.memory_space<vmem>>, vector<16xi32>,
    %get3A_1237 = vector.shape_cast %get3A_1236 : vector<16xi32> to vector<16xi32>
    %add3A_1238 = arith.addi %mul3A_1234, %get3A_1237 : vector<16xi32>
    %swap3A_1239 = arith.constant 96 : index
    %swap3A_1240 = tpu.vector_load %arg10[%swap3A_1239] {strides = array<i32>} : memref<128xi32, #tpu.memory_space<vmem>>, vector<16xi32>,
    %swap3A_1241 = vector.shape_cast %swap3A_1240 : vector<16xi32> to vector<16xi32>
    %swap3A_1242 = vector.shape_cast %add3A_1238 : vector<16xi32> to vector<16xi32>
    tpu.vector_store %arg10[%swap3A_1239], %swap3A_1242 {strides = array<i32>} : memref<128xi32, #tpu.memory_space<vmem>>, vector<16xi32>,
    %get3A_1243 = arith.constant 1264 : index
    %get3A_1244 = tpu.vector_load %arg8[%get3A_1243] {strides = array<i32>} : memref<1664xi32, #tpu.memory_space<vmem>>, vector<16xi32>,
    %get3A_1245 = vector.shape_cast %get3A_1244 : vector<16xi32> to vector<16xi32>
    %mul3A_1246 = arith.constant 96 : i32
    %mul3A_1247 = vector.broadcast %mul3A_1246 : i32 to vector<16xi32>
    %mul3A_1248 = arith.muli %get3A_1245, %mul3A_1247 : vector<16xi32>
    %get3A_1249 = arith.constant 1264 : index
    %get3A_1250 = tpu.vector_load %arg7[%get3A_1249] {strides = array<i32>} : memref<1664xi32, #tpu.memory_space<vmem>>, vector<16xi32>,
    %get3A_1251 = vector.shape_cast %get3A_1250 : vector<16xi32> to vector<16xi32>
    %add3A_1252 = arith.addi %mul3A_1248, %get3A_1251 : vector<16xi32>
    %swap3A_1253 = arith.constant 112 : index
    %swap3A_1254 = tpu.vector_load %arg10[%swap3A_1253] {strides = array<i32>} : memref<128xi32, #tpu.memory_space<vmem>>, vector<16xi32>,
    %swap3A_1255 = vector.shape_cast %swap3A_1254 : vector<16xi32> to vector<16xi32>
    %swap3A_1256 = vector.shape_cast %add3A_1252 : vector<16xi32> to vector<16xi32>
    tpu.vector_store %arg10[%swap3A_1253], %swap3A_1256 {strides = array<i32>} : memref<128xi32, #tpu.memory_space<vmem>>, vector<16xi32>,
    %dma_start3A_1257 = arith.constant 0 : i32
    %dma_start3A_1258 = arith.constant 0 : i32
    %dma_start3A_1259 = tpu.memref_slice %arg6[%dma_start3A_1257, %dma_start3A_1258] : memref<288x128xf32, #tpu.memory_space<vmem_shared>> -> memref<288x128xf32, #tpu.memory_space<vmem_shared>>
    tpu.enqueue_indirect_dma source(%dma_start3A_1259 : memref<288x128xf32, #tpu.memory_space<vmem_shared>>) target(%arg12 : memref<128x128xf32, #tpu.memory_space<vmem>>) offsets(%arg10 : memref<128xi32, #tpu.memory_space<vmem>>) semaphore(%arg14 : memref<!tpu.dma_semaphore, #tpu.memory_space<semaphore_mem>>)
    %dma_wait3A_1260 = arith.constant 0 : i32
    %dma_wait3A_1261 = arith.constant 0 : i32
    %dma_wait3A_1262 = tpu.memref_slice %arg6[%dma_wait3A_1260, %dma_wait3A_1261] : memref<288x128xf32, #tpu.memory_space<vmem_shared>> -> memref<288x128xf32, #tpu.memory_space<vmem_shared>>
    tpu.wait_indirect_dma semaphore(%arg13 : memref<!tpu.dma_semaphore, #tpu.memory_space<semaphore_mem>>) src(%dma_wait3A_1262 : memref<288x128xf32, #tpu.memory_space<vmem_shared>>) dst(%arg11 : memref<128x128xf32, #tpu.memory_space<vmem>>)
    %add3A_1263 = arith.constant 1024 : i32
    %add3A_1264 = arith.addi %select_n3A, %add3A_1263 : i32
    %dma_start3A_1265 = arith.constant 0 : i32
    %dma_start3A_1266 = tpu.memref_slice %arg5[%add3A_1264, %dma_start3A_1265] : memref<50000x128xf32, #tpu.memory_space<hbm>> -> memref<128x128xf32, #tpu.memory_space<hbm>>
    %dma_start3A_1267 = arith.constant 0 : i32
    %dma_start3A_1268 = tpu.memref_slice %arg5[%add3A_1264, %dma_start3A_1267] : memref<50000x128xf32, #tpu.memory_space<hbm>> -> memref<128x128xf32, #tpu.memory_space<hbm>>
    tpu.enqueue_dma source(%arg11 : memref<128x128xf32, #tpu.memory_space<vmem>>) target(%dma_start3A_1268 : memref<128x128xf32, #tpu.memory_space<hbm>>) target_semaphore(%arg15 : memref<!tpu.dma_semaphore, #tpu.memory_space<semaphore_mem>>)
    %dma_wait3A_1269 = arith.constant 0 : i32
    %dma_wait3A_1270 = tpu.memref_slice %arg5[%add3A_1264, %dma_wait3A_1269] : memref<50000x128xf32, #tpu.memory_space<hbm>> -> memref<128x128xf32, #tpu.memory_space<hbm>>
    %dma_wait3A_1271 = arith.constant 0 : i32
    %dma_wait3A_1272 = tpu.memref_slice %arg5[%add3A_1264, %dma_wait3A_1271] : memref<50000x128xf32, #tpu.memory_space<hbm>> -> memref<128x128xf32, #tpu.memory_space<hbm>>
    tpu.wait_dma2 semaphore(%arg15 : memref<!tpu.dma_semaphore, #tpu.memory_space<semaphore_mem>>) src(%arg11 : memref<128x128xf32, #tpu.memory_space<vmem>>) dst(%dma_wait3A_1272 : memref<128x128xf32, #tpu.memory_space<hbm>>)
    %get3A_1273 = arith.constant 1280 : index
    %get3A_1274 = tpu.vector_load %arg8[%get3A_1273] {strides = array<i32>} : memref<1664xi32, #tpu.memory_space<vmem>>, vector<16xi32>,
    %get3A_1275 = vector.shape_cast %get3A_1274 : vector<16xi32> to vector<16xi32>
    %mul3A_1276 = arith.constant 96 : i32
    %mul3A_1277 = vector.broadcast %mul3A_1276 : i32 to vector<16xi32>
    %mul3A_1278 = arith.muli %get3A_1275, %mul3A_1277 : vector<16xi32>
    %get3A_1279 = arith.constant 1280 : index
    %get3A_1280 = tpu.vector_load %arg7[%get3A_1279] {strides = array<i32>} : memref<1664xi32, #tpu.memory_space<vmem>>, vector<16xi32>,
    %get3A_1281 = vector.shape_cast %get3A_1280 : vector<16xi32> to vector<16xi32>
    %add3A_1282 = arith.addi %mul3A_1278, %get3A_1281 : vector<16xi32>
    %swap3A_1283 = arith.constant 0 : index
    %swap3A_1284 = tpu.vector_load %arg9[%swap3A_1283] {strides = array<i32>} : memref<128xi32, #tpu.memory_space<vmem>>, vector<16xi32>,
    %swap3A_1285 = vector.shape_cast %swap3A_1284 : vector<16xi32> to vector<16xi32>
    %swap3A_1286 = vector.shape_cast %add3A_1282 : vector<16xi32> to vector<16xi32>
    tpu.vector_store %arg9[%swap3A_1283], %swap3A_1286 {strides = array<i32>} : memref<128xi32, #tpu.memory_space<vmem>>, vector<16xi32>,
    %get3A_1287 = arith.constant 1296 : index
    %get3A_1288 = tpu.vector_load %arg8[%get3A_1287] {strides = array<i32>} : memref<1664xi32, #tpu.memory_space<vmem>>, vector<16xi32>,
    %get3A_1289 = vector.shape_cast %get3A_1288 : vector<16xi32> to vector<16xi32>
    %mul3A_1290 = arith.constant 96 : i32
    %mul3A_1291 = vector.broadcast %mul3A_1290 : i32 to vector<16xi32>
    %mul3A_1292 = arith.muli %get3A_1289, %mul3A_1291 : vector<16xi32>
    %get3A_1293 = arith.constant 1296 : index
    %get3A_1294 = tpu.vector_load %arg7[%get3A_1293] {strides = array<i32>} : memref<1664xi32, #tpu.memory_space<vmem>>, vector<16xi32>,
    %get3A_1295 = vector.shape_cast %get3A_1294 : vector<16xi32> to vector<16xi32>
    %add3A_1296 = arith.addi %mul3A_1292, %get3A_1295 : vector<16xi32>
    %swap3A_1297 = arith.constant 16 : index
    %swap3A_1298 = tpu.vector_load %arg9[%swap3A_1297] {strides = array<i32>} : memref<128xi32, #tpu.memory_space<vmem>>, vector<16xi32>,
    %swap3A_1299 = vector.shape_cast %swap3A_1298 : vector<16xi32> to vector<16xi32>
    %swap3A_1300 = vector.shape_cast %add3A_1296 : vector<16xi32> to vector<16xi32>
    tpu.vector_store %arg9[%swap3A_1297], %swap3A_1300 {strides = array<i32>} : memref<128xi32, #tpu.memory_space<vmem>>, vector<16xi32>,
    %get3A_1301 = arith.constant 1312 : index
    %get3A_1302 = tpu.vector_load %arg8[%get3A_1301] {strides = array<i32>} : memref<1664xi32, #tpu.memory_space<vmem>>, vector<16xi32>,
    %get3A_1303 = vector.shape_cast %get3A_1302 : vector<16xi32> to vector<16xi32>
    %mul3A_1304 = arith.constant 96 : i32
    %mul3A_1305 = vector.broadcast %mul3A_1304 : i32 to vector<16xi32>
    %mul3A_1306 = arith.muli %get3A_1303, %mul3A_1305 : vector<16xi32>
    %get3A_1307 = arith.constant 1312 : index
    %get3A_1308 = tpu.vector_load %arg7[%get3A_1307] {strides = array<i32>} : memref<1664xi32, #tpu.memory_space<vmem>>, vector<16xi32>,
    %get3A_1309 = vector.shape_cast %get3A_1308 : vector<16xi32> to vector<16xi32>
    %add3A_1310 = arith.addi %mul3A_1306, %get3A_1309 : vector<16xi32>
    %swap3A_1311 = arith.constant 32 : index
    %swap3A_1312 = tpu.vector_load %arg9[%swap3A_1311] {strides = array<i32>} : memref<128xi32, #tpu.memory_space<vmem>>, vector<16xi32>,
    %swap3A_1313 = vector.shape_cast %swap3A_1312 : vector<16xi32> to vector<16xi32>
    %swap3A_1314 = vector.shape_cast %add3A_1310 : vector<16xi32> to vector<16xi32>
    tpu.vector_store %arg9[%swap3A_1311], %swap3A_1314 {strides = array<i32>} : memref<128xi32, #tpu.memory_space<vmem>>, vector<16xi32>,
    %get3A_1315 = arith.constant 1328 : index
    %get3A_1316 = tpu.vector_load %arg8[%get3A_1315] {strides = array<i32>} : memref<1664xi32, #tpu.memory_space<vmem>>, vector<16xi32>,
    %get3A_1317 = vector.shape_cast %get3A_1316 : vector<16xi32> to vector<16xi32>
    %mul3A_1318 = arith.constant 96 : i32
    %mul3A_1319 = vector.broadcast %mul3A_1318 : i32 to vector<16xi32>
    %mul3A_1320 = arith.muli %get3A_1317, %mul3A_1319 : vector<16xi32>
    %get3A_1321 = arith.constant 1328 : index
    %get3A_1322 = tpu.vector_load %arg7[%get3A_1321] {strides = array<i32>} : memref<1664xi32, #tpu.memory_space<vmem>>, vector<16xi32>,
    %get3A_1323 = vector.shape_cast %get3A_1322 : vector<16xi32> to vector<16xi32>
    %add3A_1324 = arith.addi %mul3A_1320, %get3A_1323 : vector<16xi32>
    %swap3A_1325 = arith.constant 48 : index
    %swap3A_1326 = tpu.vector_load %arg9[%swap3A_1325] {strides = array<i32>} : memref<128xi32, #tpu.memory_space<vmem>>, vector<16xi32>,
    %swap3A_1327 = vector.shape_cast %swap3A_1326 : vector<16xi32> to vector<16xi32>
    %swap3A_1328 = vector.shape_cast %add3A_1324 : vector<16xi32> to vector<16xi32>
    tpu.vector_store %arg9[%swap3A_1325], %swap3A_1328 {strides = array<i32>} : memref<128xi32, #tpu.memory_space<vmem>>, vector<16xi32>,
    %get3A_1329 = arith.constant 1344 : index
    %get3A_1330 = tpu.vector_load %arg8[%get3A_1329] {strides = array<i32>} : memref<1664xi32, #tpu.memory_space<vmem>>, vector<16xi32>,
    %get3A_1331 = vector.shape_cast %get3A_1330 : vector<16xi32> to vector<16xi32>
    %mul3A_1332 = arith.constant 96 : i32
    %mul3A_1333 = vector.broadcast %mul3A_1332 : i32 to vector<16xi32>
    %mul3A_1334 = arith.muli %get3A_1331, %mul3A_1333 : vector<16xi32>
    %get3A_1335 = arith.constant 1344 : index
    %get3A_1336 = tpu.vector_load %arg7[%get3A_1335] {strides = array<i32>} : memref<1664xi32, #tpu.memory_space<vmem>>, vector<16xi32>,
    %get3A_1337 = vector.shape_cast %get3A_1336 : vector<16xi32> to vector<16xi32>
    %add3A_1338 = arith.addi %mul3A_1334, %get3A_1337 : vector<16xi32>
    %swap3A_1339 = arith.constant 64 : index
    %swap3A_1340 = tpu.vector_load %arg9[%swap3A_1339] {strides = array<i32>} : memref<128xi32, #tpu.memory_space<vmem>>, vector<16xi32>,
    %swap3A_1341 = vector.shape_cast %swap3A_1340 : vector<16xi32> to vector<16xi32>
    %swap3A_1342 = vector.shape_cast %add3A_1338 : vector<16xi32> to vector<16xi32>
    tpu.vector_store %arg9[%swap3A_1339], %swap3A_1342 {strides = array<i32>} : memref<128xi32, #tpu.memory_space<vmem>>, vector<16xi32>,
    %get3A_1343 = arith.constant 1360 : index
    %get3A_1344 = tpu.vector_load %arg8[%get3A_1343] {strides = array<i32>} : memref<1664xi32, #tpu.memory_space<vmem>>, vector<16xi32>,
    %get3A_1345 = vector.shape_cast %get3A_1344 : vector<16xi32> to vector<16xi32>
    %mul3A_1346 = arith.constant 96 : i32
    %mul3A_1347 = vector.broadcast %mul3A_1346 : i32 to vector<16xi32>
    %mul3A_1348 = arith.muli %get3A_1345, %mul3A_1347 : vector<16xi32>
    %get3A_1349 = arith.constant 1360 : index
    %get3A_1350 = tpu.vector_load %arg7[%get3A_1349] {strides = array<i32>} : memref<1664xi32, #tpu.memory_space<vmem>>, vector<16xi32>,
    %get3A_1351 = vector.shape_cast %get3A_1350 : vector<16xi32> to vector<16xi32>
    %add3A_1352 = arith.addi %mul3A_1348, %get3A_1351 : vector<16xi32>
    %swap3A_1353 = arith.constant 80 : index
    %swap3A_1354 = tpu.vector_load %arg9[%swap3A_1353] {strides = array<i32>} : memref<128xi32, #tpu.memory_space<vmem>>, vector<16xi32>,
    %swap3A_1355 = vector.shape_cast %swap3A_1354 : vector<16xi32> to vector<16xi32>
    %swap3A_1356 = vector.shape_cast %add3A_1352 : vector<16xi32> to vector<16xi32>
    tpu.vector_store %arg9[%swap3A_1353], %swap3A_1356 {strides = array<i32>} : memref<128xi32, #tpu.memory_space<vmem>>, vector<16xi32>,
    %get3A_1357 = arith.constant 1376 : index
    %get3A_1358 = tpu.vector_load %arg8[%get3A_1357] {strides = array<i32>} : memref<1664xi32, #tpu.memory_space<vmem>>, vector<16xi32>,
    %get3A_1359 = vector.shape_cast %get3A_1358 : vector<16xi32> to vector<16xi32>
    %mul3A_1360 = arith.constant 96 : i32
    %mul3A_1361 = vector.broadcast %mul3A_1360 : i32 to vector<16xi32>
    %mul3A_1362 = arith.muli %get3A_1359, %mul3A_1361 : vector<16xi32>
    %get3A_1363 = arith.constant 1376 : index
    %get3A_1364 = tpu.vector_load %arg7[%get3A_1363] {strides = array<i32>} : memref<1664xi32, #tpu.memory_space<vmem>>, vector<16xi32>,
    %get3A_1365 = vector.shape_cast %get3A_1364 : vector<16xi32> to vector<16xi32>
    %add3A_1366 = arith.addi %mul3A_1362, %get3A_1365 : vector<16xi32>
    %swap3A_1367 = arith.constant 96 : index
    %swap3A_1368 = tpu.vector_load %arg9[%swap3A_1367] {strides = array<i32>} : memref<128xi32, #tpu.memory_space<vmem>>, vector<16xi32>,
    %swap3A_1369 = vector.shape_cast %swap3A_1368 : vector<16xi32> to vector<16xi32>
    %swap3A_1370 = vector.shape_cast %add3A_1366 : vector<16xi32> to vector<16xi32>
    tpu.vector_store %arg9[%swap3A_1367], %swap3A_1370 {strides = array<i32>} : memref<128xi32, #tpu.memory_space<vmem>>, vector<16xi32>,
    %get3A_1371 = arith.constant 1392 : index
    %get3A_1372 = tpu.vector_load %arg8[%get3A_1371] {strides = array<i32>} : memref<1664xi32, #tpu.memory_space<vmem>>, vector<16xi32>,
    %get3A_1373 = vector.shape_cast %get3A_1372 : vector<16xi32> to vector<16xi32>
    %mul3A_1374 = arith.constant 96 : i32
    %mul3A_1375 = vector.broadcast %mul3A_1374 : i32 to vector<16xi32>
    %mul3A_1376 = arith.muli %get3A_1373, %mul3A_1375 : vector<16xi32>
    %get3A_1377 = arith.constant 1392 : index
    %get3A_1378 = tpu.vector_load %arg7[%get3A_1377] {strides = array<i32>} : memref<1664xi32, #tpu.memory_space<vmem>>, vector<16xi32>,
    %get3A_1379 = vector.shape_cast %get3A_1378 : vector<16xi32> to vector<16xi32>
    %add3A_1380 = arith.addi %mul3A_1376, %get3A_1379 : vector<16xi32>
    %swap3A_1381 = arith.constant 112 : index
    %swap3A_1382 = tpu.vector_load %arg9[%swap3A_1381] {strides = array<i32>} : memref<128xi32, #tpu.memory_space<vmem>>, vector<16xi32>,
    %swap3A_1383 = vector.shape_cast %swap3A_1382 : vector<16xi32> to vector<16xi32>
    %swap3A_1384 = vector.shape_cast %add3A_1380 : vector<16xi32> to vector<16xi32>
    tpu.vector_store %arg9[%swap3A_1381], %swap3A_1384 {strides = array<i32>} : memref<128xi32, #tpu.memory_space<vmem>>, vector<16xi32>,
    %dma_start3A_1385 = arith.constant 0 : i32
    %dma_start3A_1386 = arith.constant 0 : i32
    %dma_start3A_1387 = tpu.memref_slice %arg6[%dma_start3A_1385, %dma_start3A_1386] : memref<288x128xf32, #tpu.memory_space<vmem_shared>> -> memref<288x128xf32, #tpu.memory_space<vmem_shared>>
    tpu.enqueue_indirect_dma source(%dma_start3A_1387 : memref<288x128xf32, #tpu.memory_space<vmem_shared>>) target(%arg11 : memref<128x128xf32, #tpu.memory_space<vmem>>) offsets(%arg9 : memref<128xi32, #tpu.memory_space<vmem>>) semaphore(%arg13 : memref<!tpu.dma_semaphore, #tpu.memory_space<semaphore_mem>>)
    %dma_wait3A_1388 = arith.constant 0 : i32
    %dma_wait3A_1389 = arith.constant 0 : i32
    %dma_wait3A_1390 = tpu.memref_slice %arg6[%dma_wait3A_1388, %dma_wait3A_1389] : memref<288x128xf32, #tpu.memory_space<vmem_shared>> -> memref<288x128xf32, #tpu.memory_space<vmem_shared>>
    tpu.wait_indirect_dma semaphore(%arg14 : memref<!tpu.dma_semaphore, #tpu.memory_space<semaphore_mem>>) src(%dma_wait3A_1390 : memref<288x128xf32, #tpu.memory_space<vmem_shared>>) dst(%arg12 : memref<128x128xf32, #tpu.memory_space<vmem>>)
    %add3A_1391 = arith.constant 1152 : i32
    %add3A_1392 = arith.addi %select_n3A, %add3A_1391 : i32
    %dma_start3A_1393 = arith.constant 0 : i32
    %dma_start3A_1394 = tpu.memref_slice %arg5[%add3A_1392, %dma_start3A_1393] : memref<50000x128xf32, #tpu.memory_space<hbm>> -> memref<128x128xf32, #tpu.memory_space<hbm>>
    %dma_start3A_1395 = arith.constant 0 : i32
    %dma_start3A_1396 = tpu.memref_slice %arg5[%add3A_1392, %dma_start3A_1395] : memref<50000x128xf32, #tpu.memory_space<hbm>> -> memref<128x128xf32, #tpu.memory_space<hbm>>
    tpu.enqueue_dma source(%arg12 : memref<128x128xf32, #tpu.memory_space<vmem>>) target(%dma_start3A_1396 : memref<128x128xf32, #tpu.memory_space<hbm>>) target_semaphore(%arg16 : memref<!tpu.dma_semaphore, #tpu.memory_space<semaphore_mem>>)
    %dma_wait3A_1397 = arith.constant 0 : i32
    %dma_wait3A_1398 = tpu.memref_slice %arg5[%add3A_1392, %dma_wait3A_1397] : memref<50000x128xf32, #tpu.memory_space<hbm>> -> memref<128x128xf32, #tpu.memory_space<hbm>>
    %dma_wait3A_1399 = arith.constant 0 : i32
    %dma_wait3A_1400 = tpu.memref_slice %arg5[%add3A_1392, %dma_wait3A_1399] : memref<50000x128xf32, #tpu.memory_space<hbm>> -> memref<128x128xf32, #tpu.memory_space<hbm>>
    tpu.wait_dma2 semaphore(%arg16 : memref<!tpu.dma_semaphore, #tpu.memory_space<semaphore_mem>>) src(%arg12 : memref<128x128xf32, #tpu.memory_space<vmem>>) dst(%dma_wait3A_1400 : memref<128x128xf32, #tpu.memory_space<hbm>>)
    %get3A_1401 = arith.constant 1408 : index
    %get3A_1402 = tpu.vector_load %arg8[%get3A_1401] {strides = array<i32>} : memref<1664xi32, #tpu.memory_space<vmem>>, vector<16xi32>,
    %get3A_1403 = vector.shape_cast %get3A_1402 : vector<16xi32> to vector<16xi32>
    %mul3A_1404 = arith.constant 96 : i32
    %mul3A_1405 = vector.broadcast %mul3A_1404 : i32 to vector<16xi32>
    %mul3A_1406 = arith.muli %get3A_1403, %mul3A_1405 : vector<16xi32>
    %get3A_1407 = arith.constant 1408 : index
    %get3A_1408 = tpu.vector_load %arg7[%get3A_1407] {strides = array<i32>} : memref<1664xi32, #tpu.memory_space<vmem>>, vector<16xi32>,
    %get3A_1409 = vector.shape_cast %get3A_1408 : vector<16xi32> to vector<16xi32>
    %add3A_1410 = arith.addi %mul3A_1406, %get3A_1409 : vector<16xi32>
    %swap3A_1411 = arith.constant 0 : index
    %swap3A_1412 = tpu.vector_load %arg10[%swap3A_1411] {strides = array<i32>} : memref<128xi32, #tpu.memory_space<vmem>>, vector<16xi32>,
    %swap3A_1413 = vector.shape_cast %swap3A_1412 : vector<16xi32> to vector<16xi32>
    %swap3A_1414 = vector.shape_cast %add3A_1410 : vector<16xi32> to vector<16xi32>
    tpu.vector_store %arg10[%swap3A_1411], %swap3A_1414 {strides = array<i32>} : memref<128xi32, #tpu.memory_space<vmem>>, vector<16xi32>,
    %get3A_1415 = arith.constant 1424 : index
    %get3A_1416 = tpu.vector_load %arg8[%get3A_1415] {strides = array<i32>} : memref<1664xi32, #tpu.memory_space<vmem>>, vector<16xi32>,
    %get3A_1417 = vector.shape_cast %get3A_1416 : vector<16xi32> to vector<16xi32>
    %mul3A_1418 = arith.constant 96 : i32
    %mul3A_1419 = vector.broadcast %mul3A_1418 : i32 to vector<16xi32>
    %mul3A_1420 = arith.muli %get3A_1417, %mul3A_1419 : vector<16xi32>
    %get3A_1421 = arith.constant 1424 : index
    %get3A_1422 = tpu.vector_load %arg7[%get3A_1421] {strides = array<i32>} : memref<1664xi32, #tpu.memory_space<vmem>>, vector<16xi32>,
    %get3A_1423 = vector.shape_cast %get3A_1422 : vector<16xi32> to vector<16xi32>
    %add3A_1424 = arith.addi %mul3A_1420, %get3A_1423 : vector<16xi32>
    %swap3A_1425 = arith.constant 16 : index
    %swap3A_1426 = tpu.vector_load %arg10[%swap3A_1425] {strides = array<i32>} : memref<128xi32, #tpu.memory_space<vmem>>, vector<16xi32>,
    %swap3A_1427 = vector.shape_cast %swap3A_1426 : vector<16xi32> to vector<16xi32>
    %swap3A_1428 = vector.shape_cast %add3A_1424 : vector<16xi32> to vector<16xi32>
    tpu.vector_store %arg10[%swap3A_1425], %swap3A_1428 {strides = array<i32>} : memref<128xi32, #tpu.memory_space<vmem>>, vector<16xi32>,
    %get3A_1429 = arith.constant 1440 : index
    %get3A_1430 = tpu.vector_load %arg8[%get3A_1429] {strides = array<i32>} : memref<1664xi32, #tpu.memory_space<vmem>>, vector<16xi32>,
    %get3A_1431 = vector.shape_cast %get3A_1430 : vector<16xi32> to vector<16xi32>
    %mul3A_1432 = arith.constant 96 : i32
    %mul3A_1433 = vector.broadcast %mul3A_1432 : i32 to vector<16xi32>
    %mul3A_1434 = arith.muli %get3A_1431, %mul3A_1433 : vector<16xi32>
    %get3A_1435 = arith.constant 1440 : index
    %get3A_1436 = tpu.vector_load %arg7[%get3A_1435] {strides = array<i32>} : memref<1664xi32, #tpu.memory_space<vmem>>, vector<16xi32>,
    %get3A_1437 = vector.shape_cast %get3A_1436 : vector<16xi32> to vector<16xi32>
    %add3A_1438 = arith.addi %mul3A_1434, %get3A_1437 : vector<16xi32>
    %swap3A_1439 = arith.constant 32 : index
    %swap3A_1440 = tpu.vector_load %arg10[%swap3A_1439] {strides = array<i32>} : memref<128xi32, #tpu.memory_space<vmem>>, vector<16xi32>,
    %swap3A_1441 = vector.shape_cast %swap3A_1440 : vector<16xi32> to vector<16xi32>
    %swap3A_1442 = vector.shape_cast %add3A_1438 : vector<16xi32> to vector<16xi32>
    tpu.vector_store %arg10[%swap3A_1439], %swap3A_1442 {strides = array<i32>} : memref<128xi32, #tpu.memory_space<vmem>>, vector<16xi32>,
    %get3A_1443 = arith.constant 1456 : index
    %get3A_1444 = tpu.vector_load %arg8[%get3A_1443] {strides = array<i32>} : memref<1664xi32, #tpu.memory_space<vmem>>, vector<16xi32>,
    %get3A_1445 = vector.shape_cast %get3A_1444 : vector<16xi32> to vector<16xi32>
    %mul3A_1446 = arith.constant 96 : i32
    %mul3A_1447 = vector.broadcast %mul3A_1446 : i32 to vector<16xi32>
    %mul3A_1448 = arith.muli %get3A_1445, %mul3A_1447 : vector<16xi32>
    %get3A_1449 = arith.constant 1456 : index
    %get3A_1450 = tpu.vector_load %arg7[%get3A_1449] {strides = array<i32>} : memref<1664xi32, #tpu.memory_space<vmem>>, vector<16xi32>,
    %get3A_1451 = vector.shape_cast %get3A_1450 : vector<16xi32> to vector<16xi32>
    %add3A_1452 = arith.addi %mul3A_1448, %get3A_1451 : vector<16xi32>
    %swap3A_1453 = arith.constant 48 : index
    %swap3A_1454 = tpu.vector_load %arg10[%swap3A_1453] {strides = array<i32>} : memref<128xi32, #tpu.memory_space<vmem>>, vector<16xi32>,
    %swap3A_1455 = vector.shape_cast %swap3A_1454 : vector<16xi32> to vector<16xi32>
    %swap3A_1456 = vector.shape_cast %add3A_1452 : vector<16xi32> to vector<16xi32>
    tpu.vector_store %arg10[%swap3A_1453], %swap3A_1456 {strides = array<i32>} : memref<128xi32, #tpu.memory_space<vmem>>, vector<16xi32>,
    %get3A_1457 = arith.constant 1472 : index
    %get3A_1458 = tpu.vector_load %arg8[%get3A_1457] {strides = array<i32>} : memref<1664xi32, #tpu.memory_space<vmem>>, vector<16xi32>,
    %get3A_1459 = vector.shape_cast %get3A_1458 : vector<16xi32> to vector<16xi32>
    %mul3A_1460 = arith.constant 96 : i32
    %mul3A_1461 = vector.broadcast %mul3A_1460 : i32 to vector<16xi32>
    %mul3A_1462 = arith.muli %get3A_1459, %mul3A_1461 : vector<16xi32>
    %get3A_1463 = arith.constant 1472 : index
    %get3A_1464 = tpu.vector_load %arg7[%get3A_1463] {strides = array<i32>} : memref<1664xi32, #tpu.memory_space<vmem>>, vector<16xi32>,
    %get3A_1465 = vector.shape_cast %get3A_1464 : vector<16xi32> to vector<16xi32>
    %add3A_1466 = arith.addi %mul3A_1462, %get3A_1465 : vector<16xi32>
    %swap3A_1467 = arith.constant 64 : index
    %swap3A_1468 = tpu.vector_load %arg10[%swap3A_1467] {strides = array<i32>} : memref<128xi32, #tpu.memory_space<vmem>>, vector<16xi32>,
    %swap3A_1469 = vector.shape_cast %swap3A_1468 : vector<16xi32> to vector<16xi32>
    %swap3A_1470 = vector.shape_cast %add3A_1466 : vector<16xi32> to vector<16xi32>
    tpu.vector_store %arg10[%swap3A_1467], %swap3A_1470 {strides = array<i32>} : memref<128xi32, #tpu.memory_space<vmem>>, vector<16xi32>,
    %get3A_1471 = arith.constant 1488 : index
    %get3A_1472 = tpu.vector_load %arg8[%get3A_1471] {strides = array<i32>} : memref<1664xi32, #tpu.memory_space<vmem>>, vector<16xi32>,
    %get3A_1473 = vector.shape_cast %get3A_1472 : vector<16xi32> to vector<16xi32>
    %mul3A_1474 = arith.constant 96 : i32
    %mul3A_1475 = vector.broadcast %mul3A_1474 : i32 to vector<16xi32>
    %mul3A_1476 = arith.muli %get3A_1473, %mul3A_1475 : vector<16xi32>
    %get3A_1477 = arith.constant 1488 : index
    %get3A_1478 = tpu.vector_load %arg7[%get3A_1477] {strides = array<i32>} : memref<1664xi32, #tpu.memory_space<vmem>>, vector<16xi32>,
    %get3A_1479 = vector.shape_cast %get3A_1478 : vector<16xi32> to vector<16xi32>
    %add3A_1480 = arith.addi %mul3A_1476, %get3A_1479 : vector<16xi32>
    %swap3A_1481 = arith.constant 80 : index
    %swap3A_1482 = tpu.vector_load %arg10[%swap3A_1481] {strides = array<i32>} : memref<128xi32, #tpu.memory_space<vmem>>, vector<16xi32>,
    %swap3A_1483 = vector.shape_cast %swap3A_1482 : vector<16xi32> to vector<16xi32>
    %swap3A_1484 = vector.shape_cast %add3A_1480 : vector<16xi32> to vector<16xi32>
    tpu.vector_store %arg10[%swap3A_1481], %swap3A_1484 {strides = array<i32>} : memref<128xi32, #tpu.memory_space<vmem>>, vector<16xi32>,
    %get3A_1485 = arith.constant 1504 : index
    %get3A_1486 = tpu.vector_load %arg8[%get3A_1485] {strides = array<i32>} : memref<1664xi32, #tpu.memory_space<vmem>>, vector<16xi32>,
    %get3A_1487 = vector.shape_cast %get3A_1486 : vector<16xi32> to vector<16xi32>
    %mul3A_1488 = arith.constant 96 : i32
    %mul3A_1489 = vector.broadcast %mul3A_1488 : i32 to vector<16xi32>
    %mul3A_1490 = arith.muli %get3A_1487, %mul3A_1489 : vector<16xi32>
    %get3A_1491 = arith.constant 1504 : index
    %get3A_1492 = tpu.vector_load %arg7[%get3A_1491] {strides = array<i32>} : memref<1664xi32, #tpu.memory_space<vmem>>, vector<16xi32>,
    %get3A_1493 = vector.shape_cast %get3A_1492 : vector<16xi32> to vector<16xi32>
    %add3A_1494 = arith.addi %mul3A_1490, %get3A_1493 : vector<16xi32>
    %swap3A_1495 = arith.constant 96 : index
    %swap3A_1496 = tpu.vector_load %arg10[%swap3A_1495] {strides = array<i32>} : memref<128xi32, #tpu.memory_space<vmem>>, vector<16xi32>,
    %swap3A_1497 = vector.shape_cast %swap3A_1496 : vector<16xi32> to vector<16xi32>
    %swap3A_1498 = vector.shape_cast %add3A_1494 : vector<16xi32> to vector<16xi32>
    tpu.vector_store %arg10[%swap3A_1495], %swap3A_1498 {strides = array<i32>} : memref<128xi32, #tpu.memory_space<vmem>>, vector<16xi32>,
    %get3A_1499 = arith.constant 1520 : index
    %get3A_1500 = tpu.vector_load %arg8[%get3A_1499] {strides = array<i32>} : memref<1664xi32, #tpu.memory_space<vmem>>, vector<16xi32>,
    %get3A_1501 = vector.shape_cast %get3A_1500 : vector<16xi32> to vector<16xi32>
    %mul3A_1502 = arith.constant 96 : i32
    %mul3A_1503 = vector.broadcast %mul3A_1502 : i32 to vector<16xi32>
    %mul3A_1504 = arith.muli %get3A_1501, %mul3A_1503 : vector<16xi32>
    %get3A_1505 = arith.constant 1520 : index
    %get3A_1506 = tpu.vector_load %arg7[%get3A_1505] {strides = array<i32>} : memref<1664xi32, #tpu.memory_space<vmem>>, vector<16xi32>,
    %get3A_1507 = vector.shape_cast %get3A_1506 : vector<16xi32> to vector<16xi32>
    %add3A_1508 = arith.addi %mul3A_1504, %get3A_1507 : vector<16xi32>
    %swap3A_1509 = arith.constant 112 : index
    %swap3A_1510 = tpu.vector_load %arg10[%swap3A_1509] {strides = array<i32>} : memref<128xi32, #tpu.memory_space<vmem>>, vector<16xi32>,
    %swap3A_1511 = vector.shape_cast %swap3A_1510 : vector<16xi32> to vector<16xi32>
    %swap3A_1512 = vector.shape_cast %add3A_1508 : vector<16xi32> to vector<16xi32>
    tpu.vector_store %arg10[%swap3A_1509], %swap3A_1512 {strides = array<i32>} : memref<128xi32, #tpu.memory_space<vmem>>, vector<16xi32>,
    %dma_start3A_1513 = arith.constant 0 : i32
    %dma_start3A_1514 = arith.constant 0 : i32
    %dma_start3A_1515 = tpu.memref_slice %arg6[%dma_start3A_1513, %dma_start3A_1514] : memref<288x128xf32, #tpu.memory_space<vmem_shared>> -> memref<288x128xf32, #tpu.memory_space<vmem_shared>>
    tpu.enqueue_indirect_dma source(%dma_start3A_1515 : memref<288x128xf32, #tpu.memory_space<vmem_shared>>) target(%arg12 : memref<128x128xf32, #tpu.memory_space<vmem>>) offsets(%arg10 : memref<128xi32, #tpu.memory_space<vmem>>) semaphore(%arg14 : memref<!tpu.dma_semaphore, #tpu.memory_space<semaphore_mem>>)
    %dma_wait3A_1516 = arith.constant 0 : i32
    %dma_wait3A_1517 = arith.constant 0 : i32
    %dma_wait3A_1518 = tpu.memref_slice %arg6[%dma_wait3A_1516, %dma_wait3A_1517] : memref<288x128xf32, #tpu.memory_space<vmem_shared>> -> memref<288x128xf32, #tpu.memory_space<vmem_shared>>
    tpu.wait_indirect_dma semaphore(%arg13 : memref<!tpu.dma_semaphore, #tpu.memory_space<semaphore_mem>>) src(%dma_wait3A_1518 : memref<288x128xf32, #tpu.memory_space<vmem_shared>>) dst(%arg11 : memref<128x128xf32, #tpu.memory_space<vmem>>)
    %add3A_1519 = arith.constant 1280 : i32
    %add3A_1520 = arith.addi %select_n3A, %add3A_1519 : i32
    %dma_start3A_1521 = arith.constant 0 : i32
    %dma_start3A_1522 = tpu.memref_slice %arg5[%add3A_1520, %dma_start3A_1521] : memref<50000x128xf32, #tpu.memory_space<hbm>> -> memref<128x128xf32, #tpu.memory_space<hbm>>
    %dma_start3A_1523 = arith.constant 0 : i32
    %dma_start3A_1524 = tpu.memref_slice %arg5[%add3A_1520, %dma_start3A_1523] : memref<50000x128xf32, #tpu.memory_space<hbm>> -> memref<128x128xf32, #tpu.memory_space<hbm>>
    tpu.enqueue_dma source(%arg11 : memref<128x128xf32, #tpu.memory_space<vmem>>) target(%dma_start3A_1524 : memref<128x128xf32, #tpu.memory_space<hbm>>) target_semaphore(%arg15 : memref<!tpu.dma_semaphore, #tpu.memory_space<semaphore_mem>>)
    %dma_wait3A_1525 = arith.constant 0 : i32
    %dma_wait3A_1526 = tpu.memref_slice %arg5[%add3A_1520, %dma_wait3A_1525] : memref<50000x128xf32, #tpu.memory_space<hbm>> -> memref<128x128xf32, #tpu.memory_space<hbm>>
    %dma_wait3A_1527 = arith.constant 0 : i32
    %dma_wait3A_1528 = tpu.memref_slice %arg5[%add3A_1520, %dma_wait3A_1527] : memref<50000x128xf32, #tpu.memory_space<hbm>> -> memref<128x128xf32, #tpu.memory_space<hbm>>
    tpu.wait_dma2 semaphore(%arg15 : memref<!tpu.dma_semaphore, #tpu.memory_space<semaphore_mem>>) src(%arg11 : memref<128x128xf32, #tpu.memory_space<vmem>>) dst(%dma_wait3A_1528 : memref<128x128xf32, #tpu.memory_space<hbm>>)
    %get3A_1529 = arith.constant 1536 : index
    %get3A_1530 = tpu.vector_load %arg8[%get3A_1529] {strides = array<i32>} : memref<1664xi32, #tpu.memory_space<vmem>>, vector<16xi32>,
    %get3A_1531 = vector.shape_cast %get3A_1530 : vector<16xi32> to vector<16xi32>
    %mul3A_1532 = arith.constant 96 : i32
    %mul3A_1533 = vector.broadcast %mul3A_1532 : i32 to vector<16xi32>
    %mul3A_1534 = arith.muli %get3A_1531, %mul3A_1533 : vector<16xi32>
    %get3A_1535 = arith.constant 1536 : index
    %get3A_1536 = tpu.vector_load %arg7[%get3A_1535] {strides = array<i32>} : memref<1664xi32, #tpu.memory_space<vmem>>, vector<16xi32>,
    %get3A_1537 = vector.shape_cast %get3A_1536 : vector<16xi32> to vector<16xi32>
    %add3A_1538 = arith.addi %mul3A_1534, %get3A_1537 : vector<16xi32>
    %swap3A_1539 = arith.constant 0 : index
    %swap3A_1540 = tpu.vector_load %arg9[%swap3A_1539] {strides = array<i32>} : memref<128xi32, #tpu.memory_space<vmem>>, vector<16xi32>,
    %swap3A_1541 = vector.shape_cast %swap3A_1540 : vector<16xi32> to vector<16xi32>
    %swap3A_1542 = vector.shape_cast %add3A_1538 : vector<16xi32> to vector<16xi32>
    tpu.vector_store %arg9[%swap3A_1539], %swap3A_1542 {strides = array<i32>} : memref<128xi32, #tpu.memory_space<vmem>>, vector<16xi32>,
    %get3A_1543 = arith.constant 1552 : index
    %get3A_1544 = tpu.vector_load %arg8[%get3A_1543] {strides = array<i32>} : memref<1664xi32, #tpu.memory_space<vmem>>, vector<16xi32>,
    %get3A_1545 = vector.shape_cast %get3A_1544 : vector<16xi32> to vector<16xi32>
    %mul3A_1546 = arith.constant 96 : i32
    %mul3A_1547 = vector.broadcast %mul3A_1546 : i32 to vector<16xi32>
    %mul3A_1548 = arith.muli %get3A_1545, %mul3A_1547 : vector<16xi32>
    %get3A_1549 = arith.constant 1552 : index
    %get3A_1550 = tpu.vector_load %arg7[%get3A_1549] {strides = array<i32>} : memref<1664xi32, #tpu.memory_space<vmem>>, vector<16xi32>,
    %get3A_1551 = vector.shape_cast %get3A_1550 : vector<16xi32> to vector<16xi32>
    %add3A_1552 = arith.addi %mul3A_1548, %get3A_1551 : vector<16xi32>
    %swap3A_1553 = arith.constant 16 : index
    %swap3A_1554 = tpu.vector_load %arg9[%swap3A_1553] {strides = array<i32>} : memref<128xi32, #tpu.memory_space<vmem>>, vector<16xi32>,
    %swap3A_1555 = vector.shape_cast %swap3A_1554 : vector<16xi32> to vector<16xi32>
    %swap3A_1556 = vector.shape_cast %add3A_1552 : vector<16xi32> to vector<16xi32>
    tpu.vector_store %arg9[%swap3A_1553], %swap3A_1556 {strides = array<i32>} : memref<128xi32, #tpu.memory_space<vmem>>, vector<16xi32>,
    %get3A_1557 = arith.constant 1568 : index
    %get3A_1558 = tpu.vector_load %arg8[%get3A_1557] {strides = array<i32>} : memref<1664xi32, #tpu.memory_space<vmem>>, vector<16xi32>,
    %get3A_1559 = vector.shape_cast %get3A_1558 : vector<16xi32> to vector<16xi32>
    %mul3A_1560 = arith.constant 96 : i32
    %mul3A_1561 = vector.broadcast %mul3A_1560 : i32 to vector<16xi32>
    %mul3A_1562 = arith.muli %get3A_1559, %mul3A_1561 : vector<16xi32>
    %get3A_1563 = arith.constant 1568 : index
    %get3A_1564 = tpu.vector_load %arg7[%get3A_1563] {strides = array<i32>} : memref<1664xi32, #tpu.memory_space<vmem>>, vector<16xi32>,
    %get3A_1565 = vector.shape_cast %get3A_1564 : vector<16xi32> to vector<16xi32>
    %add3A_1566 = arith.addi %mul3A_1562, %get3A_1565 : vector<16xi32>
    %swap3A_1567 = arith.constant 32 : index
    %swap3A_1568 = tpu.vector_load %arg9[%swap3A_1567] {strides = array<i32>} : memref<128xi32, #tpu.memory_space<vmem>>, vector<16xi32>,
    %swap3A_1569 = vector.shape_cast %swap3A_1568 : vector<16xi32> to vector<16xi32>
    %swap3A_1570 = vector.shape_cast %add3A_1566 : vector<16xi32> to vector<16xi32>
    tpu.vector_store %arg9[%swap3A_1567], %swap3A_1570 {strides = array<i32>} : memref<128xi32, #tpu.memory_space<vmem>>, vector<16xi32>,
    %get3A_1571 = arith.constant 1584 : index
    %get3A_1572 = tpu.vector_load %arg8[%get3A_1571] {strides = array<i32>} : memref<1664xi32, #tpu.memory_space<vmem>>, vector<16xi32>,
    %get3A_1573 = vector.shape_cast %get3A_1572 : vector<16xi32> to vector<16xi32>
    %mul3A_1574 = arith.constant 96 : i32
    %mul3A_1575 = vector.broadcast %mul3A_1574 : i32 to vector<16xi32>
    %mul3A_1576 = arith.muli %get3A_1573, %mul3A_1575 : vector<16xi32>
    %get3A_1577 = arith.constant 1584 : index
    %get3A_1578 = tpu.vector_load %arg7[%get3A_1577] {strides = array<i32>} : memref<1664xi32, #tpu.memory_space<vmem>>, vector<16xi32>,
    %get3A_1579 = vector.shape_cast %get3A_1578 : vector<16xi32> to vector<16xi32>
    %add3A_1580 = arith.addi %mul3A_1576, %get3A_1579 : vector<16xi32>
    %swap3A_1581 = arith.constant 48 : index
    %swap3A_1582 = tpu.vector_load %arg9[%swap3A_1581] {strides = array<i32>} : memref<128xi32, #tpu.memory_space<vmem>>, vector<16xi32>,
    %swap3A_1583 = vector.shape_cast %swap3A_1582 : vector<16xi32> to vector<16xi32>
    %swap3A_1584 = vector.shape_cast %add3A_1580 : vector<16xi32> to vector<16xi32>
    tpu.vector_store %arg9[%swap3A_1581], %swap3A_1584 {strides = array<i32>} : memref<128xi32, #tpu.memory_space<vmem>>, vector<16xi32>,
    %get3A_1585 = arith.constant 1600 : index
    %get3A_1586 = tpu.vector_load %arg8[%get3A_1585] {strides = array<i32>} : memref<1664xi32, #tpu.memory_space<vmem>>, vector<16xi32>,
    %get3A_1587 = vector.shape_cast %get3A_1586 : vector<16xi32> to vector<16xi32>
    %mul3A_1588 = arith.constant 96 : i32
    %mul3A_1589 = vector.broadcast %mul3A_1588 : i32 to vector<16xi32>
    %mul3A_1590 = arith.muli %get3A_1587, %mul3A_1589 : vector<16xi32>
    %get3A_1591 = arith.constant 1600 : index
    %get3A_1592 = tpu.vector_load %arg7[%get3A_1591] {strides = array<i32>} : memref<1664xi32, #tpu.memory_space<vmem>>, vector<16xi32>,
    %get3A_1593 = vector.shape_cast %get3A_1592 : vector<16xi32> to vector<16xi32>
    %add3A_1594 = arith.addi %mul3A_1590, %get3A_1593 : vector<16xi32>
    %swap3A_1595 = arith.constant 64 : index
    %swap3A_1596 = tpu.vector_load %arg9[%swap3A_1595] {strides = array<i32>} : memref<128xi32, #tpu.memory_space<vmem>>, vector<16xi32>,
    %swap3A_1597 = vector.shape_cast %swap3A_1596 : vector<16xi32> to vector<16xi32>
    %swap3A_1598 = vector.shape_cast %add3A_1594 : vector<16xi32> to vector<16xi32>
    tpu.vector_store %arg9[%swap3A_1595], %swap3A_1598 {strides = array<i32>} : memref<128xi32, #tpu.memory_space<vmem>>, vector<16xi32>,
    %get3A_1599 = arith.constant 1616 : index
    %get3A_1600 = tpu.vector_load %arg8[%get3A_1599] {strides = array<i32>} : memref<1664xi32, #tpu.memory_space<vmem>>, vector<16xi32>,
    %get3A_1601 = vector.shape_cast %get3A_1600 : vector<16xi32> to vector<16xi32>
    %mul3A_1602 = arith.constant 96 : i32
    %mul3A_1603 = vector.broadcast %mul3A_1602 : i32 to vector<16xi32>
    %mul3A_1604 = arith.muli %get3A_1601, %mul3A_1603 : vector<16xi32>
    %get3A_1605 = arith.constant 1616 : index
    %get3A_1606 = tpu.vector_load %arg7[%get3A_1605] {strides = array<i32>} : memref<1664xi32, #tpu.memory_space<vmem>>, vector<16xi32>,
    %get3A_1607 = vector.shape_cast %get3A_1606 : vector<16xi32> to vector<16xi32>
    %add3A_1608 = arith.addi %mul3A_1604, %get3A_1607 : vector<16xi32>
    %swap3A_1609 = arith.constant 80 : index
    %swap3A_1610 = tpu.vector_load %arg9[%swap3A_1609] {strides = array<i32>} : memref<128xi32, #tpu.memory_space<vmem>>, vector<16xi32>,
    %swap3A_1611 = vector.shape_cast %swap3A_1610 : vector<16xi32> to vector<16xi32>
    %swap3A_1612 = vector.shape_cast %add3A_1608 : vector<16xi32> to vector<16xi32>
    tpu.vector_store %arg9[%swap3A_1609], %swap3A_1612 {strides = array<i32>} : memref<128xi32, #tpu.memory_space<vmem>>, vector<16xi32>,
    %get3A_1613 = arith.constant 1632 : index
    %get3A_1614 = tpu.vector_load %arg8[%get3A_1613] {strides = array<i32>} : memref<1664xi32, #tpu.memory_space<vmem>>, vector<16xi32>,
    %get3A_1615 = vector.shape_cast %get3A_1614 : vector<16xi32> to vector<16xi32>
    %mul3A_1616 = arith.constant 96 : i32
    %mul3A_1617 = vector.broadcast %mul3A_1616 : i32 to vector<16xi32>
    %mul3A_1618 = arith.muli %get3A_1615, %mul3A_1617 : vector<16xi32>
    %get3A_1619 = arith.constant 1632 : index
    %get3A_1620 = tpu.vector_load %arg7[%get3A_1619] {strides = array<i32>} : memref<1664xi32, #tpu.memory_space<vmem>>, vector<16xi32>,
    %get3A_1621 = vector.shape_cast %get3A_1620 : vector<16xi32> to vector<16xi32>
    %add3A_1622 = arith.addi %mul3A_1618, %get3A_1621 : vector<16xi32>
    %swap3A_1623 = arith.constant 96 : index
    %swap3A_1624 = tpu.vector_load %arg9[%swap3A_1623] {strides = array<i32>} : memref<128xi32, #tpu.memory_space<vmem>>, vector<16xi32>,
    %swap3A_1625 = vector.shape_cast %swap3A_1624 : vector<16xi32> to vector<16xi32>
    %swap3A_1626 = vector.shape_cast %add3A_1622 : vector<16xi32> to vector<16xi32>
    tpu.vector_store %arg9[%swap3A_1623], %swap3A_1626 {strides = array<i32>} : memref<128xi32, #tpu.memory_space<vmem>>, vector<16xi32>,
    %get3A_1627 = arith.constant 1648 : index
    %get3A_1628 = tpu.vector_load %arg8[%get3A_1627] {strides = array<i32>} : memref<1664xi32, #tpu.memory_space<vmem>>, vector<16xi32>,
    %get3A_1629 = vector.shape_cast %get3A_1628 : vector<16xi32> to vector<16xi32>
    %mul3A_1630 = arith.constant 96 : i32
    %mul3A_1631 = vector.broadcast %mul3A_1630 : i32 to vector<16xi32>
    %mul3A_1632 = arith.muli %get3A_1629, %mul3A_1631 : vector<16xi32>
    %get3A_1633 = arith.constant 1648 : index
    %get3A_1634 = tpu.vector_load %arg7[%get3A_1633] {strides = array<i32>} : memref<1664xi32, #tpu.memory_space<vmem>>, vector<16xi32>,
    %get3A_1635 = vector.shape_cast %get3A_1634 : vector<16xi32> to vector<16xi32>
    %add3A_1636 = arith.addi %mul3A_1632, %get3A_1635 : vector<16xi32>
    %swap3A_1637 = arith.constant 112 : index
    %swap3A_1638 = tpu.vector_load %arg9[%swap3A_1637] {strides = array<i32>} : memref<128xi32, #tpu.memory_space<vmem>>, vector<16xi32>,
    %swap3A_1639 = vector.shape_cast %swap3A_1638 : vector<16xi32> to vector<16xi32>
    %swap3A_1640 = vector.shape_cast %add3A_1636 : vector<16xi32> to vector<16xi32>
    tpu.vector_store %arg9[%swap3A_1637], %swap3A_1640 {strides = array<i32>} : memref<128xi32, #tpu.memory_space<vmem>>, vector<16xi32>,
    %dma_start3A_1641 = arith.constant 0 : i32
    %dma_start3A_1642 = arith.constant 0 : i32
    %dma_start3A_1643 = tpu.memref_slice %arg6[%dma_start3A_1641, %dma_start3A_1642] : memref<288x128xf32, #tpu.memory_space<vmem_shared>> -> memref<288x128xf32, #tpu.memory_space<vmem_shared>>
    tpu.enqueue_indirect_dma source(%dma_start3A_1643 : memref<288x128xf32, #tpu.memory_space<vmem_shared>>) target(%arg11 : memref<128x128xf32, #tpu.memory_space<vmem>>) offsets(%arg9 : memref<128xi32, #tpu.memory_space<vmem>>) semaphore(%arg13 : memref<!tpu.dma_semaphore, #tpu.memory_space<semaphore_mem>>)
    %dma_wait3A_1644 = arith.constant 0 : i32
    %dma_wait3A_1645 = arith.constant 0 : i32
    %dma_wait3A_1646 = tpu.memref_slice %arg6[%dma_wait3A_1644, %dma_wait3A_1645] : memref<288x128xf32, #tpu.memory_space<vmem_shared>> -> memref<288x128xf32, #tpu.memory_space<vmem_shared>>
    tpu.wait_indirect_dma semaphore(%arg14 : memref<!tpu.dma_semaphore, #tpu.memory_space<semaphore_mem>>) src(%dma_wait3A_1646 : memref<288x128xf32, #tpu.memory_space<vmem_shared>>) dst(%arg12 : memref<128x128xf32, #tpu.memory_space<vmem>>)
    %add3A_1647 = arith.constant 1408 : i32
    %add3A_1648 = arith.addi %select_n3A, %add3A_1647 : i32
    %dma_start3A_1649 = arith.constant 0 : i32
    %dma_start3A_1650 = tpu.memref_slice %arg5[%add3A_1648, %dma_start3A_1649] : memref<50000x128xf32, #tpu.memory_space<hbm>> -> memref<128x128xf32, #tpu.memory_space<hbm>>
    %dma_start3A_1651 = arith.constant 0 : i32
    %dma_start3A_1652 = tpu.memref_slice %arg5[%add3A_1648, %dma_start3A_1651] : memref<50000x128xf32, #tpu.memory_space<hbm>> -> memref<128x128xf32, #tpu.memory_space<hbm>>
    tpu.enqueue_dma source(%arg12 : memref<128x128xf32, #tpu.memory_space<vmem>>) target(%dma_start3A_1652 : memref<128x128xf32, #tpu.memory_space<hbm>>) target_semaphore(%arg16 : memref<!tpu.dma_semaphore, #tpu.memory_space<semaphore_mem>>)
    %dma_wait3A_1653 = arith.constant 0 : i32
    %dma_wait3A_1654 = arith.constant 0 : i32
    %dma_wait3A_1655 = tpu.memref_slice %arg6[%dma_wait3A_1653, %dma_wait3A_1654] : memref<288x128xf32, #tpu.memory_space<vmem_shared>> -> memref<288x128xf32, #tpu.memory_space<vmem_shared>>
    tpu.wait_indirect_dma semaphore(%arg13 : memref<!tpu.dma_semaphore, #tpu.memory_space<semaphore_mem>>) src(%dma_wait3A_1655 : memref<288x128xf32, #tpu.memory_space<vmem_shared>>) dst(%arg11 : memref<128x128xf32, #tpu.memory_space<vmem>>)
    %add3A_1656 = arith.constant 1536 : i32
    %add3A_1657 = arith.addi %select_n3A, %add3A_1656 : i32
    %dma_start3A_1658 = arith.constant 0 : i32
    %dma_start3A_1659 = tpu.memref_slice %arg5[%add3A_1657, %dma_start3A_1658] : memref<50000x128xf32, #tpu.memory_space<hbm>> -> memref<128x128xf32, #tpu.memory_space<hbm>>
    %dma_start3A_1660 = arith.constant 0 : i32
    %dma_start3A_1661 = tpu.memref_slice %arg5[%add3A_1657, %dma_start3A_1660] : memref<50000x128xf32, #tpu.memory_space<hbm>> -> memref<128x128xf32, #tpu.memory_space<hbm>>
    tpu.enqueue_dma source(%arg11 : memref<128x128xf32, #tpu.memory_space<vmem>>) target(%dma_start3A_1661 : memref<128x128xf32, #tpu.memory_space<hbm>>) target_semaphore(%arg15 : memref<!tpu.dma_semaphore, #tpu.memory_space<semaphore_mem>>)
    %dma_wait3A_1662 = arith.constant 0 : i32
    %dma_wait3A_1663 = tpu.memref_slice %arg5[%add3A_1648, %dma_wait3A_1662] : memref<50000x128xf32, #tpu.memory_space<hbm>> -> memref<128x128xf32, #tpu.memory_space<hbm>>
    %dma_wait3A_1664 = arith.constant 0 : i32
    %dma_wait3A_1665 = tpu.memref_slice %arg5[%add3A_1648, %dma_wait3A_1664] : memref<50000x128xf32, #tpu.memory_space<hbm>> -> memref<128x128xf32, #tpu.memory_space<hbm>>
    tpu.wait_dma2 semaphore(%arg16 : memref<!tpu.dma_semaphore, #tpu.memory_space<semaphore_mem>>) src(%arg12 : memref<128x128xf32, #tpu.memory_space<vmem>>) dst(%dma_wait3A_1665 : memref<128x128xf32, #tpu.memory_space<hbm>>)
    %dma_wait3A_1666 = arith.constant 0 : i32
    %dma_wait3A_1667 = tpu.memref_slice %arg5[%add3A_1657, %dma_wait3A_1666] : memref<50000x128xf32, #tpu.memory_space<hbm>> -> memref<128x128xf32, #tpu.memory_space<hbm>>
    %dma_wait3A_1668 = arith.constant 0 : i32
    %dma_wait3A_1669 = tpu.memref_slice %arg5[%add3A_1657, %dma_wait3A_1668] : memref<50000x128xf32, #tpu.memory_space<hbm>> -> memref<128x128xf32, #tpu.memory_space<hbm>>
    tpu.wait_dma2 semaphore(%arg15 : memref<!tpu.dma_semaphore, #tpu.memory_space<semaphore_mem>>) src(%arg11 : memref<128x128xf32, #tpu.memory_space<vmem>>) dst(%dma_wait3A_1669 : memref<128x128xf32, #tpu.memory_space<hbm>>)
    return
  }
}

module attributes {stable_mosaic.version = 14 : i64} {
  func.func @_edge_body(%arg0: i32, %arg1: memref<10000x3xf32, #tpu.memory_space<vmem>>, %arg2: memref<10000x50xf32, #tpu.memory_space<vmem>>, %arg3: memref<3x64xf32, #tpu.memory_space<vmem>>, %arg4: memref<1x64xf32, #tpu.memory_space<vmem>>, %arg5: memref<50x64xf32, #tpu.memory_space<vmem>>, %arg6: memref<1x64xf32, #tpu.memory_space<vmem>>, %arg7: memref<10000x128xf32, #tpu.memory_space<vmem>>) attributes {dimension_semantics = [#tpu.dimension_semantics<arbitrary>], iteration_bounds = array<i64: 80>, scalar_prefetch = 0 : i64, scratch_operands = 0 : i64, tpu.core_type = #tpu.core_type<tc>, window_params = [{transform_indices = @transform_0, window_bounds = array<i64: 10000, 3>}, {transform_indices = @transform_1, window_bounds = array<i64: 10000, 50>}, {pipeline_mode = #tpu.pipeline_mode<synchronous>, transform_indices = @transform_2, window_bounds = array<i64: 3, 64>}, {pipeline_mode = #tpu.pipeline_mode<synchronous>, transform_indices = @transform_3, window_bounds = array<i64: 1, 64>}, {pipeline_mode = #tpu.pipeline_mode<synchronous>, transform_indices = @transform_4, window_bounds = array<i64: 50, 64>}, {pipeline_mode = #tpu.pipeline_mode<synchronous>, transform_indices = @transform_5, window_bounds = array<i64: 1, 64>}, {transform_indices = @transform_6, window_bounds = array<i64: 10000, 128>}]} {
    %get3A = arith.constant 0 : index
    %get3A_0 = arith.constant 0 : index
    %get3A_1 = vector.load %arg1[%get3A, %get3A_0] : memref<10000x3xf32, #tpu.memory_space<vmem>>, vector<10000x3xf32>
    %get3A_2 = arith.constant 0 : index
    %get3A_3 = arith.constant 0 : index
    %get3A_4 = vector.load %arg3[%get3A_2, %get3A_3] : memref<3x64xf32, #tpu.memory_space<vmem>>, vector<3x64xf32>
    %dot_general3A = arith.constant dense<0.000000e+00> : vector<10000x64xf32>
    %dot_general3A_5 = tpu.matmul %get3A_1, %get3A_4, %dot_general3A {dimension_numbers = #tpu.dot_dimension_numbers<[1], [0], [0], [1], [0, 0, 1, 1], [], []>, transpose_lhs_hint = false} : vector<10000x3xf32>, vector<3x64xf32>, vector<10000x64xf32> -> vector<10000x64xf32>
    %get3A_6 = arith.constant 0 : index
    %get3A_7 = arith.constant 0 : index
    %get3A_8 = vector.load %arg4[%get3A_6, %get3A_7] : memref<1x64xf32, #tpu.memory_space<vmem>>, vector<1x64xf32>
    %add3A = vector.broadcast %get3A_8 : vector<1x64xf32> to vector<10000x64xf32>
    %add3A_9 = arith.addf %dot_general3A_5, %add3A : vector<10000x64xf32>
    %get3A_10 = arith.constant 0 : index
    %get3A_11 = arith.constant 0 : index
    %get3A_12 = vector.load %arg2[%get3A_10, %get3A_11] : memref<10000x50xf32, #tpu.memory_space<vmem>>, vector<10000x50xf32>
    %get3A_13 = arith.constant 0 : index
    %get3A_14 = arith.constant 0 : index
    %get3A_15 = vector.load %arg5[%get3A_13, %get3A_14] : memref<50x64xf32, #tpu.memory_space<vmem>>, vector<50x64xf32>
    %dot_general3A_16 = arith.constant dense<0.000000e+00> : vector<10000x64xf32>
    %dot_general3A_17 = tpu.matmul %get3A_12, %get3A_15, %dot_general3A_16 {dimension_numbers = #tpu.dot_dimension_numbers<[1], [0], [0], [1], [0, 0, 1, 1], [], []>, transpose_lhs_hint = false} : vector<10000x50xf32>, vector<50x64xf32>, vector<10000x64xf32> -> vector<10000x64xf32>
    %get3A_18 = arith.constant 0 : index
    %get3A_19 = arith.constant 0 : index
    %get3A_20 = vector.load %arg6[%get3A_18, %get3A_19] : memref<1x64xf32, #tpu.memory_space<vmem>>, vector<1x64xf32>
    %add3A_21 = vector.broadcast %get3A_20 : vector<1x64xf32> to vector<10000x64xf32>
    %add3A_22 = arith.addf %dot_general3A_17, %add3A_21 : vector<10000x64xf32>
    %concatenate3A = tpu.concatenate %add3A_9, %add3A_22 in 1 : vector<10000x64xf32>, vector<10000x64xf32> -> vector<10000x128xf32>
    %logistic3A = arith.negf %concatenate3A : vector<10000x128xf32>
    %logistic3A_23 = math.exp %logistic3A : vector<10000x128xf32>
    %logistic3A_24 = arith.constant 1.000000e+00 : f32
    %logistic3A_25 = vector.broadcast %logistic3A_24 : f32 to vector<10000x128xf32>
    %logistic3A_26 = arith.addf %logistic3A_25, %logistic3A_23 : vector<10000x128xf32>
    %logistic3A_27 = arith.divf %logistic3A_25, %logistic3A_26 : vector<10000x128xf32>
    %mul3A = arith.mulf %concatenate3A, %logistic3A_27 : vector<10000x128xf32>
    %swap3A = arith.constant 0 : index
    %swap3A_28 = arith.constant 0 : index
    %swap3A_29 = vector.load %arg7[%swap3A, %swap3A_28] : memref<10000x128xf32, #tpu.memory_space<vmem>>, vector<10000x128xf32>
    tpu.vector_store %arg7[%swap3A, %swap3A_28], %mul3A {strides = array<i32>} : memref<10000x128xf32, #tpu.memory_space<vmem>>, vector<10000x128xf32>,
    return
  }
  func.func @transform_0(%arg0: i32) -> (i32, i32) {
    %c0_i32 = arith.constant 0 : i32
    %c0_i32_0 = arith.constant 0 : i32
    return %arg0, %c0_i32 : i32, i32
  }
  func.func @transform_1(%arg0: i32) -> (i32, i32) {
    %c0_i32 = arith.constant 0 : i32
    %c0_i32_0 = arith.constant 0 : i32
    return %arg0, %c0_i32 : i32, i32
  }
  func.func @transform_2(%arg0: i32) -> (i32, i32) {
    %c0_i32 = arith.constant 0 : i32
    %c0_i32_0 = arith.constant 0 : i32
    %c0_i32_1 = arith.constant 0 : i32
    return %c0_i32, %c0_i32_0 : i32, i32
  }
  func.func @transform_3(%arg0: i32) -> (i32, i32) {
    %c0_i32 = arith.constant 0 : i32
    %c0_i32_0 = arith.constant 0 : i32
    %c0_i32_1 = arith.constant 0 : i32
    return %c0_i32, %c0_i32_0 : i32, i32
  }
  func.func @transform_4(%arg0: i32) -> (i32, i32) {
    %c0_i32 = arith.constant 0 : i32
    %c0_i32_0 = arith.constant 0 : i32
    %c0_i32_1 = arith.constant 0 : i32
    return %c0_i32, %c0_i32_0 : i32, i32
  }
  func.func @transform_5(%arg0: i32) -> (i32, i32) {
    %c0_i32 = arith.constant 0 : i32
    %c0_i32_0 = arith.constant 0 : i32
    %c0_i32_1 = arith.constant 0 : i32
    return %c0_i32, %c0_i32_0 : i32, i32
  }
  func.func @transform_6(%arg0: i32) -> (i32, i32) {
    %c0_i32 = arith.constant 0 : i32
    %c0_i32_0 = arith.constant 0 : i32
    return %arg0, %c0_i32 : i32, i32
  }
}

module attributes {stable_mosaic.version = 14 : i64} {
  func.func @_table_body(%arg0: memref<96x96xf32, #tpu.memory_space<vmem>>, %arg1: memref<3x32xf32, #tpu.memory_space<vmem>>, %arg2: memref<128x128xf32, #tpu.memory_space<vmem>>, %arg3: memref<1x128xf32, #tpu.memory_space<vmem>>, %arg4: memref<288x128xf32, #tpu.memory_space<vmem>>) attributes {dimension_semantics = [], scalar_prefetch = 0 : i64, scratch_operands = 0 : i64, tpu.core_type = #tpu.core_type<tc>} {
    %get3A = arith.constant 0 : index
    %get3A_0 = arith.constant 0 : index
    %get3A_1 = vector.load %arg0[%get3A, %get3A_0] : memref<96x96xf32, #tpu.memory_space<vmem>>, vector<96x96xf32>
    %get3A_2 = arith.constant 0 : index
    %get3A_3 = arith.constant 0 : index
    %get3A_4 = vector.load %arg2[%get3A_2, %get3A_3] : memref<128x128xf32, #tpu.memory_space<vmem>>, vector<96x128xf32>
    %dot_general3A = arith.constant dense<0.000000e+00> : vector<96x128xf32>
    %dot_general3A_5 = tpu.matmul %get3A_1, %get3A_4, %dot_general3A {dimension_numbers = #tpu.dot_dimension_numbers<[1], [0], [0], [1], [0, 0, 1, 1], [], []>, transpose_lhs_hint = false} : vector<96x96xf32>, vector<96x128xf32>, vector<96x128xf32> -> vector<96x128xf32>
    %get3A_6 = arith.constant 0 : index
    %get3A_7 = arith.constant 0 : index
    %get3A_8 = vector.load %arg1[%get3A_6, %get3A_7] : memref<3x32xf32, #tpu.memory_space<vmem>>, vector<3x32xf32>
    %get3A_9 = arith.constant 96 : index
    %get3A_10 = arith.constant 0 : index
    %get3A_11 = vector.load %arg2[%get3A_9, %get3A_10] : memref<128x128xf32, #tpu.memory_space<vmem>>, vector<32x128xf32>
    %dot_general3A_12 = arith.constant dense<0.000000e+00> : vector<3x128xf32>
    %dot_general3A_13 = tpu.matmul %get3A_8, %get3A_11, %dot_general3A_12 {dimension_numbers = #tpu.dot_dimension_numbers<[1], [0], [0], [1], [0, 0, 1, 1], [], []>, transpose_lhs_hint = false} : vector<3x32xf32>, vector<32x128xf32>, vector<3x128xf32> -> vector<3x128xf32>
    %get3A_14 = arith.constant 0 : index
    %get3A_15 = arith.constant 0 : index
    %get3A_16 = vector.load %arg3[%get3A_14, %get3A_15] : memref<1x128xf32, #tpu.memory_space<vmem>>, vector<1x128xf32>
    %add3A = vector.broadcast %get3A_16 : vector<1x128xf32> to vector<3x128xf32>
    %add3A_17 = arith.addf %dot_general3A_13, %add3A : vector<3x128xf32>
    %slice3A = vector.extract_strided_slice %add3A_17 {offsets = [0, 0], sizes = [1, 128], strides = [1, 1]} : vector<3x128xf32> to vector<1x128xf32>
    %add3A_18 = vector.broadcast %slice3A : vector<1x128xf32> to vector<96x128xf32>
    %add3A_19 = arith.addf %dot_general3A_5, %add3A_18 : vector<96x128xf32>
    %logistic3A = arith.negf %add3A_19 : vector<96x128xf32>
    %logistic3A_20 = math.exp %logistic3A : vector<96x128xf32>
    %logistic3A_21 = arith.constant 1.000000e+00 : f32
    %logistic3A_22 = vector.broadcast %logistic3A_21 : f32 to vector<96x128xf32>
    %logistic3A_23 = arith.addf %logistic3A_22, %logistic3A_20 : vector<96x128xf32>
    %logistic3A_24 = arith.divf %logistic3A_22, %logistic3A_23 : vector<96x128xf32>
    %mul3A = arith.mulf %add3A_19, %logistic3A_24 : vector<96x128xf32>
    %swap3A = arith.constant 0 : index
    %swap3A_25 = arith.constant 0 : index
    %swap3A_26 = vector.load %arg4[%swap3A, %swap3A_25] : memref<288x128xf32, #tpu.memory_space<vmem>>, vector<96x128xf32>
    tpu.vector_store %arg4[%swap3A, %swap3A_25], %mul3A {strides = array<i32>} : memref<288x128xf32, #tpu.memory_space<vmem>>, vector<96x128xf32>,
    %slice3A_27 = vector.extract_strided_slice %add3A_17 {offsets = [1, 0], sizes = [1, 128], strides = [1, 1]} : vector<3x128xf32> to vector<1x128xf32>
    %add3A_28 = vector.broadcast %slice3A_27 : vector<1x128xf32> to vector<96x128xf32>
    %add3A_29 = arith.addf %dot_general3A_5, %add3A_28 : vector<96x128xf32>
    %logistic3A_30 = arith.negf %add3A_29 : vector<96x128xf32>
    %logistic3A_31 = math.exp %logistic3A_30 : vector<96x128xf32>
    %logistic3A_32 = arith.constant 1.000000e+00 : f32
    %logistic3A_33 = vector.broadcast %logistic3A_32 : f32 to vector<96x128xf32>
    %logistic3A_34 = arith.addf %logistic3A_33, %logistic3A_31 : vector<96x128xf32>
    %logistic3A_35 = arith.divf %logistic3A_33, %logistic3A_34 : vector<96x128xf32>
    %mul3A_36 = arith.mulf %add3A_29, %logistic3A_35 : vector<96x128xf32>
    %swap3A_37 = arith.constant 96 : index
    %swap3A_38 = arith.constant 0 : index
    %swap3A_39 = vector.load %arg4[%swap3A_37, %swap3A_38] : memref<288x128xf32, #tpu.memory_space<vmem>>, vector<96x128xf32>
    tpu.vector_store %arg4[%swap3A_37, %swap3A_38], %mul3A_36 {strides = array<i32>} : memref<288x128xf32, #tpu.memory_space<vmem>>, vector<96x128xf32>,
    %slice3A_40 = vector.extract_strided_slice %add3A_17 {offsets = [2, 0], sizes = [1, 128], strides = [1, 1]} : vector<3x128xf32> to vector<1x128xf32>
    %add3A_41 = vector.broadcast %slice3A_40 : vector<1x128xf32> to vector<96x128xf32>
    %add3A_42 = arith.addf %dot_general3A_5, %add3A_41 : vector<96x128xf32>
    %logistic3A_43 = arith.negf %add3A_42 : vector<96x128xf32>
    %logistic3A_44 = math.exp %logistic3A_43 : vector<96x128xf32>
    %logistic3A_45 = arith.constant 1.000000e+00 : f32
    %logistic3A_46 = vector.broadcast %logistic3A_45 : f32 to vector<96x128xf32>
    %logistic3A_47 = arith.addf %logistic3A_46, %logistic3A_44 : vector<96x128xf32>
    %logistic3A_48 = arith.divf %logistic3A_46, %logistic3A_47 : vector<96x128xf32>
    %mul3A_49 = arith.mulf %add3A_42, %logistic3A_48 : vector<96x128xf32>
    %swap3A_50 = arith.constant 192 : index
    %swap3A_51 = arith.constant 0 : index
    %swap3A_52 = vector.load %arg4[%swap3A_50, %swap3A_51] : memref<288x128xf32, #tpu.memory_space<vmem>>, vector<96x128xf32>
    tpu.vector_store %arg4[%swap3A_50, %swap3A_51], %mul3A_49 {strides = array<i32>} : memref<288x128xf32, #tpu.memory_space<vmem>>, vector<96x128xf32>,
    return
  }
}

</mosaic_0001>

<sc_bundles>
// kernel: kernel.5.cloned.1.call-start
scs
__scs_entry_jumppad:
0x0: {  	(pc) =	sbr.rel $0x88, $3  }
0x1: {  	(tag) =	ssettag $0x0;
	lr =	simm.s32 $0x1  }
0x2: {  	[smem:$0x3F95] =	sst lr;
	_ =	strace $0xD0000000  }
0x3: {  	_ = 	snop  }
0x4: {  	_ = 	snop  }
0x5: {  	_ = 	snop  }
0x6: {  	_ = 	snop  }
0x7: {  	_ = 	snop  }
__scs_overlays_trampoline_lowered:
0x8: {  	[smem:$0x3FA4] =	sst s0  }
0x9: {  	[smem:$0x3FA5] =	sst s1  }
0xa: {  	[smem:$0x3FA6] =	sst s2  }
0xb: {  	[smem:$0x3FA7] =	sst s3  }
0xc: {  	[smem:$0x3FA8] =	sst s4  }
0xd: {  	[smem:$0x3FA9] =	sst s5  }
0xe: {  	[smem:$0x3FAA] =	sst s6  }
0xf: {  	[smem:$0x3FAB] =	sst s7  }
0x10: {  	[smem:$0x3FAC] =	sst s8  }
0x11: {  	[smem:$0x3FAD] =	sst s9;
	s0 =	simm.s32 @!p0 $0x0  }
0x12: {  	s1 =	sld [smem:$0x3F93];
	s0 =	simm.s32 @p0 $0x1  }
0x13: {  	[smem:$0x3FAE] =	sst s0;
	s0 =	simm.s32 @!p1 $0x0  }
0x14: {  	s2 =	sld [smem:$0x3F92];
	s0 =	simm.s32 @p1 $0x1  }
0x15: {  	[smem:$0x3FAF] =	sst s0;
	s0 =	simm.s32 @!p2 $0x0  }
0x16: {  	s3 =	sld [smem:$0x3FDB];
	s0 =	simm.s32 @p2 $0x1  }
0x17: {  	s4 =	simm.s32 $0x1BF5;
	[smem:$0x3FB1] =	sst s0  }
0x18: {  	s0 =	sld [smem:$0x3F94];
	_ =	swait.ge [sflag:s4], $0x0  }
0x19: {  	s7 =	sld [smem:$0x3F95]  }
0x1a: {  	s8 =	sadd.s32 $0xFFFFE003, lr  }
0x1b: {  	s9 =	sadd.s32 $0xFFFFFEF7, lr;
	s5 =	simm.s32 $0xFFFFFFFF;
	p2 =	slt.u32 s8, $0xFFFFF086  }
0x1c: {  	p1 =	slt.u32 s9, $0xF7A;
	s5 =	simm.s32 @!p2 $0x0  }
0x1d: {  	s5 =	simm.s32 @p1 $0x1;
	p0 =	seq.s32 s7, s2  }
0x1e: {  	s7 =	smul.u32 @!p0 $0xF7A, s2;
	p2 =	seq.s32 @!p0 s5, $0x0  }
0x1f: {  	s9 =	smul.u32 $0xF7A, s1;
	s8 =	simm.s32 @!p0 $0x1BF5;
	p2 =	por !p2, p0  }
0x20: {  	[sflag:s8] =	ssyncset.s32 @!p0 $0xFFFFF086;
	s6 =	sadd.s32 @!p0 s3, s7;
	s7 =	simm.s32 @!p0 $0x108  }
0x21: {  	s3 =	sadd.s32 s3, s9;
	s6 =	sadd.s32 @!p0 $0x88, s6;
	s7 =	simm.s32 @p2 $0x1082  }
0x22: {  	[simem:s7], [sflag:s8] =	dma.local @!p0 [hbm:s6], $0xF7A  }
0x23: {  	s9 =	sor.u32 $0xD0000000, s2;
	s6 =	simm.s32 $0x108;
	_ =	swait.ge @!p0 [sflag:s8], $0x0  }
0x24: {  	s3 =	sadd.s32 $0x88, s3;
	s6 =	simm.s32 @!p1 $0x1082;
	[sflag:s4] =	ssyncset.s32 $0xFFFFF086  }
0x25: {  	[simem:s6], [sflag:s4] =	dma.local [hbm:s3], $0xF7A  }
0x26: {  	[smem:$0x3F95] =	sst s1;
	(tag) =	ssettag s2;
	_ =	strace s9  }
0x27: {  	s1 =	sld [smem:$0x3FA5]  }
0x28: {  	s2 =	sld [smem:$0x3FA6]  }
0x29: {  	s4 =	sld [smem:$0x3FA8]  }
0x2a: {  	p0 =	seq.s32 s5, $0x0;
	s5 =	sld [smem:$0x3FA9]  }
0x2b: {  	s6 =	sld [smem:$0x3FAA]  }
0x2c: {  	s7 =	sld [smem:$0x3FAB]  }
0x2d: {  	s3 =	simm.s32 $0x108;
	s8 =	sld [smem:$0x3FAC]  }
0x2e: {  	s3 =	simm.s32 @!p0 $0x1082;
	s9 =	sld [smem:$0x3FAD]  }
0x2f: {  	lr =	sadd.s32 s0, s3;
	s0 =	sld [smem:$0x3FA4]  }
0x30: {  	s3 =	sld [smem:$0x3FA7]  }
0x31: {  	[smem:$0x3FB0] =	sst s10  }
0x32: {  	s10 =	sld [smem:$0x3FAE];
	_ =	sdelay $0x3  }
0x33: {  	p0 =	seq.s32 s10, $0x1;
	s10 =	sld [smem:$0x3FB0];
	_ =	sdelay $0x3  }
0x34: {  	[smem:$0x3FB0] =	sst s10  }
0x35: {  	s10 =	sld [smem:$0x3FAF];
	_ =	sdelay $0x3  }
0x36: {  	p1 =	seq.s32 s10, $0x1;
	s10 =	sld [smem:$0x3FB0];
	_ =	sdelay $0x3  }
0x37: {  	[smem:$0x3FB0] =	sst s10  }
0x38: {  	s10 =	sld [smem:$0x3FB1]  }
0x39: {  	_ = 	snop;
	(pc) =	sbr.ind lr, $3  }
0x3a: {  	_ = 	snop  }
0x3b: {  	_ = 	snop  }
0x3c: {  	p2 =	seq.s32 s10, $0x1;
	s10 =	sld [smem:$0x3FB0]  }
0x3d: {  	_ =	shalt  }
0x3e: {  	_ =	shalt  }
0x3f: {  	_ =	shalt  }
0x40: {  	_ =	shalt  }
0x41: {  	_ =	shalt  }
0x42: {  	_ =	shalt  }
0x43: {  	_ =	shalt  }
0x44: {  	_ =	shalt  }
0x45: {  	_ =	shalt  }
0x46: {  	_ =	shalt  }
0x47: {  	_ =	shalt  }
0x48: {  	_ =	shalt  }
0x49: {  	_ =	shalt  }
0x4a: {  	_ =	shalt  }
0x4b: {  	_ =	shalt  }
0x4c: {  	_ =	shalt  }
0x4d: {  	_ =	shalt  }
0x4e: {  	_ =	shalt  }
0x4f: {  	_ =	shalt  }
0x50: {  	_ =	shalt  }
0x51: {  	_ =	shalt  }
0x52: {  	_ =	shalt  }
0x53: {  	_ =	shalt  }
0x54: {  	_ =	shalt  }
0x55: {  	_ =	shalt  }
0x56: {  	_ =	shalt  }
0x57: {  	_ =	shalt  }
0x58: {  	_ =	shalt  }
0x59: {  	_ =	shalt  }
0x5a: {  	_ =	shalt  }
0x5b: {  	_ =	shalt  }
0x5c: {  	_ =	shalt  }
0x5d: {  	_ =	shalt  }
0x5e: {  	_ =	shalt  }
0x5f: {  	_ =	shalt  }
0x60: {  	_ =	shalt  }
0x61: {  	_ =	shalt  }
0x62: {  	_ =	shalt  }
0x63: {  	_ =	shalt  }
0x64: {  	_ =	shalt  }
0x65: {  	_ =	shalt  }
0x66: {  	_ =	shalt  }
0x67: {  	_ =	shalt  }
0x68: {  	_ =	shalt  }
0x69: {  	_ =	shalt  }
0x6a: {  	_ =	shalt  }
0x6b: {  	_ =	shalt  }
0x6c: {  	_ =	shalt  }
0x6d: {  	_ =	shalt  }
0x6e: {  	_ =	shalt  }
0x6f: {  	_ =	shalt  }
0x70: {  	_ =	shalt  }
0x71: {  	_ =	shalt  }
0x72: {  	_ =	shalt  }
0x73: {  	_ =	shalt  }
0x74: {  	_ =	shalt  }
0x75: {  	_ =	shalt  }
0x76: {  	_ =	shalt  }
0x77: {  	_ =	shalt  }
0x78: {  	_ =	shalt  }
0x79: {  	_ =	shalt  }
0x7a: {  	_ =	shalt  }
0x7b: {  	_ =	shalt  }
0x7c: {  	_ =	shalt  }
0x7d: {  	_ =	shalt  }
0x7e: {  	_ =	shalt  }
0x7f: {  	_ =	shalt  }
0x80: {  	_ =	shalt  }
0x81: {  	_ =	shalt  }
0x82: {  	_ =	shalt  }
0x83: {  	_ =	shalt  }
0x84: {  	_ =	shalt  }
0x85: {  	_ =	shalt  }
0x86: {  	_ =	shalt  }
0x87: {  	_ =	shalt  }
.Lfunc_end0:
.L_simem_size_0:
called_computation_lowered:
.L_overlay_start_0:
0x88: {  	s2 =	sld [smem:$0x3FD9]  }
0x89: {  	s3 =	sld [smem:$0x3FFE];
	_ =	sdelay $0x1  }
0x8a: {  	s1 =	srdreg.scid  }
0x8b: {  	s0 =	sand.u32 $0x1, s1  }
0x8c: {  	s14 =	sshll.u32 s0, $0xA;
	s2 =	sadd.s32 s3, s2  }
0x8d: {  	s2 =	sadd.s32 s2, s14  }
0x8e: {  	[smem:$0x3FBC] =	sst s2  }
0x8f: {  	_ = 	snop  }
0x90: {  	s2 =	sld [smem:$0x3FD0];
	_ =	sdelay $0x1  }
0x91: {  	s15 =	sld [smem:$0x3FC9]  }
0x92: {  	s5 =	simm.s32 $0xA;
	s6 =	simm.s32 $0x10;
	s4 =	sld [smem:$0x3FC6]  }
0x93: {  	[smem:s6], [sflag:s5] =	dma.local [hbm:s2], $0x1  }
0x94: {  	_ =	swait.eq [sflag:s5], $0x1  }
0x95: {  	[sflag:s5] =	ssyncset.done $0x0  }
0x96: {  	[sflag:s5] =	ssyncadd.s32 $0xFFFFFFFF  }
0x97: {  	s16 =	sld [smem:$0x10];
	(tm) =	ssettm $0x1  }
0x98: {  	s17 =	sld [smem:$0x3FFB];
	_ =	sdelay $0x3  }
0x99: {  	_ =	strace s17  }
0x9a: {  	s5 =	sld [smem:$0x3FFC];
	_ =	sdelay $0x3  }
0x9b: {  	_ =	strace s5  }
0x9c: {  	s5 =	sld [smem:$0x3FFD];
	_ =	sdelay $0x3  }
0x9d: {  	_ =	strace s5  }
0x9e: {  	_ =	strace $0x8FFFFFFF  }
0x9f: {  	s18 =	sld [smem:$0x3FDB];
	_ =	sdelay $0x1  }
0xa0: {  	s19 =	simm.s32 $_scs_section_size  }
0xa1: {  	s7 =	simm.s32 $_size__tile_overlayer_lowered;
	s8 =	simm.s32 $_tile_overlayer_lowered  }
0xa2: {  	s22 =	simm.s32 $0x1BFF;
	s21 =	sshll.u32 s8, $0x1;
	s5 =	sadd.s32 s19, s18  }
0xa3: {  	s9 =	simm.s32 $0x0;
	s20 =	sshll.u32 s7, $0x1;
	s7 =	sadd.s32 s21, s5  }
0xa4: {  	[timem:s9], [sflag:s22] =	dma.local [hbm:s7], s20  }
0xa5: {  	_ =	swait.ge [sflag:s22], s20  }
0xa6: {  	s6 =	ssub.s32 $0x0, s20;
	[sflag:s22] =	ssyncset.done $0x0  }
0xa7: {  	[sflag:s22] =	ssyncadd.s32 s6;
	_ =	sdelay $0x1  }
0xa8: {  	s23 =	simm.s32 $0x1B8B  }
0xa9: {  	_ =	swait.ge [sflag:s23], $0x1  }
0xaa: {  	[sflag:s23] =	ssyncset.done $0x0  }
0xab: {  	s25 =	simm.s32 $0x1B8E;
	s24 =	sld [smem:$0x3FFE];
	[sflag:s23] =	ssyncadd.s32 $0xFFFFFFFF  }
0xac: {  	s26 =	simm.s32 $execute0_lowered;
	[smem:$0x3FD2] =	sst s25  }
0xad: {  	s7 =	sshll.u32 s26, $0x1;
	_ =	strace $0x80000046;
	[dreg:$0x1] =	wrdreg $0xFFFFFFFF  }
0xae: {  	s28 =	simm.s32 $_size_execute0_lowered;
	s5 =	sadd.s32 s5, s7;
	[dreg:$0x0] =	wrdreg $0x0  }
0xaf: {  	s7 =	sshll.u32 s28, $0x1;
	[dreg:$0x2] =	wrdreg s5  }
0xb0: {  	[dreg:$0x3] =	wrdreg s7  }
0xb1: {  	[dreg:$0x4] =	wrdreg $0xC0  }
0xb2: {  	_ =	task [dreg:s9], $0x5FFFF  }
0xb3: {  	[dreg:$0x1] =	wrdreg $0xFFFFFFFF  }
0xb4: {  	[dreg:$0x0] =	wrdreg $0x60  }
0xb5: {  	[dreg:$0x2] =	wrdreg s15  }
0xb6: {  	[dreg:$0x3] =	wrdreg s4  }
0xb7: {  	[dreg:$0x4] =	wrdreg s24  }
0xb8: {  	[dreg:$0x5] =	wrdreg s16  }
0xb9: {  	[dreg:$0x6] =	wrdreg $0x0  }
0xba: {  	[dreg:$0x7] =	wrdreg $0x9  }
0xbb: {  	_ =	task.clear_ibuf [dreg:s9], $0x8FFFF;
	_ =	strace $0x90000046  }
0xbc: {  	s29 =	simm.s32 $0x9;
	_ =	strace $0x80000048  }
0xbd: {  	_ =	swait.ge [sflag:s29], $0x1  }
0xbe: {  	[sflag:s29] =	ssyncadd.s32 $0xFFFFFFFF  }
0xbf: {  	_ =	strace $0x90000048  }
0xc0: {  	_ =	sfence  }
0xc1: {  	s30 =	sld [smem:$0x0];
	_ =	sdelay $0x2  }
0xc2: {  	s31 =	sshll.u32 s1, $0xD;
	s1 =	sshrl.u32 s1, $0x2  }
0xc3: {  	s3 =	sand.u32 $0x4000, s31;
	s1 =	sadd.s32 s1, s30  }
0xc4: {  	s0 =	sor.u32 s3, s0;
	s1 =	sshll.u32 s1, $0x11  }
0xc5: {  	s0 =	sor.u32 s1, s0  }
0xc6: {  	s0 =	sadd.s32 $0x8F2B, s0  }
0xc7: {  	[sflag:s0] =	ssyncadd.remote.s32 $0x1  }
0xc8: {  	_ =	sfence.sel $0xFFFF  }
0xc9: {  	[dreg:$0x0] =	wrdreg $0xFFFFFFFF;
	(pc) =	sbr.abs _section_cstart, $3  }
0xca: {  	[dreg:$0x1] =	wrdreg $0xFFFFFFFF  }
0xcb: {  	_ =	task.clear_ibuf [dreg:s9], $0x2FFFF;
	_ =	strace $0x9FFFFFFF  }
0xcc: {  	(tm) =	ssettm $0x7FFFFFFF  }
0xcd: {  	_ =	shalt  }
tec
execute0_lowered:
.L_overlay_start_1:
0x0: {  	(tag) =	ssettag $0x1  }
0x1: {  	s3 =	rddreg [dreg:$0x0]  }
0x2: {  	s4 =	rddreg [dreg:$0x1]  }
0x3: {  	s5 =	rddreg [dreg:$0x2];
	s0 =	srdreg.scid  }
0x4: {  	s14 =	stileid.u32;
	s6 =	rddreg [dreg:$0x3]  }
0x5: {  	s1 =	rddreg [dreg:$0x4];
	s2 =	simm.s32 $0x0;
	s17 =	simm.s32 $0x900  }
0x6: {  	s18 =	simm.s32 $0x5;
	s19 =	simm.s32 $0xF80;
	s20 =	simm.s32 $0x80  }
0x7: {  	s21 =	simm.s32 $0x1600;
	s22 =	simm.s32 $0x1700;
	s23 =	simm.s32 $0x1680  }
0x8: {  	s24 =	simm.s32 $0x5700;
	s28 =	simm.s32 $0x2;
	s29 =	simm.s32 $0x4  }
0x9: {  	s7 =	sand.u32 $0x1, s0;
	s25 =	sshll.u32 s14, $0x1;
	s0 =	rddreg [dreg:$0x5]  }
0xa: {  	[smem:$0x7FF] =	sst s2;
	p0 =	seq.s32 s14, $0xF;
	s8 =	sor.u32 s7, s25  }
0xb: {  	s5 =	sadd.s32 $0x1400, s5;
	s26 =	ssub.s32 $0x2, s7;
	s8 =	smul.u32 $0x680, s8  }
0xc: {  	_ =	strace $0x80000047;
	[dreg:$0x6] =	wrdreg s5;
	s9 =	sshrl.u32 s26, $0x1  }
0xd: {  	s25 =	simm.s32 $0x1;
	s15 =	ssub.s32 s26, s9;
	s8 =	simm.s32 @p0 $0xBCD0  }
0xe: {  	s26 =	simm.s32 $0x3;
	p0 =	sne.s32 s14, $0x0;
	s30 =	sshrl.u32 s8, $0x3  }
0xf: {  	s15 =	smax.u32 s15, $0x1;
	s8 =	sshll.u32 s8, $0x4;
	s3 =	sadd.s32 s3, s30  }
0x10: {  	s4 =	sadd.s32 s4, s30;
	[dreg:$0x7] =	wrdreg s3;
	s3 =	sadd.s32 s6, s8  }
0x11: {  	s16 =	sshrl.u32 @!p0 s1, $0x3;
	[dreg:$0x8] =	wrdreg s4;
	s31 =	sadd.s32 $0x800, s3  }
0x12: {  	s4 =	sadd.s32 $0x1000, s3;
	s5 =	sadd.s32 $0x1800, s3;
	s6 =	sadd.s32 $0x2000, s3  }
0x13: {  	s7 =	sadd.s32 $0x2800, s3;
	s8 =	sadd.s32 $0x3000, s3;
	s9 =	sadd.s32 $0x3800, s3  }
0x14: {  	s10 =	sadd.s32 $0x4000, s3;
	s11 =	sadd.s32 $0x4800, s3;
	s12 =	sadd.s32 $0x5000, s3  }
0x15: {  	s13 =	sadd.s32 $0x5800, s3;
	s14 =	sadd.s32 $0x6000, s3;
	[dreg:$0x9] =	wrdreg s31  }
.LBB2_1:
0x16: {  	s30 =	rddreg [dreg:$0x6];
	s31 =	simm.s32 @!p0 $0x1C05  }
0x17: {  	[spmem:s16], [sflag:s31] =	dma.local @!p0 [hbm:s30], $0x1200  }
0x18: {  	s30 =	simm.s32 @!p0 $0x5  }
0x19: {  	_ =	swait.ge @!p0 [sflag:s30], $0x1200  }
0x1a: {  	[sflag:s30] =	ssyncset.done @!p0 $0x0  }
0x1b: {  	[sflag:s30] =	ssyncadd.s32 @!p0 $0xFFFFEE00  }
0x1c: {  	[bflag:$0x0] =	sbarrier.arrive $0xFFFF  }
0x1d: {  	s31 =	rddreg [dreg:$0x7]  }
0x1e: {  	[tilespmem:s17], [sflag:$0x5] =	stream.linear.gather [hbm4b:s31+s2], $0x680, $0x38;
	[tilespmem:$0x9700] =	vst v63  }
0x1f: {  	_ =	swait.ge [sflag:s18], $0x680  }
0x20: {  	[sflag:s18] =	ssyncset.done $0x0  }
0x21: {  	s31 =	rddreg [dreg:$0x8];
	[sflag:s18] =	ssyncadd.s32 $0xFFFFF980  }
0x22: {  	[tilespmem:s19], [sflag:$0x5] =	stream.linear.gather [hbm4b:s31+s2], $0x680, $0x38;
	[tilespmem:$0x9700] =	vst v63  }
0x23: {  	_ =	swait.ge [sflag:s18], $0x680  }
0x24: {  	[sflag:s18] =	ssyncset.done $0x0  }
0x25: {  	[sflag:s18] =	ssyncadd.s32 $0xFFFFF980  }
0x26: {  	v0 =	vld [tilespmem:$0xF80]  }
0x27: {  	v1 =	vld [tilespmem:$0x900]  }
0x28: {  	v2 =	vld [tilespmem:$0xF90]  }
0x29: {  	v3 =	vld [tilespmem:$0x910]  }
0x2a: {  	v4 =	vld [tilespmem:$0xFA0]  }
0x2b: {  	v5 =	vld [tilespmem:$0x920]  }
0x2c: {  	v6 =	vld [tilespmem:$0xFB0]  }
0x2d: {  	v7 =	vld [tilespmem:$0x930]  }
0x2e: {  	v8 =	vld [tilespmem:$0xFC0]  }
0x2f: {  	v9 =	vld [tilespmem:$0x940]  }
0x30: {  	v10 =	vld [tilespmem:$0xFD0]  }
0x31: {  	v11 =	vld [tilespmem:$0x950];
	v0 =	vmul.u32 $0x60, v0  }
0x32: {  	v12 =	vld [tilespmem:$0xFE0];
	v2 =	vmul.u32 $0x60, v2  }
0x33: {  	v57 =	vld [tilespmem:$0xFF0];
	v56 =	vmul.u32 $0x60, v4;
	v0 =	vadd.s32 v1, v0  }
0x34: {  	v60 =	vld [tilespmem:$0x960];
	v59 =	vmul.u32 $0x60, v6;
	v58 =	vadd.s32 v3, v2;
	[tilespmem:$0x1600] =	vst v0  }
0x35: {  	v63 =	vld [tilespmem:$0x970];
	v62 =	vmul.u32 $0x60, v8;
	v61 =	vadd.s32 v5, v56;
	[tilespmem:$0x1610] =	vst v58  }
0x36: {  	v8 =	vmul.u32 $0x60, v10;
	v7 =	vadd.s32 v7, v59;
	[tilespmem:$0x1620] =	vst v61  }
0x37: {  	v10 =	vmul.u32 $0x60, v12;
	v9 =	vadd.s32 v9, v62;
	[tilespmem:$0x1630] =	vst v7  }
0x38: {  	v13 =	vmul.u32 $0x60, v57;
	v12 =	vadd.s32 v11, v8;
	[tilespmem:$0x1640] =	vst v9  }
0x39: {  	v14 =	vadd.s32 v60, v10;
	[tilespmem:$0x1650] =	vst v12  }
0x3a: {  	v15 =	vadd.s32 v63, v13;
	[tilespmem:$0x1660] =	vst v14  }
0x3b: {  	[tilespmem:$0x1670] =	vst v15  }
0x3c: {  	[tilespmem:s22], [sflag:$0x1] =	stream.indirect.gather [spmem:s1], $0x80, s21, s20, $0xb8;
	[tilespmem:$0x9700] =	vst v63  }
0x3d: {  	v16 =	vld [tilespmem:$0x1000]  }
0x3e: {  	v17 =	vld [tilespmem:$0x980]  }
0x3f: {  	v18 =	vld [tilespmem:$0x1010]  }
0x40: {  	v19 =	vld [tilespmem:$0x990]  }
0x41: {  	v20 =	vld [tilespmem:$0x1020]  }
0x42: {  	v21 =	vld [tilespmem:$0x9A0]  }
0x43: {  	v22 =	vld [tilespmem:$0x1030]  }
0x44: {  	v23 =	vld [tilespmem:$0x9B0]  }
0x45: {  	v24 =	vld [tilespmem:$0x1040]  }
0x46: {  	v25 =	vld [tilespmem:$0x9C0]  }
0x47: {  	v26 =	vld [tilespmem:$0x1050]  }
0x48: {  	v27 =	vld [tilespmem:$0x9D0];
	v0 =	vmul.u32 $0x60, v16  }
0x49: {  	v28 =	vld [tilespmem:$0x1060];
	v2 =	vmul.u32 $0x60, v18  }
0x4a: {  	v30 =	vld [tilespmem:$0x1070];
	v29 =	vmul.u32 $0x60, v20;
	v0 =	vadd.s32 v17, v0  }
0x4b: {  	v33 =	vld [tilespmem:$0x9E0];
	v32 =	vmul.u32 $0x60, v22;
	v31 =	vadd.s32 v19, v2;
	[tilespmem:$0x1680] =	vst v0  }
0x4c: {  	v36 =	vld [tilespmem:$0x9F0];
	v35 =	vmul.u32 $0x60, v24;
	v34 =	vadd.s32 v21, v29;
	[tilespmem:$0x1690] =	vst v31  }
0x4d: {  	v38 =	vmul.u32 $0x60, v26;
	v37 =	vadd.s32 v23, v32;
	[tilespmem:$0x16A0] =	vst v34  }
0x4e: {  	v40 =	vmul.u32 $0x60, v28;
	v39 =	vadd.s32 v25, v35;
	[tilespmem:$0x16B0] =	vst v37  }
0x4f: {  	v42 =	vmul.u32 $0x60, v30;
	v41 =	vadd.s32 v27, v38;
	[tilespmem:$0x16C0] =	vst v39  }
0x50: {  	v43 =	vadd.s32 v33, v40;
	[tilespmem:$0x16D0] =	vst v41  }
0x51: {  	v44 =	vadd.s32 v36, v42;
	[tilespmem:$0x16E0] =	vst v43  }
0x52: {  	[tilespmem:$0x16F0] =	vst v44  }
0x53: {  	[tilespmem:s24], [sflag:$0x2] =	stream.indirect.gather [spmem:s1], $0x80, s23, s20, $0xb8;
	[tilespmem:$0x9700] =	vst v63  }
0x54: {  	_ =	swait.ge [sflag:s25], $0x4000  }
0x55: {  	[sflag:s25] =	ssyncset.done $0x0  }
0x56: {  	[sflag:s25] =	ssyncadd.s32 $0xFFFFC000  }
0x57: {  	[hbm4b:s3+s2] =	stream.linear.scatter [tilespmem:s22], [sflag:$0x3], $0x4000, $0x38;
	[tilespmem:$0x9700] =	vst v63  }
0x58: {  	_ =	swait.ge [sflag:s26], $0x4000  }
0x59: {  	[sflag:s26] =	ssyncset.done $0x0  }
0x5a: {  	[sflag:s26] =	ssyncadd.s32 $0xFFFFC000  }
0x5b: {  	v45 =	vld [tilespmem:$0x1080]  }
0x5c: {  	v46 =	vld [tilespmem:$0xA00]  }
0x5d: {  	v47 =	vld [tilespmem:$0x1090]  }
0x5e: {  	v48 =	vld [tilespmem:$0xA10]  }
0x5f: {  	v49 =	vld [tilespmem:$0x10A0]  }
0x60: {  	v50 =	vld [tilespmem:$0xA20]  }
0x61: {  	v51 =	vld [tilespmem:$0x10B0]  }
0x62: {  	v52 =	vld [tilespmem:$0xA30]  }
0x63: {  	v53 =	vld [tilespmem:$0x10C0]  }
0x64: {  	v54 =	vld [tilespmem:$0xA40]  }
0x65: {  	v55 =	vld [tilespmem:$0x10D0]  }
0x66: {  	v56 =	vld [tilespmem:$0xA50];
	v0 =	vmul.u32 $0x60, v45  }
0x67: {  	v57 =	vld [tilespmem:$0x10E0];
	v2 =	vmul.u32 $0x60, v47  }
0x68: {  	v59 =	vld [tilespmem:$0x10F0];
	v58 =	vmul.u32 $0x60, v49;
	v0 =	vadd.s32 v46, v0  }
0x69: {  	v62 =	vld [tilespmem:$0xA60];
	v61 =	vmul.u32 $0x60, v51;
	v60 =	vadd.s32 v48, v2;
	[tilespmem:$0x1600] =	vst v0  }
0x6a: {  	v14 =	vld [tilespmem:$0xA70];
	v13 =	vmul.u32 $0x60, v53;
	v63 =	vadd.s32 v50, v58;
	[tilespmem:$0x1610] =	vst v60  }
0x6b: {  	v16 =	vmul.u32 $0x60, v55;
	v15 =	vadd.s32 v52, v61;
	[tilespmem:$0x1620] =	vst v63  }
0x6c: {  	v18 =	vmul.u32 $0x60, v57;
	v17 =	vadd.s32 v54, v13;
	[tilespmem:$0x1630] =	vst v15  }
0x6d: {  	v20 =	vmul.u32 $0x60, v59;
	v19 =	vadd.s32 v56, v16;
	[tilespmem:$0x1640] =	vst v17  }
0x6e: {  	v21 =	vadd.s32 v62, v18;
	[tilespmem:$0x1650] =	vst v19  }
0x6f: {  	v22 =	vadd.s32 v14, v20;
	[tilespmem:$0x1660] =	vst v21  }
0x70: {  	[tilespmem:$0x1670] =	vst v22  }
0x71: {  	[tilespmem:s22], [sflag:$0x1] =	stream.indirect.gather [spmem:s1], $0x80, s21, s20, $0xb8;
	[tilespmem:$0x9700] =	vst v63  }
0x72: {  	_ =	swait.ge [sflag:s28], $0x4000  }
0x73: {  	[sflag:s28] =	ssyncset.done $0x0  }
0x74: {  	s31 =	rddreg [dreg:$0x9];
	[sflag:s28] =	ssyncadd.s32 $0xFFFFC000  }
0x75: {  	[hbm4b:s31+s2] =	stream.linear.scatter [tilespmem:s24], [sflag:$0x4], $0x4000, $0x38;
	[tilespmem:$0x9700] =	vst v63  }
0x76: {  	_ =	swait.ge [sflag:s29], $0x4000  }
0x77: {  	[sflag:s29] =	ssyncset.done $0x0  }
0x78: {  	[sflag:s29] =	ssyncadd.s32 $0xFFFFC000  }
0x79: {  	v23 =	vld [tilespmem:$0x1100]  }
0x7a: {  	v24 =	vld [tilespmem:$0xA80]  }
0x7b: {  	v25 =	vld [tilespmem:$0x1110]  }
0x7c: {  	v26 =	vld [tilespmem:$0xA90]  }
0x7d: {  	v27 =	vld [tilespmem:$0x1120]  }
0x7e: {  	v28 =	vld [tilespmem:$0xAA0]  }
0x7f: {  	v29 =	vld [tilespmem:$0x1130]  }
0x80: {  	v30 =	vld [tilespmem:$0xAB0]  }
0x81: {  	v31 =	vld [tilespmem:$0x1140]  }
0x82: {  	v32 =	vld [tilespmem:$0xAC0]  }
0x83: {  	v33 =	vld [tilespmem:$0x1150]  }
0x84: {  	v34 =	vld [tilespmem:$0xAD0];
	v0 =	vmul.u32 $0x60, v23  }
0x85: {  	v35 =	vld [tilespmem:$0x1160];
	v2 =	vmul.u32 $0x60, v25  }
0x86: {  	v37 =	vld [tilespmem:$0x1170];
	v36 =	vmul.u32 $0x60, v27;
	v0 =	vadd.s32 v24, v0  }
0x87: {  	v40 =	vld [tilespmem:$0xAE0];
	v39 =	vmul.u32 $0x60, v29;
	v38 =	vadd.s32 v26, v2;
	[tilespmem:$0x1680] =	vst v0  }
0x88: {  	v43 =	vld [tilespmem:$0xAF0];
	v42 =	vmul.u32 $0x60, v31;
	v41 =	vadd.s32 v28, v36;
	[tilespmem:$0x1690] =	vst v38  }
0x89: {  	v45 =	vmul.u32 $0x60, v33;
	v44 =	vadd.s32 v30, v39;
	[tilespmem:$0x16A0] =	vst v41  }
0x8a: {  	v47 =	vmul.u32 $0x60, v35;
	v46 =	vadd.s32 v32, v42;
	[tilespmem:$0x16B0] =	vst v44  }
0x8b: {  	v49 =	vmul.u32 $0x60, v37;
	v48 =	vadd.s32 v34, v45;
	[tilespmem:$0x16C0] =	vst v46  }
0x8c: {  	v50 =	vadd.s32 v40, v47;
	[tilespmem:$0x16D0] =	vst v48  }
0x8d: {  	v51 =	vadd.s32 v43, v49;
	[tilespmem:$0x16E0] =	vst v50  }
0x8e: {  	[tilespmem:$0x16F0] =	vst v51  }
0x8f: {  	[tilespmem:s24], [sflag:$0x2] =	stream.indirect.gather [spmem:s1], $0x80, s23, s20, $0xb8;
	[tilespmem:$0x9700] =	vst v63  }
0x90: {  	_ =	swait.ge [sflag:s25], $0x4000  }
0x91: {  	[sflag:s25] =	ssyncset.done $0x0  }
0x92: {  	[sflag:s25] =	ssyncadd.s32 $0xFFFFC000  }
0x93: {  	[hbm4b:s4+s2] =	stream.linear.scatter [tilespmem:s22], [sflag:$0x3], $0x4000, $0x38;
	[tilespmem:$0x9700] =	vst v63  }
0x94: {  	_ =	swait.ge [sflag:s26], $0x4000  }
0x95: {  	[sflag:s26] =	ssyncset.done $0x0  }
0x96: {  	[sflag:s26] =	ssyncadd.s32 $0xFFFFC000  }
0x97: {  	v52 =	vld [tilespmem:$0x1180]  }
0x98: {  	v53 =	vld [tilespmem:$0xB00]  }
0x99: {  	v54 =	vld [tilespmem:$0x1190]  }
0x9a: {  	v55 =	vld [tilespmem:$0xB10]  }
0x9b: {  	v56 =	vld [tilespmem:$0x11A0]  }
0x9c: {  	v57 =	vld [tilespmem:$0xB20]  }
0x9d: {  	v58 =	vld [tilespmem:$0x11B0]  }
0x9e: {  	v59 =	vld [tilespmem:$0xB30]  }
0x9f: {  	v60 =	vld [tilespmem:$0x11C0]  }
0xa0: {  	v61 =	vld [tilespmem:$0xB40]  }
0xa1: {  	v62 =	vld [tilespmem:$0x11D0]  }
0xa2: {  	v63 =	vld [tilespmem:$0xB50];
	v0 =	vmul.u32 $0x60, v52  }
0xa3: {  	v16 =	vld [tilespmem:$0x11E0];
	v2 =	vmul.u32 $0x60, v54  }
0xa4: {  	v18 =	vld [tilespmem:$0x11F0];
	v17 =	vmul.u32 $0x60, v56;
	v0 =	vadd.s32 v53, v0  }
0xa5: {  	v21 =	vld [tilespmem:$0xB60];
	v20 =	vmul.u32 $0x60, v58;
	v19 =	vadd.s32 v55, v2;
	[tilespmem:$0x1600] =	vst v0  }
0xa6: {  	v24 =	vld [tilespmem:$0xB70];
	v23 =	vmul.u32 $0x60, v60;
	v22 =	vadd.s32 v57, v17;
	[tilespmem:$0x1610] =	vst v19  }
0xa7: {  	v26 =	vmul.u32 $0x60, v62;
	v25 =	vadd.s32 v59, v20;
	[tilespmem:$0x1620] =	vst v22  }
0xa8: {  	v28 =	vmul.u32 $0x60, v16;
	v27 =	vadd.s32 v61, v23;
	[tilespmem:$0x1630] =	vst v25  }
0xa9: {  	v30 =	vmul.u32 $0x60, v18;
	v29 =	vadd.s32 v63, v26;
	[tilespmem:$0x1640] =	vst v27  }
0xaa: {  	v31 =	vadd.s32 v21, v28;
	[tilespmem:$0x1650] =	vst v29  }
0xab: {  	v32 =	vadd.s32 v24, v30;
	[tilespmem:$0x1660] =	vst v31  }
0xac: {  	[tilespmem:$0x1670] =	vst v32  }
0xad: {  	[tilespmem:s22], [sflag:$0x1] =	stream.indirect.gather [spmem:s1], $0x80, s21, s20, $0xb8;
	[tilespmem:$0x9700] =	vst v63  }
0xae: {  	_ =	swait.ge [sflag:s28], $0x4000  }
0xaf: {  	[sflag:s28] =	ssyncset.done $0x0  }
0xb0: {  	[sflag:s28] =	ssyncadd.s32 $0xFFFFC000  }
0xb1: {  	[hbm4b:s5+s2] =	stream.linear.scatter [tilespmem:s24], [sflag:$0x4], $0x4000, $0x38;
	[tilespmem:$0x9700] =	vst v63  }
0xb2: {  	_ =	swait.ge [sflag:s29], $0x4000  }
0xb3: {  	[sflag:s29] =	ssyncset.done $0x0  }
0xb4: {  	[sflag:s29] =	ssyncadd.s32 $0xFFFFC000  }
0xb5: {  	v33 =	vld [tilespmem:$0x1200]  }
0xb6: {  	v34 =	vld [tilespmem:$0xB80]  }
0xb7: {  	v35 =	vld [tilespmem:$0x1210]  }
0xb8: {  	v36 =	vld [tilespmem:$0xB90]  }
0xb9: {  	v37 =	vld [tilespmem:$0x1220]  }
0xba: {  	v38 =	vld [tilespmem:$0xBA0]  }
0xbb: {  	v39 =	vld [tilespmem:$0x1230]  }
0xbc: {  	v40 =	vld [tilespmem:$0xBB0]  }
0xbd: {  	v41 =	vld [tilespmem:$0x1240]  }
0xbe: {  	v42 =	vld [tilespmem:$0xBC0]  }
0xbf: {  	v43 =	vld [tilespmem:$0x1250]  }
0xc0: {  	v44 =	vld [tilespmem:$0xBD0];
	v0 =	vmul.u32 $0x60, v33  }
0xc1: {  	v45 =	vld [tilespmem:$0x1260];
	v2 =	vmul.u32 $0x60, v35  }
0xc2: {  	v47 =	vld [tilespmem:$0x1270];
	v46 =	vmul.u32 $0x60, v37;
	v0 =	vadd.s32 v34, v0  }
0xc3: {  	v50 =	vld [tilespmem:$0xBE0];
	v49 =	vmul.u32 $0x60, v39;
	v48 =	vadd.s32 v36, v2;
	[tilespmem:$0x1680] =	vst v0  }
0xc4: {  	v53 =	vld [tilespmem:$0xBF0];
	v52 =	vmul.u32 $0x60, v41;
	v51 =	vadd.s32 v38, v46;
	[tilespmem:$0x1690] =	vst v48  }
0xc5: {  	v55 =	vmul.u32 $0x60, v43;
	v54 =	vadd.s32 v40, v49;
	[tilespmem:$0x16A0] =	vst v51  }
0xc6: {  	v57 =	vmul.u32 $0x60, v45;
	v56 =	vadd.s32 v42, v52;
	[tilespmem:$0x16B0] =	vst v54  }
0xc7: {  	v59 =	vmul.u32 $0x60, v47;
	v58 =	vadd.s32 v44, v55;
	[tilespmem:$0x16C0] =	vst v56  }
0xc8: {  	v60 =	vadd.s32 v50, v57;
	[tilespmem:$0x16D0] =	vst v58  }
0xc9: {  	v61 =	vadd.s32 v53, v59;
	[tilespmem:$0x16E0] =	vst v60  }
0xca: {  	[tilespmem:$0x16F0] =	vst v61  }
0xcb: {  	[tilespmem:s24], [sflag:$0x2] =	stream.indirect.gather [spmem:s1], $0x80, s23, s20, $0xb8;
	[tilespmem:$0x9700] =	vst v63  }
0xcc: {  	_ =	swait.ge [sflag:s25], $0x4000  }
0xcd: {  	[sflag:s25] =	ssyncset.done $0x0  }
0xce: {  	[sflag:s25] =	ssyncadd.s32 $0xFFFFC000  }
0xcf: {  	[hbm4b:s6+s2] =	stream.linear.scatter [tilespmem:s22], [sflag:$0x3], $0x4000, $0x38;
	[tilespmem:$0x9700] =	vst v63  }
0xd0: {  	_ =	swait.ge [sflag:s26], $0x4000  }
0xd1: {  	[sflag:s26] =	ssyncset.done $0x0  }
0xd2: {  	[sflag:s26] =	ssyncadd.s32 $0xFFFFC000  }
0xd3: {  	v62 =	vld [tilespmem:$0x1280]  }
0xd4: {  	v63 =	vld [tilespmem:$0xC00]  }
0xd5: {  	v16 =	vld [tilespmem:$0x1290]  }
0xd6: {  	v17 =	vld [tilespmem:$0xC10]  }
0xd7: {  	v18 =	vld [tilespmem:$0x12A0]  }
0xd8: {  	v19 =	vld [tilespmem:$0xC20]  }
0xd9: {  	v20 =	vld [tilespmem:$0x12B0]  }
0xda: {  	v21 =	vld [tilespmem:$0xC30]  }
0xdb: {  	v22 =	vld [tilespmem:$0x12C0]  }
0xdc: {  	v23 =	vld [tilespmem:$0xC40]  }
0xdd: {  	v24 =	vld [tilespmem:$0x12D0]  }
0xde: {  	v25 =	vld [tilespmem:$0xC50];
	v0 =	vmul.u32 $0x60, v62  }
0xdf: {  	v26 =	vld [tilespmem:$0x12E0];
	v2 =	vmul.u32 $0x60, v16  }
0xe0: {  	v28 =	vld [tilespmem:$0x12F0];
	v27 =	vmul.u32 $0x60, v18;
	v0 =	vadd.s32 v63, v0  }
0xe1: {  	v31 =	vld [tilespmem:$0xC60];
	v30 =	vmul.u32 $0x60, v20;
	v29 =	vadd.s32 v17, v2;
	[tilespmem:$0x1600] =	vst v0  }
0xe2: {  	v34 =	vld [tilespmem:$0xC70];
	v33 =	vmul.u32 $0x60, v22;
	v32 =	vadd.s32 v19, v27;
	[tilespmem:$0x1610] =	vst v29  }
0xe3: {  	v36 =	vmul.u32 $0x60, v24;
	v35 =	vadd.s32 v21, v30;
	[tilespmem:$0x1620] =	vst v32  }
0xe4: {  	v38 =	vmul.u32 $0x60, v26;
	v37 =	vadd.s32 v23, v33;
	[tilespmem:$0x1630] =	vst v35  }
0xe5: {  	v40 =	vmul.u32 $0x60, v28;
	v39 =	vadd.s32 v25, v36;
	[tilespmem:$0x1640] =	vst v37  }
0xe6: {  	v41 =	vadd.s32 v31, v38;
	[tilespmem:$0x1650] =	vst v39  }
0xe7: {  	v42 =	vadd.s32 v34, v40;
	[tilespmem:$0x1660] =	vst v41  }
0xe8: {  	[tilespmem:$0x1670] =	vst v42  }
0xe9: {  	[tilespmem:s22], [sflag:$0x1] =	stream.indirect.gather [spmem:s1], $0x80, s21, s20, $0xb8;
	[tilespmem:$0x9700] =	vst v63  }
0xea: {  	_ =	swait.ge [sflag:s28], $0x4000  }
0xeb: {  	[sflag:s28] =	ssyncset.done $0x0  }
0xec: {  	[sflag:s28] =	ssyncadd.s32 $0xFFFFC000  }
0xed: {  	[hbm4b:s7+s2] =	stream.linear.scatter [tilespmem:s24], [sflag:$0x4], $0x4000, $0x38;
	[tilespmem:$0x9700] =	vst v63  }
0xee: {  	_ =	swait.ge [sflag:s29], $0x4000  }
0xef: {  	[sflag:s29] =	ssyncset.done $0x0  }
0xf0: {  	[sflag:s29] =	ssyncadd.s32 $0xFFFFC000  }
0xf1: {  	v43 =	vld [tilespmem:$0x1300]  }
0xf2: {  	v44 =	vld [tilespmem:$0xC80]  }
0xf3: {  	v45 =	vld [tilespmem:$0x1310]  }
0xf4: {  	v46 =	vld [tilespmem:$0xC90]  }
0xf5: {  	v47 =	vld [tilespmem:$0x1320]  }
0xf6: {  	v48 =	vld [tilespmem:$0xCA0]  }
0xf7: {  	v49 =	vld [tilespmem:$0x1330]  }
0xf8: {  	v50 =	vld [tilespmem:$0xCB0]  }
0xf9: {  	v51 =	vld [tilespmem:$0x1340]  }
0xfa: {  	v52 =	vld [tilespmem:$0xCC0]  }
0xfb: {  	v53 =	vld [tilespmem:$0x1350]  }
0xfc: {  	v54 =	vld [tilespmem:$0xCD0];
	v0 =	vmul.u32 $0x60, v43  }
0xfd: {  	v55 =	vld [tilespmem:$0x1360];
	v2 =	vmul.u32 $0x60, v45  }
0xfe: {  	v57 =	vld [tilespmem:$0x1370];
	v56 =	vmul.u32 $0x60, v47;
	v0 =	vadd.s32 v44, v0  }
0xff: {  	v60 =	vld [tilespmem:$0xCE0];
	v59 =	vmul.u32 $0x60, v49;
	v58 =	vadd.s32 v46, v2;
	[tilespmem:$0x1680] =	vst v0  }
0x100: {  	v63 =	vld [tilespmem:$0xCF0];
	v62 =	vmul.u32 $0x60, v51;
	v61 =	vadd.s32 v48, v56;
	[tilespmem:$0x1690] =	vst v58  }
0x101: {  	v8 =	vmul.u32 $0x60, v53;
	v7 =	vadd.s32 v50, v59;
	[tilespmem:$0x16A0] =	vst v61  }
0x102: {  	v13 =	vmul.u32 $0x60, v55;
	v10 =	vadd.s32 v52, v62;
	[tilespmem:$0x16B0] =	vst v7  }
0x103: {  	v15 =	vmul.u32 $0x60, v57;
	v14 =	vadd.s32 v54, v8;
	[tilespmem:$0x16C0] =	vst v10  }
0x104: {  	v16 =	vadd.s32 v60, v13;
	[tilespmem:$0x16D0] =	vst v14  }
0x105: {  	v17 =	vadd.s32 v63, v15;
	[tilespmem:$0x16E0] =	vst v16  }
0x106: {  	[tilespmem:$0x16F0] =	vst v17  }
0x107: {  	[tilespmem:s24], [sflag:$0x2] =	stream.indirect.gather [spmem:s1], $0x80, s23, s20, $0xb8;
	[tilespmem:$0x9700] =	vst v63  }
0x108: {  	_ =	swait.ge [sflag:s25], $0x4000  }
0x109: {  	[sflag:s25] =	ssyncset.done $0x0  }
0x10a: {  	[sflag:s25] =	ssyncadd.s32 $0xFFFFC000  }
0x10b: {  	[hbm4b:s8+s2] =	stream.linear.scatter [tilespmem:s22], [sflag:$0x3], $0x4000, $0x38;
	[tilespmem:$0x9700] =	vst v63  }
0x10c: {  	_ =	swait.ge [sflag:s26], $0x4000  }
0x10d: {  	[sflag:s26] =	ssyncset.done $0x0  }
0x10e: {  	[sflag:s26] =	ssyncadd.s32 $0xFFFFC000  }
0x10f: {  	v18 =	vld [tilespmem:$0x1380]  }
0x110: {  	v19 =	vld [tilespmem:$0xD00]  }
0x111: {  	v20 =	vld [tilespmem:$0x1390]  }
0x112: {  	v21 =	vld [tilespmem:$0xD10]  }
0x113: {  	v22 =	vld [tilespmem:$0x13A0]  }
0x114: {  	v23 =	vld [tilespmem:$0xD20]  }
0x115: {  	v24 =	vld [tilespmem:$0x13B0]  }
0x116: {  	v25 =	vld [tilespmem:$0xD30]  }
0x117: {  	v26 =	vld [tilespmem:$0x13C0]  }
0x118: {  	v27 =	vld [tilespmem:$0xD40]  }
0x119: {  	v28 =	vld [tilespmem:$0x13D0]  }
0x11a: {  	v29 =	vld [tilespmem:$0xD50];
	v0 =	vmul.u32 $0x60, v18  }
0x11b: {  	v30 =	vld [tilespmem:$0x13E0];
	v2 =	vmul.u32 $0x60, v20  }
0x11c: {  	v32 =	vld [tilespmem:$0x13F0];
	v31 =	vmul.u32 $0x60, v22;
	v0 =	vadd.s32 v19, v0  }
0x11d: {  	v35 =	vld [tilespmem:$0xD60];
	v34 =	vmul.u32 $0x60, v24;
	v33 =	vadd.s32 v21, v2;
	[tilespmem:$0x1600] =	vst v0  }
0x11e: {  	v38 =	vld [tilespmem:$0xD70];
	v37 =	vmul.u32 $0x60, v26;
	v36 =	vadd.s32 v23, v31;
	[tilespmem:$0x1610] =	vst v33  }
0x11f: {  	v40 =	vmul.u32 $0x60, v28;
	v39 =	vadd.s32 v25, v34;
	[tilespmem:$0x1620] =	vst v36  }
0x120: {  	v42 =	vmul.u32 $0x60, v30;
	v41 =	vadd.s32 v27, v37;
	[tilespmem:$0x1630] =	vst v39  }
0x121: {  	v44 =	vmul.u32 $0x60, v32;
	v43 =	vadd.s32 v29, v40;
	[tilespmem:$0x1640] =	vst v41  }
0x122: {  	v45 =	vadd.s32 v35, v42;
	[tilespmem:$0x1650] =	vst v43  }
0x123: {  	v46 =	vadd.s32 v38, v44;
	[tilespmem:$0x1660] =	vst v45  }
0x124: {  	[tilespmem:$0x1670] =	vst v46  }
0x125: {  	[tilespmem:s22], [sflag:$0x1] =	stream.indirect.gather [spmem:s1], $0x80, s21, s20, $0xb8;
	[tilespmem:$0x9700] =	vst v63  }
0x126: {  	_ =	swait.ge [sflag:s28], $0x4000  }
0x127: {  	[sflag:s28] =	ssyncset.done $0x0  }
0x128: {  	[sflag:s28] =	ssyncadd.s32 $0xFFFFC000  }
0x129: {  	[hbm4b:s9+s2] =	stream.linear.scatter [tilespmem:s24], [sflag:$0x4], $0x4000, $0x38;
	[tilespmem:$0x9700] =	vst v63  }
0x12a: {  	_ =	swait.ge [sflag:s29], $0x4000  }
0x12b: {  	[sflag:s29] =	ssyncset.done $0x0  }
0x12c: {  	[sflag:s29] =	ssyncadd.s32 $0xFFFFC000  }
0x12d: {  	v47 =	vld [tilespmem:$0x1400]  }
0x12e: {  	v48 =	vld [tilespmem:$0xD80]  }
0x12f: {  	v49 =	vld [tilespmem:$0x1410]  }
0x130: {  	v50 =	vld [tilespmem:$0xD90]  }
0x131: {  	v51 =	vld [tilespmem:$0x1420]  }
0x132: {  	v52 =	vld [tilespmem:$0xDA0]  }
0x133: {  	v53 =	vld [tilespmem:$0x1430]  }
0x134: {  	v54 =	vld [tilespmem:$0xDB0]  }
0x135: {  	v55 =	vld [tilespmem:$0x1440]  }
0x136: {  	v56 =	vld [tilespmem:$0xDC0]  }
0x137: {  	v57 =	vld [tilespmem:$0x1450]  }
0x138: {  	v58 =	vld [tilespmem:$0xDD0];
	v0 =	vmul.u32 $0x60, v47  }
0x139: {  	v59 =	vld [tilespmem:$0x1460];
	v2 =	vmul.u32 $0x60, v49  }
0x13a: {  	v61 =	vld [tilespmem:$0x1470];
	v60 =	vmul.u32 $0x60, v51;
	v0 =	vadd.s32 v48, v0  }
0x13b: {  	v13 =	vld [tilespmem:$0xDE0];
	v63 =	vmul.u32 $0x60, v53;
	v62 =	vadd.s32 v50, v2;
	[tilespmem:$0x1680] =	vst v0  }
0x13c: {  	v16 =	vld [tilespmem:$0xDF0];
	v15 =	vmul.u32 $0x60, v55;
	v14 =	vadd.s32 v52, v60;
	[tilespmem:$0x1690] =	vst v62  }
0x13d: {  	v18 =	vmul.u32 $0x60, v57;
	v17 =	vadd.s32 v54, v63;
	[tilespmem:$0x16A0] =	vst v14  }
0x13e: {  	v20 =	vmul.u32 $0x60, v59;
	v19 =	vadd.s32 v56, v15;
	[tilespmem:$0x16B0] =	vst v17  }
0x13f: {  	v22 =	vmul.u32 $0x60, v61;
	v21 =	vadd.s32 v58, v18;
	[tilespmem:$0x16C0] =	vst v19  }
0x140: {  	v23 =	vadd.s32 v13, v20;
	[tilespmem:$0x16D0] =	vst v21  }
0x141: {  	v24 =	vadd.s32 v16, v22;
	[tilespmem:$0x16E0] =	vst v23  }
0x142: {  	[tilespmem:$0x16F0] =	vst v24  }
0x143: {  	[tilespmem:s24], [sflag:$0x2] =	stream.indirect.gather [spmem:s1], $0x80, s23, s20, $0xb8;
	[tilespmem:$0x9700] =	vst v63  }
0x144: {  	_ =	swait.ge [sflag:s25], $0x4000  }
0x145: {  	[sflag:s25] =	ssyncset.done $0x0  }
0x146: {  	[sflag:s25] =	ssyncadd.s32 $0xFFFFC000  }
0x147: {  	[hbm4b:s10+s2] =	stream.linear.scatter [tilespmem:s22], [sflag:$0x3], $0x4000, $0x38;
	[tilespmem:$0x9700] =	vst v63  }
0x148: {  	_ =	swait.ge [sflag:s26], $0x4000  }
0x149: {  	[sflag:s26] =	ssyncset.done $0x0  }
0x14a: {  	[sflag:s26] =	ssyncadd.s32 $0xFFFFC000  }
0x14b: {  	v25 =	vld [tilespmem:$0x1480]  }
0x14c: {  	v26 =	vld [tilespmem:$0xE00]  }
0x14d: {  	v27 =	vld [tilespmem:$0x1490]  }
0x14e: {  	v28 =	vld [tilespmem:$0xE10]  }
0x14f: {  	v29 =	vld [tilespmem:$0x14A0]  }
0x150: {  	v30 =	vld [tilespmem:$0xE20]  }
0x151: {  	v31 =	vld [tilespmem:$0x14B0]  }
0x152: {  	v32 =	vld [tilespmem:$0xE30]  }
0x153: {  	v33 =	vld [tilespmem:$0x14C0]  }
0x154: {  	v34 =	vld [tilespmem:$0xE40]  }
0x155: {  	v35 =	vld [tilespmem:$0x14D0]  }
0x156: {  	v36 =	vld [tilespmem:$0xE50];
	v0 =	vmul.u32 $0x60, v25  }
0x157: {  	v37 =	vld [tilespmem:$0x14E0];
	v2 =	vmul.u32 $0x60, v27  }
0x158: {  	v39 =	vld [tilespmem:$0x14F0];
	v38 =	vmul.u32 $0x60, v29;
	v0 =	vadd.s32 v26, v0  }
0x159: {  	v42 =	vld [tilespmem:$0xE60];
	v41 =	vmul.u32 $0x60, v31;
	v40 =	vadd.s32 v28, v2;
	[tilespmem:$0x1600] =	vst v0  }
0x15a: {  	v45 =	vld [tilespmem:$0xE70];
	v44 =	vmul.u32 $0x60, v33;
	v43 =	vadd.s32 v30, v38;
	[tilespmem:$0x1610] =	vst v40  }
0x15b: {  	v47 =	vmul.u32 $0x60, v35;
	v46 =	vadd.s32 v32, v41;
	[tilespmem:$0x1620] =	vst v43  }
0x15c: {  	v49 =	vmul.u32 $0x60, v37;
	v48 =	vadd.s32 v34, v44;
	[tilespmem:$0x1630] =	vst v46  }
0x15d: {  	v51 =	vmul.u32 $0x60, v39;
	v50 =	vadd.s32 v36, v47;
	[tilespmem:$0x1640] =	vst v48  }
0x15e: {  	v52 =	vadd.s32 v42, v49;
	[tilespmem:$0x1650] =	vst v50  }
0x15f: {  	v53 =	vadd.s32 v45, v51;
	[tilespmem:$0x1660] =	vst v52  }
0x160: {  	[tilespmem:$0x1670] =	vst v53  }
0x161: {  	[tilespmem:s22], [sflag:$0x1] =	stream.indirect.gather [spmem:s1], $0x80, s21, s20, $0xb8;
	[tilespmem:$0x9700] =	vst v63  }
0x162: {  	_ =	swait.ge [sflag:s28], $0x4000  }
0x163: {  	[sflag:s28] =	ssyncset.done $0x0  }
0x164: {  	[sflag:s28] =	ssyncadd.s32 $0xFFFFC000  }
0x165: {  	[hbm4b:s11+s2] =	stream.linear.scatter [tilespmem:s24], [sflag:$0x4], $0x4000, $0x38;
	[tilespmem:$0x9700] =	vst v63  }
0x166: {  	_ =	swait.ge [sflag:s29], $0x4000  }
0x167: {  	[sflag:s29] =	ssyncset.done $0x0  }
0x168: {  	[sflag:s29] =	ssyncadd.s32 $0xFFFFC000  }
0x169: {  	v54 =	vld [tilespmem:$0x1500]  }
0x16a: {  	v55 =	vld [tilespmem:$0xE80]  }
0x16b: {  	v56 =	vld [tilespmem:$0x1510]  }
0x16c: {  	v57 =	vld [tilespmem:$0xE90]  }
0x16d: {  	v58 =	vld [tilespmem:$0x1520]  }
0x16e: {  	v59 =	vld [tilespmem:$0xEA0]  }
0x16f: {  	v60 =	vld [tilespmem:$0x1530]  }
0x170: {  	v61 =	vld [tilespmem:$0xEB0]  }
0x171: {  	v62 =	vld [tilespmem:$0x1540]  }
0x172: {  	v63 =	vld [tilespmem:$0xEC0]  }
0x173: {  	v16 =	vld [tilespmem:$0x1550]  }
0x174: {  	v17 =	vld [tilespmem:$0xED0];
	v0 =	vmul.u32 $0x60, v54  }
0x175: {  	v18 =	vld [tilespmem:$0x1560];
	v2 =	vmul.u32 $0x60, v56  }
0x176: {  	v20 =	vld [tilespmem:$0x1570];
	v19 =	vmul.u32 $0x60, v58;
	v0 =	vadd.s32 v55, v0  }
0x177: {  	v23 =	vld [tilespmem:$0xEE0];
	v22 =	vmul.u32 $0x60, v60;
	v21 =	vadd.s32 v57, v2;
	[tilespmem:$0x1680] =	vst v0  }
0x178: {  	v26 =	vld [tilespmem:$0xEF0];
	v25 =	vmul.u32 $0x60, v62;
	v24 =	vadd.s32 v59, v19;
	[tilespmem:$0x1690] =	vst v21  }
0x179: {  	v28 =	vmul.u32 $0x60, v16;
	v27 =	vadd.s32 v61, v22;
	[tilespmem:$0x16A0] =	vst v24  }
0x17a: {  	v30 =	vmul.u32 $0x60, v18;
	v29 =	vadd.s32 v63, v25;
	[tilespmem:$0x16B0] =	vst v27  }
0x17b: {  	v32 =	vmul.u32 $0x60, v20;
	v31 =	vadd.s32 v17, v28;
	[tilespmem:$0x16C0] =	vst v29  }
0x17c: {  	v33 =	vadd.s32 v23, v30;
	[tilespmem:$0x16D0] =	vst v31  }
0x17d: {  	v34 =	vadd.s32 v26, v32;
	[tilespmem:$0x16E0] =	vst v33  }
0x17e: {  	[tilespmem:$0x16F0] =	vst v34  }
0x17f: {  	[tilespmem:s24], [sflag:$0x2] =	stream.indirect.gather [spmem:s1], $0x80, s23, s20, $0xb8;
	[tilespmem:$0x9700] =	vst v63  }
0x180: {  	_ =	swait.ge [sflag:s25], $0x4000  }
0x181: {  	[sflag:s25] =	ssyncset.done $0x0  }
0x182: {  	[sflag:s25] =	ssyncadd.s32 $0xFFFFC000  }
0x183: {  	[hbm4b:s12+s2] =	stream.linear.scatter [tilespmem:s22], [sflag:$0x3], $0x4000, $0x38;
	[tilespmem:$0x9700] =	vst v63  }
0x184: {  	_ =	swait.ge [sflag:s26], $0x4000  }
0x185: {  	[sflag:s26] =	ssyncset.done $0x0  }
0x186: {  	[sflag:s26] =	ssyncadd.s32 $0xFFFFC000  }
0x187: {  	v35 =	vld [tilespmem:$0x1580]  }
0x188: {  	v36 =	vld [tilespmem:$0xF00]  }
0x189: {  	v37 =	vld [tilespmem:$0x1590]  }
0x18a: {  	v38 =	vld [tilespmem:$0xF10]  }
0x18b: {  	v39 =	vld [tilespmem:$0x15A0]  }
0x18c: {  	v40 =	vld [tilespmem:$0xF20]  }
0x18d: {  	v41 =	vld [tilespmem:$0x15B0]  }
0x18e: {  	v42 =	vld [tilespmem:$0xF30]  }
0x18f: {  	v43 =	vld [tilespmem:$0x15C0]  }
0x190: {  	v44 =	vld [tilespmem:$0xF40]  }
0x191: {  	v45 =	vld [tilespmem:$0x15D0]  }
0x192: {  	v46 =	vld [tilespmem:$0xF50];
	v0 =	vmul.u32 $0x60, v35  }
0x193: {  	v47 =	vld [tilespmem:$0x15E0];
	v2 =	vmul.u32 $0x60, v37  }
0x194: {  	v49 =	vld [tilespmem:$0x15F0];
	v48 =	vmul.u32 $0x60, v39;
	v0 =	vadd.s32 v36, v0  }
0x195: {  	v52 =	vld [tilespmem:$0xF60];
	v51 =	vmul.u32 $0x60, v41;
	v50 =	vadd.s32 v38, v2;
	[tilespmem:$0x1600] =	vst v0  }
0x196: {  	v55 =	vld [tilespmem:$0xF70];
	v54 =	vmul.u32 $0x60, v43;
	v53 =	vadd.s32 v40, v48;
	[tilespmem:$0x1610] =	vst v50  }
0x197: {  	v57 =	vmul.u32 $0x60, v45;
	v56 =	vadd.s32 v42, v51;
	[tilespmem:$0x1620] =	vst v53  }
0x198: {  	v59 =	vmul.u32 $0x60, v47;
	v58 =	vadd.s32 v44, v54;
	[tilespmem:$0x1630] =	vst v56  }
0x199: {  	v61 =	vmul.u32 $0x60, v49;
	v60 =	vadd.s32 v46, v57;
	[tilespmem:$0x1640] =	vst v58  }
0x19a: {  	v62 =	vadd.s32 v52, v59;
	[tilespmem:$0x1650] =	vst v60  }
0x19b: {  	v63 =	vadd.s32 v55, v61;
	[tilespmem:$0x1660] =	vst v62  }
0x19c: {  	[tilespmem:$0x1670] =	vst v63  }
0x19d: {  	[tilespmem:s22], [sflag:$0x1] =	stream.indirect.gather [spmem:s1], $0x80, s21, s20, $0xb8;
	[tilespmem:$0x9700] =	vst v63  }
0x19e: {  	_ =	swait.ge [sflag:s28], $0x4000  }
0x19f: {  	[sflag:s28] =	ssyncset.done $0x0  }
0x1a0: {  	[sflag:s28] =	ssyncadd.s32 $0xFFFFC000  }
0x1a1: {  	[hbm4b:s13+s2] =	stream.linear.scatter [tilespmem:s24], [sflag:$0x4], $0x4000, $0x38;
	[tilespmem:$0x9700] =	vst v63  }
0x1a2: {  	_ =	swait.ge [sflag:s25], $0x4000  }
0x1a3: {  	[sflag:s25] =	ssyncset.done $0x0  }
0x1a4: {  	s15 =	sadd.s32 $0xFFFFFFFF, s15;
	[sflag:s25] =	ssyncadd.s32 $0xFFFFC000  }
0x1a5: {  	[hbm4b:s14+s2] =	stream.linear.scatter [tilespmem:s22], [sflag:$0x3], $0x4000, $0x38;
	[tilespmem:$0x9700] =	vst v63  }
0x1a6: {  	p1 =	sne.s32 s15, $0x0;
	_ =	swait.ge [sflag:s29], $0x4000  }
.Ltmp0:
0x1a7: {  	[sflag:s29] =	ssyncset.done $0x0;
	(pc) =	sbr.rel @p1 .LBB2_1-.Ltmp0, $4  }
0x1a8: {  	[sflag:s29] =	ssyncadd.s32 $0xFFFFC000  }
0x1a9: {  	_ =	swait.ge [sflag:s26], $0x4000  }
0x1aa: {  	[sflag:s26] =	ssyncset.done $0x0  }
0x1ab: {  	[sflag:s26] =	ssyncadd.s32 $0xFFFFC000  }
0x1ac: {  	_ =	sfence.sel $0x180000  }
0x1ad: {  	[bflag:$0x0] =	sbarrier.arrive $0xFFFF  }
0x1ae: {  	_ =	strace $0x90000047  }
0x1af: {  	s0 =	sadd.s32 @!p0 $0x100000, s0;
	[bflag:$0x2] =	sbarrier.arrive $0xFFFF  }
0x1b0: {  	[sflag:s0] =	ssyncadd.tile.s32 @!p0 $0x1;
	_ =	shalt  }
.Lfunc_end2:
_tile_overlayer_lowered:
.L_overlay_start_2:
0x1b1: {  	(tag) =	ssettag $0x2  }
0x1b2: {  	s0 =	rddreg [dreg:$0x0];
	s2 =	stileid.u32  }
0x1b3: {  	s1 =	rddreg [dreg:$0x1];
	p0 =	sne.s32 s2, $0x0  }
0x1b4: {  	s3 =	rddreg [dreg:$0x2];
	[bflag:$0x3] =	sbarrier.arrive $0xFFFF;
	s2 =	simm.s32 @!p0 $0x1C05  }
0x1b5: {  	[timem:s3], [sflag:s2] =	dma.local @!p0 [hbm:s0], s1  }
0x1b6: {  	s0 =	simm.s32 @!p0 $0x5  }
0x1b7: {  	_ =	swait.ge @!p0 [sflag:s0], s1  }
0x1b8: {  	s1 =	ssub.s32 @!p0 $0x0, s1;
	[sflag:s0] =	ssyncset.done @!p0 $0x0  }
0x1b9: {  	[sflag:s0] =	ssyncadd.s32 @!p0 s1  }
0x1ba: {  	[bflag:$0x3] =	sbarrier.arrive $0xFFFF  }
0x1bb: {  	_ =	shalt  }

</sc_bundles>
